<compile_context>
chip_gen: v7x
topology: tpu7x:2x2x1
jax: 0.10.2.dev20260603
libtpu: 0.0.44.dev20260713+nightly
codegen_flags: <defaults>
</compile_context>

<pallas_src>
import functools

import jax
import jax.numpy as jnp
from jax import lax
from jax.experimental import pallas as pl
from jax.experimental.pallas import tpu as pltpu
from jax.experimental.pallas import tpu_sc as plsc

K = 20
EPS = 1e-5
_NEG = -1e30
_NW = 32
_CH = 8
_XP = 128


def _tc_knn(xt, xs):
    B, N, Cin = xt.shape
    R = 256

    def body(xt_tile_ref, xs_full_ref, idx_ref):
        b = pl.program_id(0)
        xt_t = xt_tile_ref[0]
        xsf = xs_full_ref[0]
        dot = lax.dot_general(xt_t, xsf, (((1,), (0,)), ((), ())),
                              preferred_element_type=jnp.float32)
        xxl = jnp.sum(xsf * xsf, axis=0, keepdims=True)
        d = 2.0 * dot - xxl
        lane = lax.broadcasted_iota(jnp.int32, (R, N), 1)
        cols = []
        for _ in range(K):
            m = jnp.max(d, axis=1, keepdims=True)
            cand = jnp.where(d == m, lane, N)
            am = jnp.min(cand, axis=1, keepdims=True)
            cols.append(am)
            d = jnp.where(cand == am, _NEG, d)
        idx_ref[0] = jnp.concatenate(cols, axis=1) + b * N

    return pl.pallas_call(
        body,
        grid=(B, N // R),
        in_specs=[
            pl.BlockSpec((1, R, Cin), lambda b, i: (b, i, 0)),
            pl.BlockSpec((1, Cin, N), lambda b, i: (b, 0, 0)),
        ],
        out_specs=pl.BlockSpec((1, R, K), lambda b, i: (b, i, 0)),
        out_shape=jax.ShapeDtypeStruct((B, N, K), jnp.int32),
    )(xt, xs)


def _sc_gather(xp2, idxf):
    BN = xp2.shape[0]
    PW = BN // _NW
    NCH = PW // _CH
    HK = _CH * K // 2
    mesh = plsc.VectorSubcoreMesh(core_axis_name="c", subcore_axis_name="s")

    @functools.partial(
        pl.kernel, mesh=mesh,
        out_type=jax.ShapeDtypeStruct((BN * K, _XP), jnp.float32),
        scratch_types=[
            pltpu.VMEM((PW * K,), jnp.int32),
            pltpu.VMEM((_CH * K, _XP), jnp.float32),
            pltpu.SemaphoreType.DMA,
        ],
    )
    def sc_kernel(xp_hbm, idx_hbm, feat_hbm, idx_v, rows_v, sem):
        wid = lax.axis_index("s") * 2 + lax.axis_index("c")
        pbase = wid * PW
        pltpu.sync_copy(idx_hbm.at[pl.ds(pbase * K, PW * K)], idx_v)

        def chunk_body(c, carry):
            gbase = pbase + c * _CH
            cp1 = pltpu.async_copy(
                xp_hbm.at[idx_v.at[pl.ds(c * (_CH * K), HK)]],
                rows_v.at[pl.ds(0, HK)], sem)
            cp2 = pltpu.async_copy(
                xp_hbm.at[idx_v.at[pl.ds(c * (_CH * K) + HK, HK)]],
                rows_v.at[pl.ds(HK, HK)], sem)
            cp1.wait()
            cp2.wait()
            pltpu.sync_copy(rows_v,
                            feat_hbm.at[pl.ds(gbase * K, _CH * K)])
            return carry

        lax.fori_loop(0, NCH, chunk_body, 0)

    return sc_kernel(xp2, idxf)


def _tc_conv_reduce(feat, xp2, xsh, Wp, C, Cout, FW):
    KBN = feat.shape[0]
    BN = KBN // K
    PT = 32
    RN = PT * K

    def body(feat_ref, xc_ref, xsh_ref, w_ref, mx_ref, mn_ref, ps1_ref,
             ps2_ref):
        i = pl.program_id(0)
        f = feat_ref[...]
        xcb = jnp.broadcast_to(xc_ref[...][:, None, :],
                               (PT, K, _XP)).reshape(RN, _XP)
        if 2 * C <= _XP:
            shb = jnp.broadcast_to(xsh_ref[...][:, None, :],
                                   (PT, K, _XP)).reshape(RN, _XP)
            lane = lax.broadcasted_iota(jnp.int32, (RN, _XP), 1)
            e = jnp.where(lane < C, f - xcb, shb)
        else:
            e = jnp.concatenate([f - xcb, xcb], axis=1)
        y = lax.dot_general(e, w_ref[...], (((1,), (1,)), ((), ())),
                            preferred_element_type=jnp.float32)
        t = y.reshape(PT, K, Cout)
        mx_ref[...] = jnp.max(t, axis=1)
        mn_ref[...] = jnp.min(t, axis=1)
        p1 = jnp.sum(t, axis=(0, 1), keepdims=False).reshape(1, Cout)
        p2 = jnp.sum(t * t, axis=(0, 1), keepdims=False).reshape(1, Cout)

        @pl.when(i == 0)
        def _():
            ps1_ref[...] = p1
            ps2_ref[...] = p2

        @pl.when(i > 0)
        def _():
            ps1_ref[...] = ps1_ref[...] + p1
            ps2_ref[...] = ps2_ref[...] + p2

    return pl.pallas_call(
        body,
        grid=(BN // PT,),
        in_specs=[
            pl.BlockSpec((RN, _XP), lambda i: (i, 0)),
            pl.BlockSpec((PT, _XP), lambda i: (i, 0)),
            pl.BlockSpec((PT, _XP), lambda i: (i, 0)),
            pl.BlockSpec((Cout, FW), lambda i: (0, 0)),
        ],
        out_specs=[
            pl.BlockSpec((PT, Cout), lambda i: (i, 0)),
            pl.BlockSpec((PT, Cout), lambda i: (i, 0)),
            pl.BlockSpec((1, Cout), lambda i: (0, 0)),
            pl.BlockSpec((1, Cout), lambda i: (0, 0)),
        ],
        out_shape=[
            jax.ShapeDtypeStruct((BN, Cout), jnp.float32),
            jax.ShapeDtypeStruct((BN, Cout), jnp.float32),
            jax.ShapeDtypeStruct((1, Cout), jnp.float32),
            jax.ShapeDtypeStruct((1, Cout), jnp.float32),
        ],
    )(feat, xp2, xsh, Wp)


def _tc_finalize(mx2, mn2, ps1, ps2, g, bvec, count):
    BN, Cout = mx2.shape
    RC = 1024
    g2 = g.reshape(1, Cout)
    b2 = bvec.reshape(1, Cout)

    def body(mx_ref, mn_ref, ps1_ref, ps2_ref, g_ref, b_ref, o_ref):
        s1 = ps1_ref[...]
        s2 = ps2_ref[...]
        mean = s1 / count
        var = s2 / count - mean * mean
        scale = g_ref[...] * lax.rsqrt(var + EPS)
        bias = b_ref[...] - mean * scale
        M = jnp.where(scale >= 0, mx_ref[...], mn_ref[...])
        z = M * scale + bias
        o_ref[...] = jnp.where(z >= 0, z, 0.2 * z)

    return pl.pallas_call(
        body,
        grid=(BN // RC,),
        in_specs=[
            pl.BlockSpec((RC, Cout), lambda i: (i, 0)),
            pl.BlockSpec((RC, Cout), lambda i: (i, 0)),
            pl.BlockSpec((1, Cout), lambda i: (0, 0)),
            pl.BlockSpec((1, Cout), lambda i: (0, 0)),
            pl.BlockSpec((1, Cout), lambda i: (0, 0)),
            pl.BlockSpec((1, Cout), lambda i: (0, 0)),
        ],
        out_specs=pl.BlockSpec((RC, Cout), lambda i: (i, 0)),
        out_shape=jax.ShapeDtypeStruct((BN, Cout), jnp.float32),
    )(mx2, mn2, ps1, ps2, g2, b2)


def _block_fast(xt, W, g, bvec):
    B, N, Cin = xt.shape
    Cout = W.shape[0]
    BN = B * N
    xs = jnp.swapaxes(xt, 1, 2)
    idx = _tc_knn(xt, xs)
    idxf = idx.reshape(BN * K)
    x2 = xt.reshape(BN, Cin)
    C2 = 2 * Cin
    FW = max(C2, _XP)
    xp2 = jnp.zeros((BN, _XP), jnp.float32).at[:, :Cin].set(x2)
    if C2 <= _XP:
        xsh = jnp.zeros((BN, _XP), jnp.float32).at[:, Cin:C2].set(x2)
    else:
        xsh = xp2
    feat = _sc_gather(xp2, idxf)
    Wp = jnp.zeros((Cout, FW), jnp.float32).at[:, :C2].set(W)
    mx2, mn2, ps1, ps2 = _tc_conv_reduce(feat, xp2, xsh, Wp, Cin, Cout, FW)
    out2 = _tc_finalize(mx2, mn2, ps1, ps2, g, bvec, float(BN * K))
    return out2.reshape(B, N, Cout)


def kernel(x, W1, g1, b1, W2, g2, b2, W3, g3, b3, W4, g4, b4):
    h = x
    h = _block_fast(h, W1, g1, b1)
    h = _block_fast(h, W2, g2, b2)
    h = _block_fast(h, W3, g3, b3)
    h = _block_fast(h, W4, g4, b4)
    return h

# --- scband reference (transcript-rebuilt; emitter-appended) ---
"""Pipeline reference for scband-dgcnnfeature-space-52965536694408 (READ-ONLY COPY).

The authoritative reference and input builder live on the scoring server;
editing this copy changes nothing except your own understanding.
"""

import jax, jax.numpy as jnp
import numpy as np

K = 20
EPS = 1e-5

def knn(x, k):
    # x: [B, C, N]
    inner = -2.0 * jnp.matmul(jnp.swapaxes(x, 2, 1), x)
    xx = jnp.sum(x ** 2, axis=1, keepdims=True)
    pairwise_distance = -xx - inner - jnp.swapaxes(xx, 2, 1)
    idx = jax.lax.top_k(pairwise_distance, k)[1]  # [B, N, k]
    return idx

def get_graph_feature(x, k):
    # x: [B, C, N]
    B, C, N = x.shape
    idx = knn(x, k)  # [B, N, k]
    xt = jnp.swapaxes(x, 2, 1)  # [B, N, C]
    b_idx = jnp.arange(B)[:, None, None]
    feature = xt[b_idx, idx]  # gather -> [B, N, k, C]
    xc = jnp.broadcast_to(xt[:, :, None, :], (B, N, k, C))
    feature = jnp.concatenate((feature - xc, xc), axis=3)  # [B, N, k, 2C]
    return jnp.transpose(feature, (0, 3, 1, 2))  # [B, 2C, N, k]

def batchnorm2d(y, g, b):
    # training-mode BN over (B, N, k) per channel, biased variance (torch semantics)
    mean = jnp.mean(y, axis=(0, 2, 3), keepdims=True)
    var = jnp.var(y, axis=(0, 2, 3), keepdims=True)
    yhat = (y - mean) / jnp.sqrt(var + EPS)
    return yhat * g[None, :, None, None] + b[None, :, None, None]

def block(x, W, g, b, k):
    feat = get_graph_feature(x, k)            # [B, 2C, N, k]
    y = jnp.einsum('oc,bcnk->bonk', W, feat)  # 1x1 conv, no bias
    y = batchnorm2d(y, g, b)
    y = jnp.where(y >= 0, y, 0.2 * y)         # LeakyReLU(0.2)
    return jnp.max(y, axis=-1)                # [B, C_out, N]

def setup_inputs(seed: int = 0) -> dict:
    key = jax.random.key(seed)
    ks = jax.random.split(key, 8)
    x = jax.random.normal(ks[0], (8, 2048, 3), dtype=jnp.float32)
    def w(k_, o, i):
        return jax.random.normal(k_, (o, i), dtype=jnp.float32) * (2.0 / i) ** 0.5
    return {
        'x': x,
        'W1': w(ks[1], 64, 6),    'g1': jnp.ones(64, jnp.float32),  'b1': jnp.zeros(64, jnp.float32),
        'W2': w(ks[2], 64, 128),  'g2': jnp.ones(64, jnp.float32),  'b2': jnp.zeros(64, jnp.float32),
        'W3': w(ks[3], 128, 128), 'g3': jnp.ones(128, jnp.float32), 'b3': jnp.zeros(128, jnp.float32),
        'W4': w(ks[4], 256, 256), 'g4': jnp.ones(256, jnp.float32), 'b4': jnp.zeros(256, jnp.float32),
    }

def reference(x, W1, g1, b1, W2, g2, b2, W3, g3, b3, W4, g4, b4):
    xt = jnp.swapaxes(x, 1, 2)  # [B, 3, N]
    x1 = block(xt, W1, g1, b1, K)
    x2 = block(x1, W2, g2, b2, K)
    x3 = block(x2, W3, g3, b3, K)
    x4 = block(x3, W4, g4, b4, K)
    return jnp.swapaxes(x4, 1, 2)  # [B, N, 256]

if __name__ == "__main__":
    import jax
    _d = setup_inputs()
    print(jax.jit(kernel)(*tuple(_d.values())))

</pallas_src>

<mosaic_0001>
#map = affine_map<(d0, d1) -> (0, 0)>
#map1 = affine_map<(d0, d1) -> (0)>
module attributes {stable_mosaic.version = 14 : i64} {
  func.func @sc_kernel(%arg0: i32, %arg1: i32, %arg2: memref<16384x128xf32, #tpu.memory_space<hbm>>, %arg3: memref<327680xi32, #tpu.memory_space<hbm>>, %arg4: memref<327680x128xf32, #tpu.memory_space<hbm>>, %arg5: memref<10240xi32, #tpu.memory_space<vmem>>, %arg6: memref<160x128xf32, #tpu.memory_space<vmem>>, %arg7: memref<!tpu.dma_semaphore, #tpu.memory_space<semaphore_mem>>) attributes {dimension_semantics = [#tpu.dimension_semantics<core_parallel>, #tpu.dimension_semantics<subcore_parallel>], iteration_bounds = array<i64: 2, 16>, scalar_prefetch = 0 : i64, scratch_operands = 3 : i64, tpu.core_type = #tpu.core_type<sc_vector_subcore>, window_params = [{transform_indices = #map}, {transform_indices = #map1}, {transform_indices = #map}]} {
    %mul3A = arith.constant 2 : i32
    %mul3A_0 = arith.muli %arg1, %mul3A : i32
    %add3A = arith.addi %mul3A_0, %arg0 : i32
    %mul3A_1 = arith.constant 512 : i32
    %mul3A_2 = arith.muli %add3A, %mul3A_1 : i32
    %mul3A_3 = arith.constant 20 : i32
    %mul3A_4 = arith.muli %mul3A_2, %mul3A_3 : i32
    "tpu.region"() ({
      %run_scoped3A = tpu.sem_alloc : memref<!tpu.dma_semaphore, #tpu.memory_space<semaphore_mem>>
      %dma_start3A = tpu.memref_slice %arg3[%mul3A_4] : memref<327680xi32, #tpu.memory_space<hbm>> -> memref<10240xi32, #tpu.memory_space<hbm>>
      %dma_start3A_10 = tpu.memref_slice %arg3[%mul3A_4] : memref<327680xi32, #tpu.memory_space<hbm>> -> memref<10240xi32, #tpu.memory_space<hbm>>
      tpu.enqueue_dma source(%dma_start3A_10 : memref<10240xi32, #tpu.memory_space<hbm>>) target(%arg5 : memref<10240xi32, #tpu.memory_space<vmem>>) target_semaphore(%run_scoped3A : memref<!tpu.dma_semaphore, #tpu.memory_space<semaphore_mem>>)
      %dma_wait3A = tpu.memref_slice %arg3[%mul3A_4] : memref<327680xi32, #tpu.memory_space<hbm>> -> memref<10240xi32, #tpu.memory_space<hbm>>
      %dma_wait3A_11 = tpu.memref_slice %arg3[%mul3A_4] : memref<327680xi32, #tpu.memory_space<hbm>> -> memref<10240xi32, #tpu.memory_space<hbm>>
      tpu.wait_dma2 semaphore(%run_scoped3A : memref<!tpu.dma_semaphore, #tpu.memory_space<semaphore_mem>>) src(%dma_wait3A_11 : memref<10240xi32, #tpu.memory_space<hbm>>) dst(%arg5 : memref<10240xi32, #tpu.memory_space<vmem>>)
      tpu.yield
    }) : () -> ()
    %scan3A = arith.constant 0 : i32
    %scan3A_5 = arith.constant 0 : i32
    %scan3A_6 = arith.constant 64 : i32
    %scan3A_7 = arith.addi %scan3A_5, %scan3A_6 : i32
    %scan3A_8 = arith.constant 1 : i32
    scf.for %scan3A_10 = %scan3A_5 to %scan3A_7 step %scan3A_8  : i32 {
      %mul3A_11 = arith.constant 8 : i32
      %mul3A_12 = arith.muli %scan3A_10, %mul3A_11 : i32
      %add3A_13 = arith.addi %mul3A_2, %mul3A_12 : i32
      %mul3A_14 = arith.constant 160 : i32
      %mul3A_15 = arith.muli %scan3A_10, %mul3A_14 : i32
      %dma_start3A = arith.constant 0 : i32
      %dma_start3A_16 = arith.constant 0 : i32
      %dma_start3A_17 = tpu.memref_slice %arg6[%dma_start3A, %dma_start3A_16] : memref<160x128xf32, #tpu.memory_space<vmem>> -> memref<80x128xf32, #tpu.memory_space<vmem>>
      %dma_start3A_18 = tpu.memref_slice %arg5[%mul3A_15] : memref<10240xi32, #tpu.memory_space<vmem>> -> memref<80xi32, #tpu.memory_space<vmem>>
      %dma_start3A_19 = arith.constant 0 : i32
      %dma_start3A_20 = arith.constant 0 : i32
      %dma_start3A_21 = tpu.memref_slice %arg2[%dma_start3A_19, %dma_start3A_20] : memref<16384x128xf32, #tpu.memory_space<hbm>> -> memref<16384x128xf32, #tpu.memory_space<hbm>>
      tpu.enqueue_indirect_dma source(%dma_start3A_21 : memref<16384x128xf32, #tpu.memory_space<hbm>>) target(%dma_start3A_17 : memref<80x128xf32, #tpu.memory_space<vmem>>) offsets(%dma_start3A_18 : memref<80xi32, #tpu.memory_space<vmem>>) semaphore(%arg7 : memref<!tpu.dma_semaphore, #tpu.memory_space<semaphore_mem>>)
      %mul3A_22 = arith.constant 160 : i32
      %mul3A_23 = arith.muli %scan3A_10, %mul3A_22 : i32
      %add3A_24 = arith.constant 80 : i32
      %add3A_25 = arith.addi %mul3A_23, %add3A_24 : i32
      %dma_start3A_26 = arith.constant 80 : i32
      %dma_start3A_27 = arith.constant 0 : i32
      %dma_start3A_28 = tpu.memref_slice %arg6[%dma_start3A_26, %dma_start3A_27] : memref<160x128xf32, #tpu.memory_space<vmem>> -> memref<80x128xf32, #tpu.memory_space<vmem>>
      %dma_start3A_29 = tpu.memref_slice %arg5[%add3A_25] : memref<10240xi32, #tpu.memory_space<vmem>> -> memref<80xi32, #tpu.memory_space<vmem>>
      %dma_start3A_30 = arith.constant 0 : i32
      %dma_start3A_31 = arith.constant 0 : i32
      %dma_start3A_32 = tpu.memref_slice %arg2[%dma_start3A_30, %dma_start3A_31] : memref<16384x128xf32, #tpu.memory_space<hbm>> -> memref<16384x128xf32, #tpu.memory_space<hbm>>
      tpu.enqueue_indirect_dma source(%dma_start3A_32 : memref<16384x128xf32, #tpu.memory_space<hbm>>) target(%dma_start3A_28 : memref<80x128xf32, #tpu.memory_space<vmem>>) offsets(%dma_start3A_29 : memref<80xi32, #tpu.memory_space<vmem>>) semaphore(%arg7 : memref<!tpu.dma_semaphore, #tpu.memory_space<semaphore_mem>>)
      %dma_wait3A = arith.constant 0 : i32
      %dma_wait3A_33 = arith.constant 0 : i32
      %dma_wait3A_34 = tpu.memref_slice %arg6[%dma_wait3A, %dma_wait3A_33] : memref<160x128xf32, #tpu.memory_space<vmem>> -> memref<80x128xf32, #tpu.memory_space<vmem>>
      %dma_wait3A_35 = tpu.memref_slice %arg5[%mul3A_15] : memref<10240xi32, #tpu.memory_space<vmem>> -> memref<80xi32, #tpu.memory_space<vmem>>
      %dma_wait3A_36 = arith.constant 0 : i32
      %dma_wait3A_37 = arith.constant 0 : i32
      %dma_wait3A_38 = tpu.memref_slice %arg2[%dma_wait3A_36, %dma_wait3A_37] : memref<16384x128xf32, #tpu.memory_space<hbm>> -> memref<16384x128xf32, #tpu.memory_space<hbm>>
      tpu.wait_indirect_dma semaphore(%arg7 : memref<!tpu.dma_semaphore, #tpu.memory_space<semaphore_mem>>) src(%dma_wait3A_38 : memref<16384x128xf32, #tpu.memory_space<hbm>>) dst(%dma_wait3A_34 : memref<80x128xf32, #tpu.memory_space<vmem>>)
      %dma_wait3A_39 = arith.constant 80 : i32
      %dma_wait3A_40 = arith.constant 0 : i32
      %dma_wait3A_41 = tpu.memref_slice %arg6[%dma_wait3A_39, %dma_wait3A_40] : memref<160x128xf32, #tpu.memory_space<vmem>> -> memref<80x128xf32, #tpu.memory_space<vmem>>
      %dma_wait3A_42 = tpu.memref_slice %arg5[%add3A_25] : memref<10240xi32, #tpu.memory_space<vmem>> -> memref<80xi32, #tpu.memory_space<vmem>>
      %dma_wait3A_43 = arith.constant 0 : i32
      %dma_wait3A_44 = arith.constant 0 : i32
      %dma_wait3A_45 = tpu.memref_slice %arg2[%dma_wait3A_43, %dma_wait3A_44] : memref<16384x128xf32, #tpu.memory_space<hbm>> -> memref<16384x128xf32, #tpu.memory_space<hbm>>
      tpu.wait_indirect_dma semaphore(%arg7 : memref<!tpu.dma_semaphore, #tpu.memory_space<semaphore_mem>>) src(%dma_wait3A_45 : memref<16384x128xf32, #tpu.memory_space<hbm>>) dst(%dma_wait3A_41 : memref<80x128xf32, #tpu.memory_space<vmem>>)
      %mul3A_46 = arith.constant 20 : i32
      %mul3A_47 = arith.muli %add3A_13, %mul3A_46 : i32
      "tpu.region"() ({
        %run_scoped3A = tpu.sem_alloc : memref<!tpu.dma_semaphore, #tpu.memory_space<semaphore_mem>>
        %dma_start3A_48 = arith.constant 0 : i32
        %dma_start3A_49 = tpu.memref_slice %arg4[%mul3A_47, %dma_start3A_48] : memref<327680x128xf32, #tpu.memory_space<hbm>> -> memref<160x128xf32, #tpu.memory_space<hbm>>
        %dma_start3A_50 = arith.constant 0 : i32
        %dma_start3A_51 = tpu.memref_slice %arg4[%mul3A_47, %dma_start3A_50] : memref<327680x128xf32, #tpu.memory_space<hbm>> -> memref<160x128xf32, #tpu.memory_space<hbm>>
        tpu.enqueue_dma source(%arg6 : memref<160x128xf32, #tpu.memory_space<vmem>>) target(%dma_start3A_51 : memref<160x128xf32, #tpu.memory_space<hbm>>) target_semaphore(%run_scoped3A : memref<!tpu.dma_semaphore, #tpu.memory_space<semaphore_mem>>)
        %dma_wait3A_52 = arith.constant 0 : i32
        %dma_wait3A_53 = tpu.memref_slice %arg4[%mul3A_47, %dma_wait3A_52] : memref<327680x128xf32, #tpu.memory_space<hbm>> -> memref<160x128xf32, #tpu.memory_space<hbm>>
        %dma_wait3A_54 = arith.constant 0 : i32
        %dma_wait3A_55 = tpu.memref_slice %arg4[%mul3A_47, %dma_wait3A_54] : memref<327680x128xf32, #tpu.memory_space<hbm>> -> memref<160x128xf32, #tpu.memory_space<hbm>>
        tpu.wait_dma2 semaphore(%run_scoped3A : memref<!tpu.dma_semaphore, #tpu.memory_space<semaphore_mem>>) src(%arg6 : memref<160x128xf32, #tpu.memory_space<vmem>>) dst(%dma_wait3A_55 : memref<160x128xf32, #tpu.memory_space<hbm>>)
        tpu.yield
      }) : () -> ()
    }
    %scan3A_9 = arith.constant 64 : i32
    return
  }
}

#map = affine_map<(d0, d1) -> (0, 0)>
#map1 = affine_map<(d0, d1) -> (0)>
module attributes {stable_mosaic.version = 14 : i64} {
  func.func @sc_kernel(%arg0: i32, %arg1: i32, %arg2: memref<16384x128xf32, #tpu.memory_space<hbm>>, %arg3: memref<327680xi32, #tpu.memory_space<hbm>>, %arg4: memref<327680x128xf32, #tpu.memory_space<hbm>>, %arg5: memref<10240xi32, #tpu.memory_space<vmem>>, %arg6: memref<160x128xf32, #tpu.memory_space<vmem>>, %arg7: memref<!tpu.dma_semaphore, #tpu.memory_space<semaphore_mem>>) attributes {dimension_semantics = [#tpu.dimension_semantics<core_parallel>, #tpu.dimension_semantics<subcore_parallel>], iteration_bounds = array<i64: 2, 16>, scalar_prefetch = 0 : i64, scratch_operands = 3 : i64, tpu.core_type = #tpu.core_type<sc_vector_subcore>, window_params = [{transform_indices = #map}, {transform_indices = #map1}, {transform_indices = #map}]} {
    %mul3A = arith.constant 2 : i32
    %mul3A_0 = arith.muli %arg1, %mul3A : i32
    %add3A = arith.addi %mul3A_0, %arg0 : i32
    %mul3A_1 = arith.constant 512 : i32
    %mul3A_2 = arith.muli %add3A, %mul3A_1 : i32
    %mul3A_3 = arith.constant 20 : i32
    %mul3A_4 = arith.muli %mul3A_2, %mul3A_3 : i32
    "tpu.region"() ({
      %run_scoped3A = tpu.sem_alloc : memref<!tpu.dma_semaphore, #tpu.memory_space<semaphore_mem>>
      %dma_start3A = tpu.memref_slice %arg3[%mul3A_4] : memref<327680xi32, #tpu.memory_space<hbm>> -> memref<10240xi32, #tpu.memory_space<hbm>>
      %dma_start3A_10 = tpu.memref_slice %arg3[%mul3A_4] : memref<327680xi32, #tpu.memory_space<hbm>> -> memref<10240xi32, #tpu.memory_space<hbm>>
      tpu.enqueue_dma source(%dma_start3A_10 : memref<10240xi32, #tpu.memory_space<hbm>>) target(%arg5 : memref<10240xi32, #tpu.memory_space<vmem>>) target_semaphore(%run_scoped3A : memref<!tpu.dma_semaphore, #tpu.memory_space<semaphore_mem>>)
      %dma_wait3A = tpu.memref_slice %arg3[%mul3A_4] : memref<327680xi32, #tpu.memory_space<hbm>> -> memref<10240xi32, #tpu.memory_space<hbm>>
      %dma_wait3A_11 = tpu.memref_slice %arg3[%mul3A_4] : memref<327680xi32, #tpu.memory_space<hbm>> -> memref<10240xi32, #tpu.memory_space<hbm>>
      tpu.wait_dma2 semaphore(%run_scoped3A : memref<!tpu.dma_semaphore, #tpu.memory_space<semaphore_mem>>) src(%dma_wait3A_11 : memref<10240xi32, #tpu.memory_space<hbm>>) dst(%arg5 : memref<10240xi32, #tpu.memory_space<vmem>>)
      tpu.yield
    }) : () -> ()
    %scan3A = arith.constant 0 : i32
    %scan3A_5 = arith.constant 0 : i32
    %scan3A_6 = arith.constant 64 : i32
    %scan3A_7 = arith.addi %scan3A_5, %scan3A_6 : i32
    %scan3A_8 = arith.constant 1 : i32
    scf.for %scan3A_10 = %scan3A_5 to %scan3A_7 step %scan3A_8  : i32 {
      %mul3A_11 = arith.constant 8 : i32
      %mul3A_12 = arith.muli %scan3A_10, %mul3A_11 : i32
      %add3A_13 = arith.addi %mul3A_2, %mul3A_12 : i32
      %mul3A_14 = arith.constant 160 : i32
      %mul3A_15 = arith.muli %scan3A_10, %mul3A_14 : i32
      %dma_start3A = arith.constant 0 : i32
      %dma_start3A_16 = arith.constant 0 : i32
      %dma_start3A_17 = tpu.memref_slice %arg6[%dma_start3A, %dma_start3A_16] : memref<160x128xf32, #tpu.memory_space<vmem>> -> memref<80x128xf32, #tpu.memory_space<vmem>>
      %dma_start3A_18 = tpu.memref_slice %arg5[%mul3A_15] : memref<10240xi32, #tpu.memory_space<vmem>> -> memref<80xi32, #tpu.memory_space<vmem>>
      %dma_start3A_19 = arith.constant 0 : i32
      %dma_start3A_20 = arith.constant 0 : i32
      %dma_start3A_21 = tpu.memref_slice %arg2[%dma_start3A_19, %dma_start3A_20] : memref<16384x128xf32, #tpu.memory_space<hbm>> -> memref<16384x128xf32, #tpu.memory_space<hbm>>
      tpu.enqueue_indirect_dma source(%dma_start3A_21 : memref<16384x128xf32, #tpu.memory_space<hbm>>) target(%dma_start3A_17 : memref<80x128xf32, #tpu.memory_space<vmem>>) offsets(%dma_start3A_18 : memref<80xi32, #tpu.memory_space<vmem>>) semaphore(%arg7 : memref<!tpu.dma_semaphore, #tpu.memory_space<semaphore_mem>>)
      %mul3A_22 = arith.constant 160 : i32
      %mul3A_23 = arith.muli %scan3A_10, %mul3A_22 : i32
      %add3A_24 = arith.constant 80 : i32
      %add3A_25 = arith.addi %mul3A_23, %add3A_24 : i32
      %dma_start3A_26 = arith.constant 80 : i32
      %dma_start3A_27 = arith.constant 0 : i32
      %dma_start3A_28 = tpu.memref_slice %arg6[%dma_start3A_26, %dma_start3A_27] : memref<160x128xf32, #tpu.memory_space<vmem>> -> memref<80x128xf32, #tpu.memory_space<vmem>>
      %dma_start3A_29 = tpu.memref_slice %arg5[%add3A_25] : memref<10240xi32, #tpu.memory_space<vmem>> -> memref<80xi32, #tpu.memory_space<vmem>>
      %dma_start3A_30 = arith.constant 0 : i32
      %dma_start3A_31 = arith.constant 0 : i32
      %dma_start3A_32 = tpu.memref_slice %arg2[%dma_start3A_30, %dma_start3A_31] : memref<16384x128xf32, #tpu.memory_space<hbm>> -> memref<16384x128xf32, #tpu.memory_space<hbm>>
      tpu.enqueue_indirect_dma source(%dma_start3A_32 : memref<16384x128xf32, #tpu.memory_space<hbm>>) target(%dma_start3A_28 : memref<80x128xf32, #tpu.memory_space<vmem>>) offsets(%dma_start3A_29 : memref<80xi32, #tpu.memory_space<vmem>>) semaphore(%arg7 : memref<!tpu.dma_semaphore, #tpu.memory_space<semaphore_mem>>)
      %dma_wait3A = arith.constant 0 : i32
      %dma_wait3A_33 = arith.constant 0 : i32
      %dma_wait3A_34 = tpu.memref_slice %arg6[%dma_wait3A, %dma_wait3A_33] : memref<160x128xf32, #tpu.memory_space<vmem>> -> memref<80x128xf32, #tpu.memory_space<vmem>>
      %dma_wait3A_35 = tpu.memref_slice %arg5[%mul3A_15] : memref<10240xi32, #tpu.memory_space<vmem>> -> memref<80xi32, #tpu.memory_space<vmem>>
      %dma_wait3A_36 = arith.constant 0 : i32
      %dma_wait3A_37 = arith.constant 0 : i32
      %dma_wait3A_38 = tpu.memref_slice %arg2[%dma_wait3A_36, %dma_wait3A_37] : memref<16384x128xf32, #tpu.memory_space<hbm>> -> memref<16384x128xf32, #tpu.memory_space<hbm>>
      tpu.wait_indirect_dma semaphore(%arg7 : memref<!tpu.dma_semaphore, #tpu.memory_space<semaphore_mem>>) src(%dma_wait3A_38 : memref<16384x128xf32, #tpu.memory_space<hbm>>) dst(%dma_wait3A_34 : memref<80x128xf32, #tpu.memory_space<vmem>>)
      %dma_wait3A_39 = arith.constant 80 : i32
      %dma_wait3A_40 = arith.constant 0 : i32
      %dma_wait3A_41 = tpu.memref_slice %arg6[%dma_wait3A_39, %dma_wait3A_40] : memref<160x128xf32, #tpu.memory_space<vmem>> -> memref<80x128xf32, #tpu.memory_space<vmem>>
      %dma_wait3A_42 = tpu.memref_slice %arg5[%add3A_25] : memref<10240xi32, #tpu.memory_space<vmem>> -> memref<80xi32, #tpu.memory_space<vmem>>
      %dma_wait3A_43 = arith.constant 0 : i32
      %dma_wait3A_44 = arith.constant 0 : i32
      %dma_wait3A_45 = tpu.memref_slice %arg2[%dma_wait3A_43, %dma_wait3A_44] : memref<16384x128xf32, #tpu.memory_space<hbm>> -> memref<16384x128xf32, #tpu.memory_space<hbm>>
      tpu.wait_indirect_dma semaphore(%arg7 : memref<!tpu.dma_semaphore, #tpu.memory_space<semaphore_mem>>) src(%dma_wait3A_45 : memref<16384x128xf32, #tpu.memory_space<hbm>>) dst(%dma_wait3A_41 : memref<80x128xf32, #tpu.memory_space<vmem>>)
      %mul3A_46 = arith.constant 20 : i32
      %mul3A_47 = arith.muli %add3A_13, %mul3A_46 : i32
      "tpu.region"() ({
        %run_scoped3A = tpu.sem_alloc : memref<!tpu.dma_semaphore, #tpu.memory_space<semaphore_mem>>
        %dma_start3A_48 = arith.constant 0 : i32
        %dma_start3A_49 = tpu.memref_slice %arg4[%mul3A_47, %dma_start3A_48] : memref<327680x128xf32, #tpu.memory_space<hbm>> -> memref<160x128xf32, #tpu.memory_space<hbm>>
        %dma_start3A_50 = arith.constant 0 : i32
        %dma_start3A_51 = tpu.memref_slice %arg4[%mul3A_47, %dma_start3A_50] : memref<327680x128xf32, #tpu.memory_space<hbm>> -> memref<160x128xf32, #tpu.memory_space<hbm>>
        tpu.enqueue_dma source(%arg6 : memref<160x128xf32, #tpu.memory_space<vmem>>) target(%dma_start3A_51 : memref<160x128xf32, #tpu.memory_space<hbm>>) target_semaphore(%run_scoped3A : memref<!tpu.dma_semaphore, #tpu.memory_space<semaphore_mem>>)
        %dma_wait3A_52 = arith.constant 0 : i32
        %dma_wait3A_53 = tpu.memref_slice %arg4[%mul3A_47, %dma_wait3A_52] : memref<327680x128xf32, #tpu.memory_space<hbm>> -> memref<160x128xf32, #tpu.memory_space<hbm>>
        %dma_wait3A_54 = arith.constant 0 : i32
        %dma_wait3A_55 = tpu.memref_slice %arg4[%mul3A_47, %dma_wait3A_54] : memref<327680x128xf32, #tpu.memory_space<hbm>> -> memref<160x128xf32, #tpu.memory_space<hbm>>
        tpu.wait_dma2 semaphore(%run_scoped3A : memref<!tpu.dma_semaphore, #tpu.memory_space<semaphore_mem>>) src(%arg6 : memref<160x128xf32, #tpu.memory_space<vmem>>) dst(%dma_wait3A_55 : memref<160x128xf32, #tpu.memory_space<hbm>>)
        tpu.yield
      }) : () -> ()
    }
    %scan3A_9 = arith.constant 64 : i32
    return
  }
}

#map = affine_map<(d0, d1) -> (0, 0)>
#map1 = affine_map<(d0, d1) -> (0)>
module attributes {stable_mosaic.version = 14 : i64} {
  func.func @sc_kernel(%arg0: i32, %arg1: i32, %arg2: memref<16384x128xf32, #tpu.memory_space<hbm>>, %arg3: memref<327680xi32, #tpu.memory_space<hbm>>, %arg4: memref<327680x128xf32, #tpu.memory_space<hbm>>, %arg5: memref<10240xi32, #tpu.memory_space<vmem>>, %arg6: memref<160x128xf32, #tpu.memory_space<vmem>>, %arg7: memref<!tpu.dma_semaphore, #tpu.memory_space<semaphore_mem>>) attributes {dimension_semantics = [#tpu.dimension_semantics<core_parallel>, #tpu.dimension_semantics<subcore_parallel>], iteration_bounds = array<i64: 2, 16>, scalar_prefetch = 0 : i64, scratch_operands = 3 : i64, tpu.core_type = #tpu.core_type<sc_vector_subcore>, window_params = [{transform_indices = #map}, {transform_indices = #map1}, {transform_indices = #map}]} {
    %mul3A = arith.constant 2 : i32
    %mul3A_0 = arith.muli %arg1, %mul3A : i32
    %add3A = arith.addi %mul3A_0, %arg0 : i32
    %mul3A_1 = arith.constant 512 : i32
    %mul3A_2 = arith.muli %add3A, %mul3A_1 : i32
    %mul3A_3 = arith.constant 20 : i32
    %mul3A_4 = arith.muli %mul3A_2, %mul3A_3 : i32
    "tpu.region"() ({
      %run_scoped3A = tpu.sem_alloc : memref<!tpu.dma_semaphore, #tpu.memory_space<semaphore_mem>>
      %dma_start3A = tpu.memref_slice %arg3[%mul3A_4] : memref<327680xi32, #tpu.memory_space<hbm>> -> memref<10240xi32, #tpu.memory_space<hbm>>
      %dma_start3A_10 = tpu.memref_slice %arg3[%mul3A_4] : memref<327680xi32, #tpu.memory_space<hbm>> -> memref<10240xi32, #tpu.memory_space<hbm>>
      tpu.enqueue_dma source(%dma_start3A_10 : memref<10240xi32, #tpu.memory_space<hbm>>) target(%arg5 : memref<10240xi32, #tpu.memory_space<vmem>>) target_semaphore(%run_scoped3A : memref<!tpu.dma_semaphore, #tpu.memory_space<semaphore_mem>>)
      %dma_wait3A = tpu.memref_slice %arg3[%mul3A_4] : memref<327680xi32, #tpu.memory_space<hbm>> -> memref<10240xi32, #tpu.memory_space<hbm>>
      %dma_wait3A_11 = tpu.memref_slice %arg3[%mul3A_4] : memref<327680xi32, #tpu.memory_space<hbm>> -> memref<10240xi32, #tpu.memory_space<hbm>>
      tpu.wait_dma2 semaphore(%run_scoped3A : memref<!tpu.dma_semaphore, #tpu.memory_space<semaphore_mem>>) src(%dma_wait3A_11 : memref<10240xi32, #tpu.memory_space<hbm>>) dst(%arg5 : memref<10240xi32, #tpu.memory_space<vmem>>)
      tpu.yield
    }) : () -> ()
    %scan3A = arith.constant 0 : i32
    %scan3A_5 = arith.constant 0 : i32
    %scan3A_6 = arith.constant 64 : i32
    %scan3A_7 = arith.addi %scan3A_5, %scan3A_6 : i32
    %scan3A_8 = arith.constant 1 : i32
    scf.for %scan3A_10 = %scan3A_5 to %scan3A_7 step %scan3A_8  : i32 {
      %mul3A_11 = arith.constant 8 : i32
      %mul3A_12 = arith.muli %scan3A_10, %mul3A_11 : i32
      %add3A_13 = arith.addi %mul3A_2, %mul3A_12 : i32
      %mul3A_14 = arith.constant 160 : i32
      %mul3A_15 = arith.muli %scan3A_10, %mul3A_14 : i32
      %dma_start3A = arith.constant 0 : i32
      %dma_start3A_16 = arith.constant 0 : i32
      %dma_start3A_17 = tpu.memref_slice %arg6[%dma_start3A, %dma_start3A_16] : memref<160x128xf32, #tpu.memory_space<vmem>> -> memref<80x128xf32, #tpu.memory_space<vmem>>
      %dma_start3A_18 = tpu.memref_slice %arg5[%mul3A_15] : memref<10240xi32, #tpu.memory_space<vmem>> -> memref<80xi32, #tpu.memory_space<vmem>>
      %dma_start3A_19 = arith.constant 0 : i32
      %dma_start3A_20 = arith.constant 0 : i32
      %dma_start3A_21 = tpu.memref_slice %arg2[%dma_start3A_19, %dma_start3A_20] : memref<16384x128xf32, #tpu.memory_space<hbm>> -> memref<16384x128xf32, #tpu.memory_space<hbm>>
      tpu.enqueue_indirect_dma source(%dma_start3A_21 : memref<16384x128xf32, #tpu.memory_space<hbm>>) target(%dma_start3A_17 : memref<80x128xf32, #tpu.memory_space<vmem>>) offsets(%dma_start3A_18 : memref<80xi32, #tpu.memory_space<vmem>>) semaphore(%arg7 : memref<!tpu.dma_semaphore, #tpu.memory_space<semaphore_mem>>)
      %mul3A_22 = arith.constant 160 : i32
      %mul3A_23 = arith.muli %scan3A_10, %mul3A_22 : i32
      %add3A_24 = arith.constant 80 : i32
      %add3A_25 = arith.addi %mul3A_23, %add3A_24 : i32
      %dma_start3A_26 = arith.constant 80 : i32
      %dma_start3A_27 = arith.constant 0 : i32
      %dma_start3A_28 = tpu.memref_slice %arg6[%dma_start3A_26, %dma_start3A_27] : memref<160x128xf32, #tpu.memory_space<vmem>> -> memref<80x128xf32, #tpu.memory_space<vmem>>
      %dma_start3A_29 = tpu.memref_slice %arg5[%add3A_25] : memref<10240xi32, #tpu.memory_space<vmem>> -> memref<80xi32, #tpu.memory_space<vmem>>
      %dma_start3A_30 = arith.constant 0 : i32
      %dma_start3A_31 = arith.constant 0 : i32
      %dma_start3A_32 = tpu.memref_slice %arg2[%dma_start3A_30, %dma_start3A_31] : memref<16384x128xf32, #tpu.memory_space<hbm>> -> memref<16384x128xf32, #tpu.memory_space<hbm>>
      tpu.enqueue_indirect_dma source(%dma_start3A_32 : memref<16384x128xf32, #tpu.memory_space<hbm>>) target(%dma_start3A_28 : memref<80x128xf32, #tpu.memory_space<vmem>>) offsets(%dma_start3A_29 : memref<80xi32, #tpu.memory_space<vmem>>) semaphore(%arg7 : memref<!tpu.dma_semaphore, #tpu.memory_space<semaphore_mem>>)
      %dma_wait3A = arith.constant 0 : i32
      %dma_wait3A_33 = arith.constant 0 : i32
      %dma_wait3A_34 = tpu.memref_slice %arg6[%dma_wait3A, %dma_wait3A_33] : memref<160x128xf32, #tpu.memory_space<vmem>> -> memref<80x128xf32, #tpu.memory_space<vmem>>
      %dma_wait3A_35 = tpu.memref_slice %arg5[%mul3A_15] : memref<10240xi32, #tpu.memory_space<vmem>> -> memref<80xi32, #tpu.memory_space<vmem>>
      %dma_wait3A_36 = arith.constant 0 : i32
      %dma_wait3A_37 = arith.constant 0 : i32
      %dma_wait3A_38 = tpu.memref_slice %arg2[%dma_wait3A_36, %dma_wait3A_37] : memref<16384x128xf32, #tpu.memory_space<hbm>> -> memref<16384x128xf32, #tpu.memory_space<hbm>>
      tpu.wait_indirect_dma semaphore(%arg7 : memref<!tpu.dma_semaphore, #tpu.memory_space<semaphore_mem>>) src(%dma_wait3A_38 : memref<16384x128xf32, #tpu.memory_space<hbm>>) dst(%dma_wait3A_34 : memref<80x128xf32, #tpu.memory_space<vmem>>)
      %dma_wait3A_39 = arith.constant 80 : i32
      %dma_wait3A_40 = arith.constant 0 : i32
      %dma_wait3A_41 = tpu.memref_slice %arg6[%dma_wait3A_39, %dma_wait3A_40] : memref<160x128xf32, #tpu.memory_space<vmem>> -> memref<80x128xf32, #tpu.memory_space<vmem>>
      %dma_wait3A_42 = tpu.memref_slice %arg5[%add3A_25] : memref<10240xi32, #tpu.memory_space<vmem>> -> memref<80xi32, #tpu.memory_space<vmem>>
      %dma_wait3A_43 = arith.constant 0 : i32
      %dma_wait3A_44 = arith.constant 0 : i32
      %dma_wait3A_45 = tpu.memref_slice %arg2[%dma_wait3A_43, %dma_wait3A_44] : memref<16384x128xf32, #tpu.memory_space<hbm>> -> memref<16384x128xf32, #tpu.memory_space<hbm>>
      tpu.wait_indirect_dma semaphore(%arg7 : memref<!tpu.dma_semaphore, #tpu.memory_space<semaphore_mem>>) src(%dma_wait3A_45 : memref<16384x128xf32, #tpu.memory_space<hbm>>) dst(%dma_wait3A_41 : memref<80x128xf32, #tpu.memory_space<vmem>>)
      %mul3A_46 = arith.constant 20 : i32
      %mul3A_47 = arith.muli %add3A_13, %mul3A_46 : i32
      "tpu.region"() ({
        %run_scoped3A = tpu.sem_alloc : memref<!tpu.dma_semaphore, #tpu.memory_space<semaphore_mem>>
        %dma_start3A_48 = arith.constant 0 : i32
        %dma_start3A_49 = tpu.memref_slice %arg4[%mul3A_47, %dma_start3A_48] : memref<327680x128xf32, #tpu.memory_space<hbm>> -> memref<160x128xf32, #tpu.memory_space<hbm>>
        %dma_start3A_50 = arith.constant 0 : i32
        %dma_start3A_51 = tpu.memref_slice %arg4[%mul3A_47, %dma_start3A_50] : memref<327680x128xf32, #tpu.memory_space<hbm>> -> memref<160x128xf32, #tpu.memory_space<hbm>>
        tpu.enqueue_dma source(%arg6 : memref<160x128xf32, #tpu.memory_space<vmem>>) target(%dma_start3A_51 : memref<160x128xf32, #tpu.memory_space<hbm>>) target_semaphore(%run_scoped3A : memref<!tpu.dma_semaphore, #tpu.memory_space<semaphore_mem>>)
        %dma_wait3A_52 = arith.constant 0 : i32
        %dma_wait3A_53 = tpu.memref_slice %arg4[%mul3A_47, %dma_wait3A_52] : memref<327680x128xf32, #tpu.memory_space<hbm>> -> memref<160x128xf32, #tpu.memory_space<hbm>>
        %dma_wait3A_54 = arith.constant 0 : i32
        %dma_wait3A_55 = tpu.memref_slice %arg4[%mul3A_47, %dma_wait3A_54] : memref<327680x128xf32, #tpu.memory_space<hbm>> -> memref<160x128xf32, #tpu.memory_space<hbm>>
        tpu.wait_dma2 semaphore(%run_scoped3A : memref<!tpu.dma_semaphore, #tpu.memory_space<semaphore_mem>>) src(%arg6 : memref<160x128xf32, #tpu.memory_space<vmem>>) dst(%dma_wait3A_55 : memref<160x128xf32, #tpu.memory_space<hbm>>)
        tpu.yield
      }) : () -> ()
    }
    %scan3A_9 = arith.constant 64 : i32
    return
  }
}

#map = affine_map<(d0, d1) -> (0, 0)>
#map1 = affine_map<(d0, d1) -> (0)>
module attributes {stable_mosaic.version = 14 : i64} {
  func.func @sc_kernel(%arg0: i32, %arg1: i32, %arg2: memref<16384x128xf32, #tpu.memory_space<hbm>>, %arg3: memref<327680xi32, #tpu.memory_space<hbm>>, %arg4: memref<327680x128xf32, #tpu.memory_space<hbm>>, %arg5: memref<10240xi32, #tpu.memory_space<vmem>>, %arg6: memref<160x128xf32, #tpu.memory_space<vmem>>, %arg7: memref<!tpu.dma_semaphore, #tpu.memory_space<semaphore_mem>>) attributes {dimension_semantics = [#tpu.dimension_semantics<core_parallel>, #tpu.dimension_semantics<subcore_parallel>], iteration_bounds = array<i64: 2, 16>, scalar_prefetch = 0 : i64, scratch_operands = 3 : i64, tpu.core_type = #tpu.core_type<sc_vector_subcore>, window_params = [{transform_indices = #map}, {transform_indices = #map1}, {transform_indices = #map}]} {
    %mul3A = arith.constant 2 : i32
    %mul3A_0 = arith.muli %arg1, %mul3A : i32
    %add3A = arith.addi %mul3A_0, %arg0 : i32
    %mul3A_1 = arith.constant 512 : i32
    %mul3A_2 = arith.muli %add3A, %mul3A_1 : i32
    %mul3A_3 = arith.constant 20 : i32
    %mul3A_4 = arith.muli %mul3A_2, %mul3A_3 : i32
    "tpu.region"() ({
      %run_scoped3A = tpu.sem_alloc : memref<!tpu.dma_semaphore, #tpu.memory_space<semaphore_mem>>
      %dma_start3A = tpu.memref_slice %arg3[%mul3A_4] : memref<327680xi32, #tpu.memory_space<hbm>> -> memref<10240xi32, #tpu.memory_space<hbm>>
      %dma_start3A_10 = tpu.memref_slice %arg3[%mul3A_4] : memref<327680xi32, #tpu.memory_space<hbm>> -> memref<10240xi32, #tpu.memory_space<hbm>>
      tpu.enqueue_dma source(%dma_start3A_10 : memref<10240xi32, #tpu.memory_space<hbm>>) target(%arg5 : memref<10240xi32, #tpu.memory_space<vmem>>) target_semaphore(%run_scoped3A : memref<!tpu.dma_semaphore, #tpu.memory_space<semaphore_mem>>)
      %dma_wait3A = tpu.memref_slice %arg3[%mul3A_4] : memref<327680xi32, #tpu.memory_space<hbm>> -> memref<10240xi32, #tpu.memory_space<hbm>>
      %dma_wait3A_11 = tpu.memref_slice %arg3[%mul3A_4] : memref<327680xi32, #tpu.memory_space<hbm>> -> memref<10240xi32, #tpu.memory_space<hbm>>
      tpu.wait_dma2 semaphore(%run_scoped3A : memref<!tpu.dma_semaphore, #tpu.memory_space<semaphore_mem>>) src(%dma_wait3A_11 : memref<10240xi32, #tpu.memory_space<hbm>>) dst(%arg5 : memref<10240xi32, #tpu.memory_space<vmem>>)
      tpu.yield
    }) : () -> ()
    %scan3A = arith.constant 0 : i32
    %scan3A_5 = arith.constant 0 : i32
    %scan3A_6 = arith.constant 64 : i32
    %scan3A_7 = arith.addi %scan3A_5, %scan3A_6 : i32
    %scan3A_8 = arith.constant 1 : i32
    scf.for %scan3A_10 = %scan3A_5 to %scan3A_7 step %scan3A_8  : i32 {
      %mul3A_11 = arith.constant 8 : i32
      %mul3A_12 = arith.muli %scan3A_10, %mul3A_11 : i32
      %add3A_13 = arith.addi %mul3A_2, %mul3A_12 : i32
      %mul3A_14 = arith.constant 160 : i32
      %mul3A_15 = arith.muli %scan3A_10, %mul3A_14 : i32
      %dma_start3A = arith.constant 0 : i32
      %dma_start3A_16 = arith.constant 0 : i32
      %dma_start3A_17 = tpu.memref_slice %arg6[%dma_start3A, %dma_start3A_16] : memref<160x128xf32, #tpu.memory_space<vmem>> -> memref<80x128xf32, #tpu.memory_space<vmem>>
      %dma_start3A_18 = tpu.memref_slice %arg5[%mul3A_15] : memref<10240xi32, #tpu.memory_space<vmem>> -> memref<80xi32, #tpu.memory_space<vmem>>
      %dma_start3A_19 = arith.constant 0 : i32
      %dma_start3A_20 = arith.constant 0 : i32
      %dma_start3A_21 = tpu.memref_slice %arg2[%dma_start3A_19, %dma_start3A_20] : memref<16384x128xf32, #tpu.memory_space<hbm>> -> memref<16384x128xf32, #tpu.memory_space<hbm>>
      tpu.enqueue_indirect_dma source(%dma_start3A_21 : memref<16384x128xf32, #tpu.memory_space<hbm>>) target(%dma_start3A_17 : memref<80x128xf32, #tpu.memory_space<vmem>>) offsets(%dma_start3A_18 : memref<80xi32, #tpu.memory_space<vmem>>) semaphore(%arg7 : memref<!tpu.dma_semaphore, #tpu.memory_space<semaphore_mem>>)
      %mul3A_22 = arith.constant 160 : i32
      %mul3A_23 = arith.muli %scan3A_10, %mul3A_22 : i32
      %add3A_24 = arith.constant 80 : i32
      %add3A_25 = arith.addi %mul3A_23, %add3A_24 : i32
      %dma_start3A_26 = arith.constant 80 : i32
      %dma_start3A_27 = arith.constant 0 : i32
      %dma_start3A_28 = tpu.memref_slice %arg6[%dma_start3A_26, %dma_start3A_27] : memref<160x128xf32, #tpu.memory_space<vmem>> -> memref<80x128xf32, #tpu.memory_space<vmem>>
      %dma_start3A_29 = tpu.memref_slice %arg5[%add3A_25] : memref<10240xi32, #tpu.memory_space<vmem>> -> memref<80xi32, #tpu.memory_space<vmem>>
      %dma_start3A_30 = arith.constant 0 : i32
      %dma_start3A_31 = arith.constant 0 : i32
      %dma_start3A_32 = tpu.memref_slice %arg2[%dma_start3A_30, %dma_start3A_31] : memref<16384x128xf32, #tpu.memory_space<hbm>> -> memref<16384x128xf32, #tpu.memory_space<hbm>>
      tpu.enqueue_indirect_dma source(%dma_start3A_32 : memref<16384x128xf32, #tpu.memory_space<hbm>>) target(%dma_start3A_28 : memref<80x128xf32, #tpu.memory_space<vmem>>) offsets(%dma_start3A_29 : memref<80xi32, #tpu.memory_space<vmem>>) semaphore(%arg7 : memref<!tpu.dma_semaphore, #tpu.memory_space<semaphore_mem>>)
      %dma_wait3A = arith.constant 0 : i32
      %dma_wait3A_33 = arith.constant 0 : i32
      %dma_wait3A_34 = tpu.memref_slice %arg6[%dma_wait3A, %dma_wait3A_33] : memref<160x128xf32, #tpu.memory_space<vmem>> -> memref<80x128xf32, #tpu.memory_space<vmem>>
      %dma_wait3A_35 = tpu.memref_slice %arg5[%mul3A_15] : memref<10240xi32, #tpu.memory_space<vmem>> -> memref<80xi32, #tpu.memory_space<vmem>>
      %dma_wait3A_36 = arith.constant 0 : i32
      %dma_wait3A_37 = arith.constant 0 : i32
      %dma_wait3A_38 = tpu.memref_slice %arg2[%dma_wait3A_36, %dma_wait3A_37] : memref<16384x128xf32, #tpu.memory_space<hbm>> -> memref<16384x128xf32, #tpu.memory_space<hbm>>
      tpu.wait_indirect_dma semaphore(%arg7 : memref<!tpu.dma_semaphore, #tpu.memory_space<semaphore_mem>>) src(%dma_wait3A_38 : memref<16384x128xf32, #tpu.memory_space<hbm>>) dst(%dma_wait3A_34 : memref<80x128xf32, #tpu.memory_space<vmem>>)
      %dma_wait3A_39 = arith.constant 80 : i32
      %dma_wait3A_40 = arith.constant 0 : i32
      %dma_wait3A_41 = tpu.memref_slice %arg6[%dma_wait3A_39, %dma_wait3A_40] : memref<160x128xf32, #tpu.memory_space<vmem>> -> memref<80x128xf32, #tpu.memory_space<vmem>>
      %dma_wait3A_42 = tpu.memref_slice %arg5[%add3A_25] : memref<10240xi32, #tpu.memory_space<vmem>> -> memref<80xi32, #tpu.memory_space<vmem>>
      %dma_wait3A_43 = arith.constant 0 : i32
      %dma_wait3A_44 = arith.constant 0 : i32
      %dma_wait3A_45 = tpu.memref_slice %arg2[%dma_wait3A_43, %dma_wait3A_44] : memref<16384x128xf32, #tpu.memory_space<hbm>> -> memref<16384x128xf32, #tpu.memory_space<hbm>>
      tpu.wait_indirect_dma semaphore(%arg7 : memref<!tpu.dma_semaphore, #tpu.memory_space<semaphore_mem>>) src(%dma_wait3A_45 : memref<16384x128xf32, #tpu.memory_space<hbm>>) dst(%dma_wait3A_41 : memref<80x128xf32, #tpu.memory_space<vmem>>)
      %mul3A_46 = arith.constant 20 : i32
      %mul3A_47 = arith.muli %add3A_13, %mul3A_46 : i32
      "tpu.region"() ({
        %run_scoped3A = tpu.sem_alloc : memref<!tpu.dma_semaphore, #tpu.memory_space<semaphore_mem>>
        %dma_start3A_48 = arith.constant 0 : i32
        %dma_start3A_49 = tpu.memref_slice %arg4[%mul3A_47, %dma_start3A_48] : memref<327680x128xf32, #tpu.memory_space<hbm>> -> memref<160x128xf32, #tpu.memory_space<hbm>>
        %dma_start3A_50 = arith.constant 0 : i32
        %dma_start3A_51 = tpu.memref_slice %arg4[%mul3A_47, %dma_start3A_50] : memref<327680x128xf32, #tpu.memory_space<hbm>> -> memref<160x128xf32, #tpu.memory_space<hbm>>
        tpu.enqueue_dma source(%arg6 : memref<160x128xf32, #tpu.memory_space<vmem>>) target(%dma_start3A_51 : memref<160x128xf32, #tpu.memory_space<hbm>>) target_semaphore(%run_scoped3A : memref<!tpu.dma_semaphore, #tpu.memory_space<semaphore_mem>>)
        %dma_wait3A_52 = arith.constant 0 : i32
        %dma_wait3A_53 = tpu.memref_slice %arg4[%mul3A_47, %dma_wait3A_52] : memref<327680x128xf32, #tpu.memory_space<hbm>> -> memref<160x128xf32, #tpu.memory_space<hbm>>
        %dma_wait3A_54 = arith.constant 0 : i32
        %dma_wait3A_55 = tpu.memref_slice %arg4[%mul3A_47, %dma_wait3A_54] : memref<327680x128xf32, #tpu.memory_space<hbm>> -> memref<160x128xf32, #tpu.memory_space<hbm>>
        tpu.wait_dma2 semaphore(%run_scoped3A : memref<!tpu.dma_semaphore, #tpu.memory_space<semaphore_mem>>) src(%arg6 : memref<160x128xf32, #tpu.memory_space<vmem>>) dst(%dma_wait3A_55 : memref<160x128xf32, #tpu.memory_space<hbm>>)
        tpu.yield
      }) : () -> ()
    }
    %scan3A_9 = arith.constant 64 : i32
    return
  }
}

module attributes {stable_mosaic.version = 14 : i64} {
  func.func @body(%arg0: i32, %arg1: i32, %arg2: memref<1x256x3xf32, #tpu.memory_space<vmem>>, %arg3: memref<1x3x2048xf32, #tpu.memory_space<vmem>>, %arg4: memref<1x256x20xi32, #tpu.memory_space<vmem>>) attributes {dimension_semantics = [#tpu.dimension_semantics<arbitrary>, #tpu.dimension_semantics<arbitrary>], iteration_bounds = array<i64: 8, 8>, scalar_prefetch = 0 : i64, scratch_operands = 0 : i64, tpu.core_type = #tpu.core_type<tc>, window_params = [{transform_indices = @transform_0, window_bounds = array<i64: 1, 256, 3>}, {transform_indices = @transform_1, window_bounds = array<i64: 1, 3, 2048>}, {transform_indices = @transform_2, window_bounds = array<i64: 1, 256, 20>}]} {
    %get3A = arith.constant 0 : index
    %get3A_0 = arith.constant 0 : index
    %get3A_1 = arith.constant 0 : index
    %get3A_2 = vector.load %arg2[%get3A, %get3A_0, %get3A_1] : memref<1x256x3xf32, #tpu.memory_space<vmem>>, vector<1x256x3xf32>
    %get3A_3 = vector.shape_cast %get3A_2 : vector<1x256x3xf32> to vector<256x3xf32>
    %get3A_4 = arith.constant 0 : index
    %get3A_5 = arith.constant 0 : index
    %get3A_6 = arith.constant 0 : index
    %get3A_7 = vector.load %arg3[%get3A_4, %get3A_5, %get3A_6] : memref<1x3x2048xf32, #tpu.memory_space<vmem>>, vector<1x3x2048xf32>
    %get3A_8 = vector.shape_cast %get3A_7 : vector<1x3x2048xf32> to vector<3x2048xf32>
    %dot_general3A = arith.constant dense<0.000000e+00> : vector<256x2048xf32>
    %dot_general3A_9 = tpu.matmul %get3A_3, %get3A_8, %dot_general3A {dimension_numbers = #tpu.dot_dimension_numbers<[1], [0], [0], [1], [0, 0, 1, 1], [], []>, transpose_lhs_hint = false} : vector<256x3xf32>, vector<3x2048xf32>, vector<256x2048xf32> -> vector<256x2048xf32>
    %mul3A = arith.mulf %get3A_8, %get3A_8 : vector<3x2048xf32>
    %reduce_sum3A = arith.constant dense<0.000000e+00> : vector<2048xf32>
    %reduce_sum3A_10 = vector.multi_reduction <add>, %mul3A, %reduce_sum3A [0] : vector<3x2048xf32> to vector<2048xf32>
    %broadcast_in_dim3A = vector.shape_cast %reduce_sum3A_10 : vector<2048xf32> to vector<1x2048xf32>
    %mul3A_11 = arith.constant 2.000000e+00 : f32
    %mul3A_12 = vector.broadcast %mul3A_11 : f32 to vector<256x2048xf32>
    %mul3A_13 = arith.mulf %mul3A_12, %dot_general3A_9 : vector<256x2048xf32>
    %sub3A = vector.broadcast %broadcast_in_dim3A : vector<1x2048xf32> to vector<256x2048xf32>
    %sub3A_14 = arith.subf %mul3A_13, %sub3A : vector<256x2048xf32>
    %iota3A = tpu.iota {dimensions = array<i32: 1>} : vector<256x2048xi32>
    %reduce_max3A = arith.constant dense<0xFF800000> : vector<256xf32>
    %reduce_max3A_15 = vector.multi_reduction <maximumf>, %sub3A_14, %reduce_max3A [1] : vector<256x2048xf32> to vector<256xf32>
    %broadcast_in_dim3A_16 = vector.shape_cast %reduce_max3A_15 : vector<256xf32> to vector<256x1xf32>
    %eq3A = vector.broadcast %broadcast_in_dim3A_16 : vector<256x1xf32> to vector<256x2048xf32>
    %eq3A_17 = arith.cmpf oeq, %sub3A_14, %eq3A : vector<256x2048xf32>
    %jit3A = arith.constant 2048 : i32
    %broadcast_in_dim3A_18 = vector.broadcast %jit3A : i32 to vector<256x2048xi32>
    %select_n3A = arith.select %eq3A_17, %iota3A, %broadcast_in_dim3A_18 : vector<256x2048xi1>, vector<256x2048xi32>
    %reduce_min3A = arith.constant dense<2147483647> : vector<256xi32>
    %reduce_min3A_19 = vector.multi_reduction <minsi>, %select_n3A, %reduce_min3A [1] : vector<256x2048xi32> to vector<256xi32>
    %broadcast_in_dim3A_20 = vector.shape_cast %reduce_min3A_19 : vector<256xi32> to vector<256x1xi32>
    %eq3A_21 = vector.broadcast %broadcast_in_dim3A_20 : vector<256x1xi32> to vector<256x2048xi32>
    %eq3A_22 = arith.cmpi eq, %select_n3A, %eq3A_21 : vector<256x2048xi32>
    %jit3A_23 = arith.constant -1.000000e+30 : f32
    %broadcast_in_dim3A_24 = vector.broadcast %jit3A_23 : f32 to vector<256x2048xf32>
    %select_n3A_25 = arith.select %eq3A_22, %broadcast_in_dim3A_24, %sub3A_14 : vector<256x2048xi1>, vector<256x2048xf32>
    %reduce_max3A_26 = arith.constant dense<0xFF800000> : vector<256xf32>
    %reduce_max3A_27 = vector.multi_reduction <maximumf>, %select_n3A_25, %reduce_max3A_26 [1] : vector<256x2048xf32> to vector<256xf32>
    %broadcast_in_dim3A_28 = vector.shape_cast %reduce_max3A_27 : vector<256xf32> to vector<256x1xf32>
    %eq3A_29 = vector.broadcast %broadcast_in_dim3A_28 : vector<256x1xf32> to vector<256x2048xf32>
    %eq3A_30 = arith.cmpf oeq, %select_n3A_25, %eq3A_29 : vector<256x2048xf32>
    %jit3A_31 = arith.constant 2048 : i32
    %broadcast_in_dim3A_32 = vector.broadcast %jit3A_31 : i32 to vector<256x2048xi32>
    %select_n3A_33 = arith.select %eq3A_30, %iota3A, %broadcast_in_dim3A_32 : vector<256x2048xi1>, vector<256x2048xi32>
    %reduce_min3A_34 = arith.constant dense<2147483647> : vector<256xi32>
    %reduce_min3A_35 = vector.multi_reduction <minsi>, %select_n3A_33, %reduce_min3A_34 [1] : vector<256x2048xi32> to vector<256xi32>
    %broadcast_in_dim3A_36 = vector.shape_cast %reduce_min3A_35 : vector<256xi32> to vector<256x1xi32>
    %eq3A_37 = vector.broadcast %broadcast_in_dim3A_36 : vector<256x1xi32> to vector<256x2048xi32>
    %eq3A_38 = arith.cmpi eq, %select_n3A_33, %eq3A_37 : vector<256x2048xi32>
    %jit3A_39 = arith.constant -1.000000e+30 : f32
    %broadcast_in_dim3A_40 = vector.broadcast %jit3A_39 : f32 to vector<256x2048xf32>
    %select_n3A_41 = arith.select %eq3A_38, %broadcast_in_dim3A_40, %select_n3A_25 : vector<256x2048xi1>, vector<256x2048xf32>
    %reduce_max3A_42 = arith.constant dense<0xFF800000> : vector<256xf32>
    %reduce_max3A_43 = vector.multi_reduction <maximumf>, %select_n3A_41, %reduce_max3A_42 [1] : vector<256x2048xf32> to vector<256xf32>
    %broadcast_in_dim3A_44 = vector.shape_cast %reduce_max3A_43 : vector<256xf32> to vector<256x1xf32>
    %eq3A_45 = vector.broadcast %broadcast_in_dim3A_44 : vector<256x1xf32> to vector<256x2048xf32>
    %eq3A_46 = arith.cmpf oeq, %select_n3A_41, %eq3A_45 : vector<256x2048xf32>
    %jit3A_47 = arith.constant 2048 : i32
    %broadcast_in_dim3A_48 = vector.broadcast %jit3A_47 : i32 to vector<256x2048xi32>
    %select_n3A_49 = arith.select %eq3A_46, %iota3A, %broadcast_in_dim3A_48 : vector<256x2048xi1>, vector<256x2048xi32>
    %reduce_min3A_50 = arith.constant dense<2147483647> : vector<256xi32>
    %reduce_min3A_51 = vector.multi_reduction <minsi>, %select_n3A_49, %reduce_min3A_50 [1] : vector<256x2048xi32> to vector<256xi32>
    %broadcast_in_dim3A_52 = vector.shape_cast %reduce_min3A_51 : vector<256xi32> to vector<256x1xi32>
    %eq3A_53 = vector.broadcast %broadcast_in_dim3A_52 : vector<256x1xi32> to vector<256x2048xi32>
    %eq3A_54 = arith.cmpi eq, %select_n3A_49, %eq3A_53 : vector<256x2048xi32>
    %jit3A_55 = arith.constant -1.000000e+30 : f32
    %broadcast_in_dim3A_56 = vector.broadcast %jit3A_55 : f32 to vector<256x2048xf32>
    %select_n3A_57 = arith.select %eq3A_54, %broadcast_in_dim3A_56, %select_n3A_41 : vector<256x2048xi1>, vector<256x2048xf32>
    %reduce_max3A_58 = arith.constant dense<0xFF800000> : vector<256xf32>
    %reduce_max3A_59 = vector.multi_reduction <maximumf>, %select_n3A_57, %reduce_max3A_58 [1] : vector<256x2048xf32> to vector<256xf32>
    %broadcast_in_dim3A_60 = vector.shape_cast %reduce_max3A_59 : vector<256xf32> to vector<256x1xf32>
    %eq3A_61 = vector.broadcast %broadcast_in_dim3A_60 : vector<256x1xf32> to vector<256x2048xf32>
    %eq3A_62 = arith.cmpf oeq, %select_n3A_57, %eq3A_61 : vector<256x2048xf32>
    %jit3A_63 = arith.constant 2048 : i32
    %broadcast_in_dim3A_64 = vector.broadcast %jit3A_63 : i32 to vector<256x2048xi32>
    %select_n3A_65 = arith.select %eq3A_62, %iota3A, %broadcast_in_dim3A_64 : vector<256x2048xi1>, vector<256x2048xi32>
    %reduce_min3A_66 = arith.constant dense<2147483647> : vector<256xi32>
    %reduce_min3A_67 = vector.multi_reduction <minsi>, %select_n3A_65, %reduce_min3A_66 [1] : vector<256x2048xi32> to vector<256xi32>
    %broadcast_in_dim3A_68 = vector.shape_cast %reduce_min3A_67 : vector<256xi32> to vector<256x1xi32>
    %eq3A_69 = vector.broadcast %broadcast_in_dim3A_68 : vector<256x1xi32> to vector<256x2048xi32>
    %eq3A_70 = arith.cmpi eq, %select_n3A_65, %eq3A_69 : vector<256x2048xi32>
    %jit3A_71 = arith.constant -1.000000e+30 : f32
    %broadcast_in_dim3A_72 = vector.broadcast %jit3A_71 : f32 to vector<256x2048xf32>
    %select_n3A_73 = arith.select %eq3A_70, %broadcast_in_dim3A_72, %select_n3A_57 : vector<256x2048xi1>, vector<256x2048xf32>
    %reduce_max3A_74 = arith.constant dense<0xFF800000> : vector<256xf32>
    %reduce_max3A_75 = vector.multi_reduction <maximumf>, %select_n3A_73, %reduce_max3A_74 [1] : vector<256x2048xf32> to vector<256xf32>
    %broadcast_in_dim3A_76 = vector.shape_cast %reduce_max3A_75 : vector<256xf32> to vector<256x1xf32>
    %eq3A_77 = vector.broadcast %broadcast_in_dim3A_76 : vector<256x1xf32> to vector<256x2048xf32>
    %eq3A_78 = arith.cmpf oeq, %select_n3A_73, %eq3A_77 : vector<256x2048xf32>
    %jit3A_79 = arith.constant 2048 : i32
    %broadcast_in_dim3A_80 = vector.broadcast %jit3A_79 : i32 to vector<256x2048xi32>
    %select_n3A_81 = arith.select %eq3A_78, %iota3A, %broadcast_in_dim3A_80 : vector<256x2048xi1>, vector<256x2048xi32>
    %reduce_min3A_82 = arith.constant dense<2147483647> : vector<256xi32>
    %reduce_min3A_83 = vector.multi_reduction <minsi>, %select_n3A_81, %reduce_min3A_82 [1] : vector<256x2048xi32> to vector<256xi32>
    %broadcast_in_dim3A_84 = vector.shape_cast %reduce_min3A_83 : vector<256xi32> to vector<256x1xi32>
    %eq3A_85 = vector.broadcast %broadcast_in_dim3A_84 : vector<256x1xi32> to vector<256x2048xi32>
    %eq3A_86 = arith.cmpi eq, %select_n3A_81, %eq3A_85 : vector<256x2048xi32>
    %jit3A_87 = arith.constant -1.000000e+30 : f32
    %broadcast_in_dim3A_88 = vector.broadcast %jit3A_87 : f32 to vector<256x2048xf32>
    %select_n3A_89 = arith.select %eq3A_86, %broadcast_in_dim3A_88, %select_n3A_73 : vector<256x2048xi1>, vector<256x2048xf32>
    %reduce_max3A_90 = arith.constant dense<0xFF800000> : vector<256xf32>
    %reduce_max3A_91 = vector.multi_reduction <maximumf>, %select_n3A_89, %reduce_max3A_90 [1] : vector<256x2048xf32> to vector<256xf32>
    %broadcast_in_dim3A_92 = vector.shape_cast %reduce_max3A_91 : vector<256xf32> to vector<256x1xf32>
    %eq3A_93 = vector.broadcast %broadcast_in_dim3A_92 : vector<256x1xf32> to vector<256x2048xf32>
    %eq3A_94 = arith.cmpf oeq, %select_n3A_89, %eq3A_93 : vector<256x2048xf32>
    %jit3A_95 = arith.constant 2048 : i32
    %broadcast_in_dim3A_96 = vector.broadcast %jit3A_95 : i32 to vector<256x2048xi32>
    %select_n3A_97 = arith.select %eq3A_94, %iota3A, %broadcast_in_dim3A_96 : vector<256x2048xi1>, vector<256x2048xi32>
    %reduce_min3A_98 = arith.constant dense<2147483647> : vector<256xi32>
    %reduce_min3A_99 = vector.multi_reduction <minsi>, %select_n3A_97, %reduce_min3A_98 [1] : vector<256x2048xi32> to vector<256xi32>
    %broadcast_in_dim3A_100 = vector.shape_cast %reduce_min3A_99 : vector<256xi32> to vector<256x1xi32>
    %eq3A_101 = vector.broadcast %broadcast_in_dim3A_100 : vector<256x1xi32> to vector<256x2048xi32>
    %eq3A_102 = arith.cmpi eq, %select_n3A_97, %eq3A_101 : vector<256x2048xi32>
    %jit3A_103 = arith.constant -1.000000e+30 : f32
    %broadcast_in_dim3A_104 = vector.broadcast %jit3A_103 : f32 to vector<256x2048xf32>
    %select_n3A_105 = arith.select %eq3A_102, %broadcast_in_dim3A_104, %select_n3A_89 : vector<256x2048xi1>, vector<256x2048xf32>
    %reduce_max3A_106 = arith.constant dense<0xFF800000> : vector<256xf32>
    %reduce_max3A_107 = vector.multi_reduction <maximumf>, %select_n3A_105, %reduce_max3A_106 [1] : vector<256x2048xf32> to vector<256xf32>
    %broadcast_in_dim3A_108 = vector.shape_cast %reduce_max3A_107 : vector<256xf32> to vector<256x1xf32>
    %eq3A_109 = vector.broadcast %broadcast_in_dim3A_108 : vector<256x1xf32> to vector<256x2048xf32>
    %eq3A_110 = arith.cmpf oeq, %select_n3A_105, %eq3A_109 : vector<256x2048xf32>
    %jit3A_111 = arith.constant 2048 : i32
    %broadcast_in_dim3A_112 = vector.broadcast %jit3A_111 : i32 to vector<256x2048xi32>
    %select_n3A_113 = arith.select %eq3A_110, %iota3A, %broadcast_in_dim3A_112 : vector<256x2048xi1>, vector<256x2048xi32>
    %reduce_min3A_114 = arith.constant dense<2147483647> : vector<256xi32>
    %reduce_min3A_115 = vector.multi_reduction <minsi>, %select_n3A_113, %reduce_min3A_114 [1] : vector<256x2048xi32> to vector<256xi32>
    %broadcast_in_dim3A_116 = vector.shape_cast %reduce_min3A_115 : vector<256xi32> to vector<256x1xi32>
    %eq3A_117 = vector.broadcast %broadcast_in_dim3A_116 : vector<256x1xi32> to vector<256x2048xi32>
    %eq3A_118 = arith.cmpi eq, %select_n3A_113, %eq3A_117 : vector<256x2048xi32>
    %jit3A_119 = arith.constant -1.000000e+30 : f32
    %broadcast_in_dim3A_120 = vector.broadcast %jit3A_119 : f32 to vector<256x2048xf32>
    %select_n3A_121 = arith.select %eq3A_118, %broadcast_in_dim3A_120, %select_n3A_105 : vector<256x2048xi1>, vector<256x2048xf32>
    %reduce_max3A_122 = arith.constant dense<0xFF800000> : vector<256xf32>
    %reduce_max3A_123 = vector.multi_reduction <maximumf>, %select_n3A_121, %reduce_max3A_122 [1] : vector<256x2048xf32> to vector<256xf32>
    %broadcast_in_dim3A_124 = vector.shape_cast %reduce_max3A_123 : vector<256xf32> to vector<256x1xf32>
    %eq3A_125 = vector.broadcast %broadcast_in_dim3A_124 : vector<256x1xf32> to vector<256x2048xf32>
    %eq3A_126 = arith.cmpf oeq, %select_n3A_121, %eq3A_125 : vector<256x2048xf32>
    %jit3A_127 = arith.constant 2048 : i32
    %broadcast_in_dim3A_128 = vector.broadcast %jit3A_127 : i32 to vector<256x2048xi32>
    %select_n3A_129 = arith.select %eq3A_126, %iota3A, %broadcast_in_dim3A_128 : vector<256x2048xi1>, vector<256x2048xi32>
    %reduce_min3A_130 = arith.constant dense<2147483647> : vector<256xi32>
    %reduce_min3A_131 = vector.multi_reduction <minsi>, %select_n3A_129, %reduce_min3A_130 [1] : vector<256x2048xi32> to vector<256xi32>
    %broadcast_in_dim3A_132 = vector.shape_cast %reduce_min3A_131 : vector<256xi32> to vector<256x1xi32>
    %eq3A_133 = vector.broadcast %broadcast_in_dim3A_132 : vector<256x1xi32> to vector<256x2048xi32>
    %eq3A_134 = arith.cmpi eq, %select_n3A_129, %eq3A_133 : vector<256x2048xi32>
    %jit3A_135 = arith.constant -1.000000e+30 : f32
    %broadcast_in_dim3A_136 = vector.broadcast %jit3A_135 : f32 to vector<256x2048xf32>
    %select_n3A_137 = arith.select %eq3A_134, %broadcast_in_dim3A_136, %select_n3A_121 : vector<256x2048xi1>, vector<256x2048xf32>
    %reduce_max3A_138 = arith.constant dense<0xFF800000> : vector<256xf32>
    %reduce_max3A_139 = vector.multi_reduction <maximumf>, %select_n3A_137, %reduce_max3A_138 [1] : vector<256x2048xf32> to vector<256xf32>
    %broadcast_in_dim3A_140 = vector.shape_cast %reduce_max3A_139 : vector<256xf32> to vector<256x1xf32>
    %eq3A_141 = vector.broadcast %broadcast_in_dim3A_140 : vector<256x1xf32> to vector<256x2048xf32>
    %eq3A_142 = arith.cmpf oeq, %select_n3A_137, %eq3A_141 : vector<256x2048xf32>
    %jit3A_143 = arith.constant 2048 : i32
    %broadcast_in_dim3A_144 = vector.broadcast %jit3A_143 : i32 to vector<256x2048xi32>
    %select_n3A_145 = arith.select %eq3A_142, %iota3A, %broadcast_in_dim3A_144 : vector<256x2048xi1>, vector<256x2048xi32>
    %reduce_min3A_146 = arith.constant dense<2147483647> : vector<256xi32>
    %reduce_min3A_147 = vector.multi_reduction <minsi>, %select_n3A_145, %reduce_min3A_146 [1] : vector<256x2048xi32> to vector<256xi32>
    %broadcast_in_dim3A_148 = vector.shape_cast %reduce_min3A_147 : vector<256xi32> to vector<256x1xi32>
    %eq3A_149 = vector.broadcast %broadcast_in_dim3A_148 : vector<256x1xi32> to vector<256x2048xi32>
    %eq3A_150 = arith.cmpi eq, %select_n3A_145, %eq3A_149 : vector<256x2048xi32>
    %jit3A_151 = arith.constant -1.000000e+30 : f32
    %broadcast_in_dim3A_152 = vector.broadcast %jit3A_151 : f32 to vector<256x2048xf32>
    %select_n3A_153 = arith.select %eq3A_150, %broadcast_in_dim3A_152, %select_n3A_137 : vector<256x2048xi1>, vector<256x2048xf32>
    %reduce_max3A_154 = arith.constant dense<0xFF800000> : vector<256xf32>
    %reduce_max3A_155 = vector.multi_reduction <maximumf>, %select_n3A_153, %reduce_max3A_154 [1] : vector<256x2048xf32> to vector<256xf32>
    %broadcast_in_dim3A_156 = vector.shape_cast %reduce_max3A_155 : vector<256xf32> to vector<256x1xf32>
    %eq3A_157 = vector.broadcast %broadcast_in_dim3A_156 : vector<256x1xf32> to vector<256x2048xf32>
    %eq3A_158 = arith.cmpf oeq, %select_n3A_153, %eq3A_157 : vector<256x2048xf32>
    %jit3A_159 = arith.constant 2048 : i32
    %broadcast_in_dim3A_160 = vector.broadcast %jit3A_159 : i32 to vector<256x2048xi32>
    %select_n3A_161 = arith.select %eq3A_158, %iota3A, %broadcast_in_dim3A_160 : vector<256x2048xi1>, vector<256x2048xi32>
    %reduce_min3A_162 = arith.constant dense<2147483647> : vector<256xi32>
    %reduce_min3A_163 = vector.multi_reduction <minsi>, %select_n3A_161, %reduce_min3A_162 [1] : vector<256x2048xi32> to vector<256xi32>
    %broadcast_in_dim3A_164 = vector.shape_cast %reduce_min3A_163 : vector<256xi32> to vector<256x1xi32>
    %eq3A_165 = vector.broadcast %broadcast_in_dim3A_164 : vector<256x1xi32> to vector<256x2048xi32>
    %eq3A_166 = arith.cmpi eq, %select_n3A_161, %eq3A_165 : vector<256x2048xi32>
    %jit3A_167 = arith.constant -1.000000e+30 : f32
    %broadcast_in_dim3A_168 = vector.broadcast %jit3A_167 : f32 to vector<256x2048xf32>
    %select_n3A_169 = arith.select %eq3A_166, %broadcast_in_dim3A_168, %select_n3A_153 : vector<256x2048xi1>, vector<256x2048xf32>
    %reduce_max3A_170 = arith.constant dense<0xFF800000> : vector<256xf32>
    %reduce_max3A_171 = vector.multi_reduction <maximumf>, %select_n3A_169, %reduce_max3A_170 [1] : vector<256x2048xf32> to vector<256xf32>
    %broadcast_in_dim3A_172 = vector.shape_cast %reduce_max3A_171 : vector<256xf32> to vector<256x1xf32>
    %eq3A_173 = vector.broadcast %broadcast_in_dim3A_172 : vector<256x1xf32> to vector<256x2048xf32>
    %eq3A_174 = arith.cmpf oeq, %select_n3A_169, %eq3A_173 : vector<256x2048xf32>
    %jit3A_175 = arith.constant 2048 : i32
    %broadcast_in_dim3A_176 = vector.broadcast %jit3A_175 : i32 to vector<256x2048xi32>
    %select_n3A_177 = arith.select %eq3A_174, %iota3A, %broadcast_in_dim3A_176 : vector<256x2048xi1>, vector<256x2048xi32>
    %reduce_min3A_178 = arith.constant dense<2147483647> : vector<256xi32>
    %reduce_min3A_179 = vector.multi_reduction <minsi>, %select_n3A_177, %reduce_min3A_178 [1] : vector<256x2048xi32> to vector<256xi32>
    %broadcast_in_dim3A_180 = vector.shape_cast %reduce_min3A_179 : vector<256xi32> to vector<256x1xi32>
    %eq3A_181 = vector.broadcast %broadcast_in_dim3A_180 : vector<256x1xi32> to vector<256x2048xi32>
    %eq3A_182 = arith.cmpi eq, %select_n3A_177, %eq3A_181 : vector<256x2048xi32>
    %jit3A_183 = arith.constant -1.000000e+30 : f32
    %broadcast_in_dim3A_184 = vector.broadcast %jit3A_183 : f32 to vector<256x2048xf32>
    %select_n3A_185 = arith.select %eq3A_182, %broadcast_in_dim3A_184, %select_n3A_169 : vector<256x2048xi1>, vector<256x2048xf32>
    %reduce_max3A_186 = arith.constant dense<0xFF800000> : vector<256xf32>
    %reduce_max3A_187 = vector.multi_reduction <maximumf>, %select_n3A_185, %reduce_max3A_186 [1] : vector<256x2048xf32> to vector<256xf32>
    %broadcast_in_dim3A_188 = vector.shape_cast %reduce_max3A_187 : vector<256xf32> to vector<256x1xf32>
    %eq3A_189 = vector.broadcast %broadcast_in_dim3A_188 : vector<256x1xf32> to vector<256x2048xf32>
    %eq3A_190 = arith.cmpf oeq, %select_n3A_185, %eq3A_189 : vector<256x2048xf32>
    %jit3A_191 = arith.constant 2048 : i32
    %broadcast_in_dim3A_192 = vector.broadcast %jit3A_191 : i32 to vector<256x2048xi32>
    %select_n3A_193 = arith.select %eq3A_190, %iota3A, %broadcast_in_dim3A_192 : vector<256x2048xi1>, vector<256x2048xi32>
    %reduce_min3A_194 = arith.constant dense<2147483647> : vector<256xi32>
    %reduce_min3A_195 = vector.multi_reduction <minsi>, %select_n3A_193, %reduce_min3A_194 [1] : vector<256x2048xi32> to vector<256xi32>
    %broadcast_in_dim3A_196 = vector.shape_cast %reduce_min3A_195 : vector<256xi32> to vector<256x1xi32>
    %eq3A_197 = vector.broadcast %broadcast_in_dim3A_196 : vector<256x1xi32> to vector<256x2048xi32>
    %eq3A_198 = arith.cmpi eq, %select_n3A_193, %eq3A_197 : vector<256x2048xi32>
    %jit3A_199 = arith.constant -1.000000e+30 : f32
    %broadcast_in_dim3A_200 = vector.broadcast %jit3A_199 : f32 to vector<256x2048xf32>
    %select_n3A_201 = arith.select %eq3A_198, %broadcast_in_dim3A_200, %select_n3A_185 : vector<256x2048xi1>, vector<256x2048xf32>
    %reduce_max3A_202 = arith.constant dense<0xFF800000> : vector<256xf32>
    %reduce_max3A_203 = vector.multi_reduction <maximumf>, %select_n3A_201, %reduce_max3A_202 [1] : vector<256x2048xf32> to vector<256xf32>
    %broadcast_in_dim3A_204 = vector.shape_cast %reduce_max3A_203 : vector<256xf32> to vector<256x1xf32>
    %eq3A_205 = vector.broadcast %broadcast_in_dim3A_204 : vector<256x1xf32> to vector<256x2048xf32>
    %eq3A_206 = arith.cmpf oeq, %select_n3A_201, %eq3A_205 : vector<256x2048xf32>
    %jit3A_207 = arith.constant 2048 : i32
    %broadcast_in_dim3A_208 = vector.broadcast %jit3A_207 : i32 to vector<256x2048xi32>
    %select_n3A_209 = arith.select %eq3A_206, %iota3A, %broadcast_in_dim3A_208 : vector<256x2048xi1>, vector<256x2048xi32>
    %reduce_min3A_210 = arith.constant dense<2147483647> : vector<256xi32>
    %reduce_min3A_211 = vector.multi_reduction <minsi>, %select_n3A_209, %reduce_min3A_210 [1] : vector<256x2048xi32> to vector<256xi32>
    %broadcast_in_dim3A_212 = vector.shape_cast %reduce_min3A_211 : vector<256xi32> to vector<256x1xi32>
    %eq3A_213 = vector.broadcast %broadcast_in_dim3A_212 : vector<256x1xi32> to vector<256x2048xi32>
    %eq3A_214 = arith.cmpi eq, %select_n3A_209, %eq3A_213 : vector<256x2048xi32>
    %jit3A_215 = arith.constant -1.000000e+30 : f32
    %broadcast_in_dim3A_216 = vector.broadcast %jit3A_215 : f32 to vector<256x2048xf32>
    %select_n3A_217 = arith.select %eq3A_214, %broadcast_in_dim3A_216, %select_n3A_201 : vector<256x2048xi1>, vector<256x2048xf32>
    %reduce_max3A_218 = arith.constant dense<0xFF800000> : vector<256xf32>
    %reduce_max3A_219 = vector.multi_reduction <maximumf>, %select_n3A_217, %reduce_max3A_218 [1] : vector<256x2048xf32> to vector<256xf32>
    %broadcast_in_dim3A_220 = vector.shape_cast %reduce_max3A_219 : vector<256xf32> to vector<256x1xf32>
    %eq3A_221 = vector.broadcast %broadcast_in_dim3A_220 : vector<256x1xf32> to vector<256x2048xf32>
    %eq3A_222 = arith.cmpf oeq, %select_n3A_217, %eq3A_221 : vector<256x2048xf32>
    %jit3A_223 = arith.constant 2048 : i32
    %broadcast_in_dim3A_224 = vector.broadcast %jit3A_223 : i32 to vector<256x2048xi32>
    %select_n3A_225 = arith.select %eq3A_222, %iota3A, %broadcast_in_dim3A_224 : vector<256x2048xi1>, vector<256x2048xi32>
    %reduce_min3A_226 = arith.constant dense<2147483647> : vector<256xi32>
    %reduce_min3A_227 = vector.multi_reduction <minsi>, %select_n3A_225, %reduce_min3A_226 [1] : vector<256x2048xi32> to vector<256xi32>
    %broadcast_in_dim3A_228 = vector.shape_cast %reduce_min3A_227 : vector<256xi32> to vector<256x1xi32>
    %eq3A_229 = vector.broadcast %broadcast_in_dim3A_228 : vector<256x1xi32> to vector<256x2048xi32>
    %eq3A_230 = arith.cmpi eq, %select_n3A_225, %eq3A_229 : vector<256x2048xi32>
    %jit3A_231 = arith.constant -1.000000e+30 : f32
    %broadcast_in_dim3A_232 = vector.broadcast %jit3A_231 : f32 to vector<256x2048xf32>
    %select_n3A_233 = arith.select %eq3A_230, %broadcast_in_dim3A_232, %select_n3A_217 : vector<256x2048xi1>, vector<256x2048xf32>
    %reduce_max3A_234 = arith.constant dense<0xFF800000> : vector<256xf32>
    %reduce_max3A_235 = vector.multi_reduction <maximumf>, %select_n3A_233, %reduce_max3A_234 [1] : vector<256x2048xf32> to vector<256xf32>
    %broadcast_in_dim3A_236 = vector.shape_cast %reduce_max3A_235 : vector<256xf32> to vector<256x1xf32>
    %eq3A_237 = vector.broadcast %broadcast_in_dim3A_236 : vector<256x1xf32> to vector<256x2048xf32>
    %eq3A_238 = arith.cmpf oeq, %select_n3A_233, %eq3A_237 : vector<256x2048xf32>
    %jit3A_239 = arith.constant 2048 : i32
    %broadcast_in_dim3A_240 = vector.broadcast %jit3A_239 : i32 to vector<256x2048xi32>
    %select_n3A_241 = arith.select %eq3A_238, %iota3A, %broadcast_in_dim3A_240 : vector<256x2048xi1>, vector<256x2048xi32>
    %reduce_min3A_242 = arith.constant dense<2147483647> : vector<256xi32>
    %reduce_min3A_243 = vector.multi_reduction <minsi>, %select_n3A_241, %reduce_min3A_242 [1] : vector<256x2048xi32> to vector<256xi32>
    %broadcast_in_dim3A_244 = vector.shape_cast %reduce_min3A_243 : vector<256xi32> to vector<256x1xi32>
    %eq3A_245 = vector.broadcast %broadcast_in_dim3A_244 : vector<256x1xi32> to vector<256x2048xi32>
    %eq3A_246 = arith.cmpi eq, %select_n3A_241, %eq3A_245 : vector<256x2048xi32>
    %jit3A_247 = arith.constant -1.000000e+30 : f32
    %broadcast_in_dim3A_248 = vector.broadcast %jit3A_247 : f32 to vector<256x2048xf32>
    %select_n3A_249 = arith.select %eq3A_246, %broadcast_in_dim3A_248, %select_n3A_233 : vector<256x2048xi1>, vector<256x2048xf32>
    %reduce_max3A_250 = arith.constant dense<0xFF800000> : vector<256xf32>
    %reduce_max3A_251 = vector.multi_reduction <maximumf>, %select_n3A_249, %reduce_max3A_250 [1] : vector<256x2048xf32> to vector<256xf32>
    %broadcast_in_dim3A_252 = vector.shape_cast %reduce_max3A_251 : vector<256xf32> to vector<256x1xf32>
    %eq3A_253 = vector.broadcast %broadcast_in_dim3A_252 : vector<256x1xf32> to vector<256x2048xf32>
    %eq3A_254 = arith.cmpf oeq, %select_n3A_249, %eq3A_253 : vector<256x2048xf32>
    %jit3A_255 = arith.constant 2048 : i32
    %broadcast_in_dim3A_256 = vector.broadcast %jit3A_255 : i32 to vector<256x2048xi32>
    %select_n3A_257 = arith.select %eq3A_254, %iota3A, %broadcast_in_dim3A_256 : vector<256x2048xi1>, vector<256x2048xi32>
    %reduce_min3A_258 = arith.constant dense<2147483647> : vector<256xi32>
    %reduce_min3A_259 = vector.multi_reduction <minsi>, %select_n3A_257, %reduce_min3A_258 [1] : vector<256x2048xi32> to vector<256xi32>
    %broadcast_in_dim3A_260 = vector.shape_cast %reduce_min3A_259 : vector<256xi32> to vector<256x1xi32>
    %eq3A_261 = vector.broadcast %broadcast_in_dim3A_260 : vector<256x1xi32> to vector<256x2048xi32>
    %eq3A_262 = arith.cmpi eq, %select_n3A_257, %eq3A_261 : vector<256x2048xi32>
    %jit3A_263 = arith.constant -1.000000e+30 : f32
    %broadcast_in_dim3A_264 = vector.broadcast %jit3A_263 : f32 to vector<256x2048xf32>
    %select_n3A_265 = arith.select %eq3A_262, %broadcast_in_dim3A_264, %select_n3A_249 : vector<256x2048xi1>, vector<256x2048xf32>
    %reduce_max3A_266 = arith.constant dense<0xFF800000> : vector<256xf32>
    %reduce_max3A_267 = vector.multi_reduction <maximumf>, %select_n3A_265, %reduce_max3A_266 [1] : vector<256x2048xf32> to vector<256xf32>
    %broadcast_in_dim3A_268 = vector.shape_cast %reduce_max3A_267 : vector<256xf32> to vector<256x1xf32>
    %eq3A_269 = vector.broadcast %broadcast_in_dim3A_268 : vector<256x1xf32> to vector<256x2048xf32>
    %eq3A_270 = arith.cmpf oeq, %select_n3A_265, %eq3A_269 : vector<256x2048xf32>
    %jit3A_271 = arith.constant 2048 : i32
    %broadcast_in_dim3A_272 = vector.broadcast %jit3A_271 : i32 to vector<256x2048xi32>
    %select_n3A_273 = arith.select %eq3A_270, %iota3A, %broadcast_in_dim3A_272 : vector<256x2048xi1>, vector<256x2048xi32>
    %reduce_min3A_274 = arith.constant dense<2147483647> : vector<256xi32>
    %reduce_min3A_275 = vector.multi_reduction <minsi>, %select_n3A_273, %reduce_min3A_274 [1] : vector<256x2048xi32> to vector<256xi32>
    %broadcast_in_dim3A_276 = vector.shape_cast %reduce_min3A_275 : vector<256xi32> to vector<256x1xi32>
    %eq3A_277 = vector.broadcast %broadcast_in_dim3A_276 : vector<256x1xi32> to vector<256x2048xi32>
    %eq3A_278 = arith.cmpi eq, %select_n3A_273, %eq3A_277 : vector<256x2048xi32>
    %jit3A_279 = arith.constant -1.000000e+30 : f32
    %broadcast_in_dim3A_280 = vector.broadcast %jit3A_279 : f32 to vector<256x2048xf32>
    %select_n3A_281 = arith.select %eq3A_278, %broadcast_in_dim3A_280, %select_n3A_265 : vector<256x2048xi1>, vector<256x2048xf32>
    %reduce_max3A_282 = arith.constant dense<0xFF800000> : vector<256xf32>
    %reduce_max3A_283 = vector.multi_reduction <maximumf>, %select_n3A_281, %reduce_max3A_282 [1] : vector<256x2048xf32> to vector<256xf32>
    %broadcast_in_dim3A_284 = vector.shape_cast %reduce_max3A_283 : vector<256xf32> to vector<256x1xf32>
    %eq3A_285 = vector.broadcast %broadcast_in_dim3A_284 : vector<256x1xf32> to vector<256x2048xf32>
    %eq3A_286 = arith.cmpf oeq, %select_n3A_281, %eq3A_285 : vector<256x2048xf32>
    %jit3A_287 = arith.constant 2048 : i32
    %broadcast_in_dim3A_288 = vector.broadcast %jit3A_287 : i32 to vector<256x2048xi32>
    %select_n3A_289 = arith.select %eq3A_286, %iota3A, %broadcast_in_dim3A_288 : vector<256x2048xi1>, vector<256x2048xi32>
    %reduce_min3A_290 = arith.constant dense<2147483647> : vector<256xi32>
    %reduce_min3A_291 = vector.multi_reduction <minsi>, %select_n3A_289, %reduce_min3A_290 [1] : vector<256x2048xi32> to vector<256xi32>
    %broadcast_in_dim3A_292 = vector.shape_cast %reduce_min3A_291 : vector<256xi32> to vector<256x1xi32>
    %eq3A_293 = vector.broadcast %broadcast_in_dim3A_292 : vector<256x1xi32> to vector<256x2048xi32>
    %eq3A_294 = arith.cmpi eq, %select_n3A_289, %eq3A_293 : vector<256x2048xi32>
    %jit3A_295 = arith.constant -1.000000e+30 : f32
    %broadcast_in_dim3A_296 = vector.broadcast %jit3A_295 : f32 to vector<256x2048xf32>
    %select_n3A_297 = arith.select %eq3A_294, %broadcast_in_dim3A_296, %select_n3A_281 : vector<256x2048xi1>, vector<256x2048xf32>
    %reduce_max3A_298 = arith.constant dense<0xFF800000> : vector<256xf32>
    %reduce_max3A_299 = vector.multi_reduction <maximumf>, %select_n3A_297, %reduce_max3A_298 [1] : vector<256x2048xf32> to vector<256xf32>
    %broadcast_in_dim3A_300 = vector.shape_cast %reduce_max3A_299 : vector<256xf32> to vector<256x1xf32>
    %eq3A_301 = vector.broadcast %broadcast_in_dim3A_300 : vector<256x1xf32> to vector<256x2048xf32>
    %eq3A_302 = arith.cmpf oeq, %select_n3A_297, %eq3A_301 : vector<256x2048xf32>
    %jit3A_303 = arith.constant 2048 : i32
    %broadcast_in_dim3A_304 = vector.broadcast %jit3A_303 : i32 to vector<256x2048xi32>
    %select_n3A_305 = arith.select %eq3A_302, %iota3A, %broadcast_in_dim3A_304 : vector<256x2048xi1>, vector<256x2048xi32>
    %reduce_min3A_306 = arith.constant dense<2147483647> : vector<256xi32>
    %reduce_min3A_307 = vector.multi_reduction <minsi>, %select_n3A_305, %reduce_min3A_306 [1] : vector<256x2048xi32> to vector<256xi32>
    %broadcast_in_dim3A_308 = vector.shape_cast %reduce_min3A_307 : vector<256xi32> to vector<256x1xi32>
    %eq3A_309 = vector.broadcast %broadcast_in_dim3A_308 : vector<256x1xi32> to vector<256x2048xi32>
    %eq3A_310 = arith.cmpi eq, %select_n3A_305, %eq3A_309 : vector<256x2048xi32>
    %jit3A_311 = arith.constant -1.000000e+30 : f32
    %broadcast_in_dim3A_312 = vector.broadcast %jit3A_311 : f32 to vector<256x2048xf32>
    %select_n3A_313 = arith.select %eq3A_310, %broadcast_in_dim3A_312, %select_n3A_297 : vector<256x2048xi1>, vector<256x2048xf32>
    %reduce_max3A_314 = arith.constant dense<0xFF800000> : vector<256xf32>
    %reduce_max3A_315 = vector.multi_reduction <maximumf>, %select_n3A_313, %reduce_max3A_314 [1] : vector<256x2048xf32> to vector<256xf32>
    %broadcast_in_dim3A_316 = vector.shape_cast %reduce_max3A_315 : vector<256xf32> to vector<256x1xf32>
    %eq3A_317 = vector.broadcast %broadcast_in_dim3A_316 : vector<256x1xf32> to vector<256x2048xf32>
    %eq3A_318 = arith.cmpf oeq, %select_n3A_313, %eq3A_317 : vector<256x2048xf32>
    %jit3A_319 = arith.constant 2048 : i32
    %broadcast_in_dim3A_320 = vector.broadcast %jit3A_319 : i32 to vector<256x2048xi32>
    %select_n3A_321 = arith.select %eq3A_318, %iota3A, %broadcast_in_dim3A_320 : vector<256x2048xi1>, vector<256x2048xi32>
    %reduce_min3A_322 = arith.constant dense<2147483647> : vector<256xi32>
    %reduce_min3A_323 = vector.multi_reduction <minsi>, %select_n3A_321, %reduce_min3A_322 [1] : vector<256x2048xi32> to vector<256xi32>
    %broadcast_in_dim3A_324 = vector.shape_cast %reduce_min3A_323 : vector<256xi32> to vector<256x1xi32>
    %concatenate3A = tpu.concatenate %broadcast_in_dim3A_20, %broadcast_in_dim3A_36, %broadcast_in_dim3A_52, %broadcast_in_dim3A_68, %broadcast_in_dim3A_84, %broadcast_in_dim3A_100, %broadcast_in_dim3A_116, %broadcast_in_dim3A_132, %broadcast_in_dim3A_148, %broadcast_in_dim3A_164, %broadcast_in_dim3A_180, %broadcast_in_dim3A_196, %broadcast_in_dim3A_212, %broadcast_in_dim3A_228, %broadcast_in_dim3A_244, %broadcast_in_dim3A_260, %broadcast_in_dim3A_276, %broadcast_in_dim3A_292, %broadcast_in_dim3A_308, %broadcast_in_dim3A_324 in 1 : vector<256x1xi32>, vector<256x1xi32>, vector<256x1xi32>, vector<256x1xi32>, vector<256x1xi32>, vector<256x1xi32>, vector<256x1xi32>, vector<256x1xi32>, vector<256x1xi32>, vector<256x1xi32>, vector<256x1xi32>, vector<256x1xi32>, vector<256x1xi32>, vector<256x1xi32>, vector<256x1xi32>, vector<256x1xi32>, vector<256x1xi32>, vector<256x1xi32>, vector<256x1xi32>, vector<256x1xi32> -> vector<256x20xi32>
    %mul3A_325 = arith.constant 2048 : i32
    %mul3A_326 = arith.muli %arg0, %mul3A_325 : i32
    %add3A = vector.broadcast %mul3A_326 : i32 to vector<256x20xi32>
    %add3A_327 = arith.addi %concatenate3A, %add3A : vector<256x20xi32>
    %swap3A = arith.constant 0 : index
    %swap3A_328 = arith.constant 0 : index
    %swap3A_329 = arith.constant 0 : index
    %swap3A_330 = vector.load %arg4[%swap3A, %swap3A_328, %swap3A_329] : memref<1x256x20xi32, #tpu.memory_space<vmem>>, vector<1x256x20xi32>
    %swap3A_331 = vector.shape_cast %swap3A_330 : vector<1x256x20xi32> to vector<256x20xi32>
    %swap3A_332 = vector.shape_cast %add3A_327 : vector<256x20xi32> to vector<1x256x20xi32>
    tpu.vector_store %arg4[%swap3A, %swap3A_328, %swap3A_329], %swap3A_332 {strides = array<i32>} : memref<1x256x20xi32, #tpu.memory_space<vmem>>, vector<1x256x20xi32>,
    return
  }
  func.func @transform_0(%arg0: i32, %arg1: i32) -> (i32, i32, i32) {
    %c0_i32 = arith.constant 0 : i32
    %c0_i32_0 = arith.constant 0 : i32
    return %arg0, %arg1, %c0_i32 : i32, i32, i32
  }
  func.func @transform_1(%arg0: i32, %arg1: i32) -> (i32, i32, i32) {
    %c0_i32 = arith.constant 0 : i32
    %c0_i32_0 = arith.constant 0 : i32
    %c0_i32_1 = arith.constant 0 : i32
    return %arg0, %c0_i32, %c0_i32_0 : i32, i32, i32
  }
  func.func @transform_2(%arg0: i32, %arg1: i32) -> (i32, i32, i32) {
    %c0_i32 = arith.constant 0 : i32
    %c0_i32_0 = arith.constant 0 : i32
    return %arg0, %arg1, %c0_i32 : i32, i32, i32
  }
}

module attributes {stable_mosaic.version = 14 : i64} {
  func.func @body(%arg0: i32, %arg1: memref<640x128xf32, #tpu.memory_space<vmem>>, %arg2: memref<32x128xf32, #tpu.memory_space<vmem>>, %arg3: memref<32x128xf32, #tpu.memory_space<vmem>>, %arg4: memref<64x128xf32, #tpu.memory_space<vmem>>, %arg5: memref<32x64xf32, #tpu.memory_space<vmem>>, %arg6: memref<32x64xf32, #tpu.memory_space<vmem>>, %arg7: memref<1x64xf32, #tpu.memory_space<vmem>>, %arg8: memref<1x64xf32, #tpu.memory_space<vmem>>) attributes {dimension_semantics = [#tpu.dimension_semantics<arbitrary>], iteration_bounds = array<i64: 512>, scalar_prefetch = 0 : i64, scratch_operands = 0 : i64, tpu.core_type = #tpu.core_type<tc>, window_params = [{transform_indices = @transform_0, window_bounds = array<i64: 640, 128>}, {transform_indices = @transform_1, window_bounds = array<i64: 32, 128>}, {transform_indices = @transform_2, window_bounds = array<i64: 32, 128>}, {pipeline_mode = #tpu.pipeline_mode<synchronous>, transform_indices = @transform_3, window_bounds = array<i64: 64, 128>}, {transform_indices = @transform_4, window_bounds = array<i64: 32, 64>}, {transform_indices = @transform_5, window_bounds = array<i64: 32, 64>}, {pipeline_mode = #tpu.pipeline_mode<synchronous>, transform_indices = @transform_6, window_bounds = array<i64: 1, 64>}, {pipeline_mode = #tpu.pipeline_mode<synchronous>, transform_indices = @transform_7, window_bounds = array<i64: 1, 64>}]} {
    %get3A = arith.constant 0 : index
    %get3A_0 = arith.constant 0 : index
    %get3A_1 = vector.load %arg1[%get3A, %get3A_0] : memref<640x128xf32, #tpu.memory_space<vmem>>, vector<640x128xf32>
    %get3A_2 = arith.constant 0 : index
    %get3A_3 = arith.constant 0 : index
    %get3A_4 = vector.load %arg2[%get3A_2, %get3A_3] : memref<32x128xf32, #tpu.memory_space<vmem>>, vector<32x128xf32>
    %broadcast_in_dim3A = vector.shape_cast %get3A_4 : vector<32x128xf32> to vector<32x1x128xf32>
    %broadcast_in_dim3A_5 = vector.shape_cast %broadcast_in_dim3A : vector<32x1x128xf32> to vector<32x1x128xf32>
    %broadcast_in_dim3A_6 = vector.broadcast %broadcast_in_dim3A_5 : vector<32x1x128xf32> to vector<32x20x128xf32>
    %reshape3A = vector.shape_cast %broadcast_in_dim3A_6 : vector<32x20x128xf32> to vector<640x128xf32>
    %get3A_7 = arith.constant 0 : index
    %get3A_8 = arith.constant 0 : index
    %get3A_9 = vector.load %arg3[%get3A_7, %get3A_8] : memref<32x128xf32, #tpu.memory_space<vmem>>, vector<32x128xf32>
    %broadcast_in_dim3A_10 = vector.shape_cast %get3A_9 : vector<32x128xf32> to vector<32x1x128xf32>
    %broadcast_in_dim3A_11 = vector.shape_cast %broadcast_in_dim3A_10 : vector<32x1x128xf32> to vector<32x1x128xf32>
    %broadcast_in_dim3A_12 = vector.broadcast %broadcast_in_dim3A_11 : vector<32x1x128xf32> to vector<32x20x128xf32>
    %reshape3A_13 = vector.shape_cast %broadcast_in_dim3A_12 : vector<32x20x128xf32> to vector<640x128xf32>
    %iota3A = tpu.iota {dimensions = array<i32: 1>} : vector<640x128xi32>
    %lt3A = arith.constant 3 : i32
    %lt3A_14 = vector.broadcast %lt3A : i32 to vector<640x128xi32>
    %lt3A_15 = arith.cmpi slt, %iota3A, %lt3A_14 : vector<640x128xi32>
    %sub3A = arith.subf %get3A_1, %reshape3A : vector<640x128xf32>
    %select_n3A = arith.select %lt3A_15, %sub3A, %reshape3A_13 : vector<640x128xi1>, vector<640x128xf32>
    %get3A_16 = arith.constant 0 : index
    %get3A_17 = arith.constant 0 : index
    %get3A_18 = vector.load %arg4[%get3A_16, %get3A_17] : memref<64x128xf32, #tpu.memory_space<vmem>>, vector<64x128xf32>
    %dot_general3A = arith.constant dense<0.000000e+00> : vector<640x64xf32>
    %dot_general3A_19 = tpu.matmul %select_n3A, %get3A_18, %dot_general3A {dimension_numbers = #tpu.dot_dimension_numbers<[1], [1], [0], [0], [0, 0, 1, 0], [], []>, transpose_lhs_hint = false} : vector<640x128xf32>, vector<64x128xf32>, vector<640x64xf32> -> vector<640x64xf32>
    %reshape3A_20 = vector.shape_cast %dot_general3A_19 : vector<640x64xf32> to vector<32x20x64xf32>
    %reduce_max3A = arith.constant dense<0xFF800000> : vector<32x64xf32>
    %reduce_max3A_21 = vector.multi_reduction <maximumf>, %reshape3A_20, %reduce_max3A [1] : vector<32x20x64xf32> to vector<32x64xf32>
    %swap3A = arith.constant 0 : index
    %swap3A_22 = arith.constant 0 : index
    %swap3A_23 = vector.load %arg5[%swap3A, %swap3A_22] : memref<32x64xf32, #tpu.memory_space<vmem>>, vector<32x64xf32>
    tpu.vector_store %arg5[%swap3A, %swap3A_22], %reduce_max3A_21 {strides = array<i32>} : memref<32x64xf32, #tpu.memory_space<vmem>>, vector<32x64xf32>,
    %reduce_min3A = arith.constant dense<0x7F800000> : vector<32x64xf32>
    %reduce_min3A_24 = vector.multi_reduction <minimumf>, %reshape3A_20, %reduce_min3A [1] : vector<32x20x64xf32> to vector<32x64xf32>
    %swap3A_25 = arith.constant 0 : index
    %swap3A_26 = arith.constant 0 : index
    %swap3A_27 = vector.load %arg6[%swap3A_25, %swap3A_26] : memref<32x64xf32, #tpu.memory_space<vmem>>, vector<32x64xf32>
    tpu.vector_store %arg6[%swap3A_25, %swap3A_26], %reduce_min3A_24 {strides = array<i32>} : memref<32x64xf32, #tpu.memory_space<vmem>>, vector<32x64xf32>,
    %reduce_sum3A = arith.constant dense<0.000000e+00> : vector<64xf32>
    %reduce_sum3A_28 = vector.multi_reduction <add>, %reshape3A_20, %reduce_sum3A [0, 1] : vector<32x20x64xf32> to vector<64xf32>
    %reshape3A_29 = vector.shape_cast %reduce_sum3A_28 : vector<64xf32> to vector<1x64xf32>
    %mul3A = arith.mulf %reshape3A_20, %reshape3A_20 : vector<32x20x64xf32>
    %reduce_sum3A_30 = arith.constant dense<0.000000e+00> : vector<64xf32>
    %reduce_sum3A_31 = vector.multi_reduction <add>, %mul3A, %reduce_sum3A_30 [0, 1] : vector<32x20x64xf32> to vector<64xf32>
    %reshape3A_32 = vector.shape_cast %reduce_sum3A_31 : vector<64xf32> to vector<1x64xf32>
    %eq3A = arith.constant 0 : i32
    %eq3A_33 = arith.cmpi eq, %arg0, %eq3A : i32
    %convert_element_type3A = arith.extui %eq3A_33 : i1 to i32
    %cond3A = arith.constant 0 : i32
    %cond3A_34 = arith.cmpi ne, %convert_element_type3A, %cond3A : i32
    scf.if %cond3A_34 {
      %swap3A_39 = arith.constant 0 : index
      %swap3A_40 = arith.constant 0 : index
      %swap3A_41 = vector.load %arg7[%swap3A_39, %swap3A_40] : memref<1x64xf32, #tpu.memory_space<vmem>>, vector<1x64xf32>
      tpu.vector_store %arg7[%swap3A_39, %swap3A_40], %reshape3A_29 {strides = array<i32>} : memref<1x64xf32, #tpu.memory_space<vmem>>, vector<1x64xf32>,
      %swap3A_42 = arith.constant 0 : index
      %swap3A_43 = arith.constant 0 : index
      %swap3A_44 = vector.load %arg8[%swap3A_42, %swap3A_43] : memref<1x64xf32, #tpu.memory_space<vmem>>, vector<1x64xf32>
      tpu.vector_store %arg8[%swap3A_42, %swap3A_43], %reshape3A_32 {strides = array<i32>} : memref<1x64xf32, #tpu.memory_space<vmem>>, vector<1x64xf32>,
    } else {
    }
    %gt3A = arith.constant 0 : i32
    %gt3A_35 = arith.cmpi sgt, %arg0, %gt3A : i32
    %convert_element_type3A_36 = arith.extui %gt3A_35 : i1 to i32
    %cond3A_37 = arith.constant 0 : i32
    %cond3A_38 = arith.cmpi ne, %convert_element_type3A_36, %cond3A_37 : i32
    scf.if %cond3A_38 {
      %get3A_39 = arith.constant 0 : index
      %get3A_40 = arith.constant 0 : index
      %get3A_41 = vector.load %arg7[%get3A_39, %get3A_40] : memref<1x64xf32, #tpu.memory_space<vmem>>, vector<1x64xf32>
      %add3A = arith.addf %get3A_41, %reshape3A_29 : vector<1x64xf32>
      %swap3A_42 = arith.constant 0 : index
      %swap3A_43 = arith.constant 0 : index
      %swap3A_44 = vector.load %arg7[%swap3A_42, %swap3A_43] : memref<1x64xf32, #tpu.memory_space<vmem>>, vector<1x64xf32>
      tpu.vector_store %arg7[%swap3A_42, %swap3A_43], %add3A {strides = array<i32>} : memref<1x64xf32, #tpu.memory_space<vmem>>, vector<1x64xf32>,
      %get3A_45 = arith.constant 0 : index
      %get3A_46 = arith.constant 0 : index
      %get3A_47 = vector.load %arg8[%get3A_45, %get3A_46] : memref<1x64xf32, #tpu.memory_space<vmem>>, vector<1x64xf32>
      %add3A_48 = arith.addf %get3A_47, %reshape3A_32 : vector<1x64xf32>
      %swap3A_49 = arith.constant 0 : index
      %swap3A_50 = arith.constant 0 : index
      %swap3A_51 = vector.load %arg8[%swap3A_49, %swap3A_50] : memref<1x64xf32, #tpu.memory_space<vmem>>, vector<1x64xf32>
      tpu.vector_store %arg8[%swap3A_49, %swap3A_50], %add3A_48 {strides = array<i32>} : memref<1x64xf32, #tpu.memory_space<vmem>>, vector<1x64xf32>,
    } else {
    }
    return
  }
  func.func @transform_0(%arg0: i32) -> (i32, i32) {
    %c0_i32 = arith.constant 0 : i32
    %c0_i32_0 = arith.constant 0 : i32
    return %arg0, %c0_i32 : i32, i32
  }
  func.func @transform_1(%arg0: i32) -> (i32, i32) {
    %c0_i32 = arith.constant 0 : i32
    %c0_i32_0 = arith.constant 0 : i32
    return %arg0, %c0_i32 : i32, i32
  }
  func.func @transform_2(%arg0: i32) -> (i32, i32) {
    %c0_i32 = arith.constant 0 : i32
    %c0_i32_0 = arith.constant 0 : i32
    return %arg0, %c0_i32 : i32, i32
  }
  func.func @transform_3(%arg0: i32) -> (i32, i32) {
    %c0_i32 = arith.constant 0 : i32
    %c0_i32_0 = arith.constant 0 : i32
    %c0_i32_1 = arith.constant 0 : i32
    return %c0_i32, %c0_i32_0 : i32, i32
  }
  func.func @transform_4(%arg0: i32) -> (i32, i32) {
    %c0_i32 = arith.constant 0 : i32
    %c0_i32_0 = arith.constant 0 : i32
    return %arg0, %c0_i32 : i32, i32
  }
  func.func @transform_5(%arg0: i32) -> (i32, i32) {
    %c0_i32 = arith.constant 0 : i32
    %c0_i32_0 = arith.constant 0 : i32
    return %arg0, %c0_i32 : i32, i32
  }
  func.func @transform_6(%arg0: i32) -> (i32, i32) {
    %c0_i32 = arith.constant 0 : i32
    %c0_i32_0 = arith.constant 0 : i32
    %c0_i32_1 = arith.constant 0 : i32
    return %c0_i32, %c0_i32_0 : i32, i32
  }
  func.func @transform_7(%arg0: i32) -> (i32, i32) {
    %c0_i32 = arith.constant 0 : i32
    %c0_i32_0 = arith.constant 0 : i32
    %c0_i32_1 = arith.constant 0 : i32
    return %c0_i32, %c0_i32_0 : i32, i32
  }
}

module attributes {stable_mosaic.version = 14 : i64} {
  func.func @body(%arg0: i32, %arg1: memref<1024x64xf32, #tpu.memory_space<vmem>>, %arg2: memref<1024x64xf32, #tpu.memory_space<vmem>>, %arg3: memref<1x64xf32, #tpu.memory_space<vmem>>, %arg4: memref<1x64xf32, #tpu.memory_space<vmem>>, %arg5: memref<1x64xf32, #tpu.memory_space<vmem>>, %arg6: memref<1x64xf32, #tpu.memory_space<vmem>>, %arg7: memref<1024x64xf32, #tpu.memory_space<vmem>>) attributes {dimension_semantics = [#tpu.dimension_semantics<arbitrary>], iteration_bounds = array<i64: 16>, scalar_prefetch = 0 : i64, scratch_operands = 0 : i64, tpu.core_type = #tpu.core_type<tc>, window_params = [{transform_indices = @transform_0, window_bounds = array<i64: 1024, 64>}, {transform_indices = @transform_1, window_bounds = array<i64: 1024, 64>}, {pipeline_mode = #tpu.pipeline_mode<synchronous>, transform_indices = @transform_2, window_bounds = array<i64: 1, 64>}, {pipeline_mode = #tpu.pipeline_mode<synchronous>, transform_indices = @transform_3, window_bounds = array<i64: 1, 64>}, {pipeline_mode = #tpu.pipeline_mode<synchronous>, transform_indices = @transform_4, window_bounds = array<i64: 1, 64>}, {pipeline_mode = #tpu.pipeline_mode<synchronous>, transform_indices = @transform_5, window_bounds = array<i64: 1, 64>}, {transform_indices = @transform_6, window_bounds = array<i64: 1024, 64>}]} {
    %get3A = arith.constant 0 : index
    %get3A_0 = arith.constant 0 : index
    %get3A_1 = vector.load %arg3[%get3A, %get3A_0] : memref<1x64xf32, #tpu.memory_space<vmem>>, vector<1x64xf32>
    %get3A_2 = arith.constant 0 : index
    %get3A_3 = arith.constant 0 : index
    %get3A_4 = vector.load %arg4[%get3A_2, %get3A_3] : memref<1x64xf32, #tpu.memory_space<vmem>>, vector<1x64xf32>
    %div3A = arith.constant 3.276800e+05 : f32
    %div3A_5 = vector.broadcast %div3A : f32 to vector<1x64xf32>
    %div3A_6 = arith.divf %get3A_1, %div3A_5 : vector<1x64xf32>
    %div3A_7 = arith.constant 3.276800e+05 : f32
    %div3A_8 = vector.broadcast %div3A_7 : f32 to vector<1x64xf32>
    %div3A_9 = arith.divf %get3A_4, %div3A_8 : vector<1x64xf32>
    %mul3A = arith.mulf %div3A_6, %div3A_6 : vector<1x64xf32>
    %sub3A = arith.subf %div3A_9, %mul3A : vector<1x64xf32>
    %get3A_10 = arith.constant 0 : index
    %get3A_11 = arith.constant 0 : index
    %get3A_12 = vector.load %arg5[%get3A_10, %get3A_11] : memref<1x64xf32, #tpu.memory_space<vmem>>, vector<1x64xf32>
    %add3A = arith.constant 9.99999974E-6 : f32
    %add3A_13 = vector.broadcast %add3A : f32 to vector<1x64xf32>
    %add3A_14 = arith.addf %sub3A, %add3A_13 : vector<1x64xf32>
    %rsqrt3A = math.rsqrt %add3A_14 : vector<1x64xf32>
    %mul3A_15 = arith.mulf %get3A_12, %rsqrt3A : vector<1x64xf32>
    %get3A_16 = arith.constant 0 : index
    %get3A_17 = arith.constant 0 : index
    %get3A_18 = vector.load %arg6[%get3A_16, %get3A_17] : memref<1x64xf32, #tpu.memory_space<vmem>>, vector<1x64xf32>
    %mul3A_19 = arith.mulf %div3A_6, %mul3A_15 : vector<1x64xf32>
    %sub3A_20 = arith.subf %get3A_18, %mul3A_19 : vector<1x64xf32>
    %ge3A = arith.constant 0.000000e+00 : f32
    %ge3A_21 = vector.broadcast %ge3A : f32 to vector<1x64xf32>
    %ge3A_22 = arith.cmpf oge, %mul3A_15, %ge3A_21 : vector<1x64xf32>
    %get3A_23 = arith.constant 0 : index
    %get3A_24 = arith.constant 0 : index
    %get3A_25 = vector.load %arg1[%get3A_23, %get3A_24] : memref<1024x64xf32, #tpu.memory_space<vmem>>, vector<1024x64xf32>
    %get3A_26 = arith.constant 0 : index
    %get3A_27 = arith.constant 0 : index
    %get3A_28 = vector.load %arg2[%get3A_26, %get3A_27] : memref<1024x64xf32, #tpu.memory_space<vmem>>, vector<1024x64xf32>
    %broadcast_in_dim3A = vector.shape_cast %ge3A_22 : vector<1x64xi1> to vector<1x64xi1>
    %broadcast_in_dim3A_29 = vector.broadcast %broadcast_in_dim3A : vector<1x64xi1> to vector<1024x64xi1>
    %select_n3A = arith.select %broadcast_in_dim3A_29, %get3A_25, %get3A_28 : vector<1024x64xi1>, vector<1024x64xf32>
    %mul3A_30 = vector.broadcast %mul3A_15 : vector<1x64xf32> to vector<1024x64xf32>
    %mul3A_31 = arith.mulf %select_n3A, %mul3A_30 : vector<1024x64xf32>
    %add3A_32 = vector.broadcast %sub3A_20 : vector<1x64xf32> to vector<1024x64xf32>
    %add3A_33 = arith.addf %mul3A_31, %add3A_32 : vector<1024x64xf32>
    %ge3A_34 = arith.constant 0.000000e+00 : f32
    %ge3A_35 = vector.broadcast %ge3A_34 : f32 to vector<1024x64xf32>
    %ge3A_36 = arith.cmpf oge, %add3A_33, %ge3A_35 : vector<1024x64xf32>
    %mul3A_37 = arith.constant 2.000000e-01 : f32
    %mul3A_38 = vector.broadcast %mul3A_37 : f32 to vector<1024x64xf32>
    %mul3A_39 = arith.mulf %mul3A_38, %add3A_33 : vector<1024x64xf32>
    %select_n3A_40 = arith.select %ge3A_36, %add3A_33, %mul3A_39 : vector<1024x64xi1>, vector<1024x64xf32>
    %swap3A = arith.constant 0 : index
    %swap3A_41 = arith.constant 0 : index
    %swap3A_42 = vector.load %arg7[%swap3A, %swap3A_41] : memref<1024x64xf32, #tpu.memory_space<vmem>>, vector<1024x64xf32>
    tpu.vector_store %arg7[%swap3A, %swap3A_41], %select_n3A_40 {strides = array<i32>} : memref<1024x64xf32, #tpu.memory_space<vmem>>, vector<1024x64xf32>,
    return
  }
  func.func @transform_0(%arg0: i32) -> (i32, i32) {
    %c0_i32 = arith.constant 0 : i32
    %c0_i32_0 = arith.constant 0 : i32
    return %arg0, %c0_i32 : i32, i32
  }
  func.func @transform_1(%arg0: i32) -> (i32, i32) {
    %c0_i32 = arith.constant 0 : i32
    %c0_i32_0 = arith.constant 0 : i32
    return %arg0, %c0_i32 : i32, i32
  }
  func.func @transform_2(%arg0: i32) -> (i32, i32) {
    %c0_i32 = arith.constant 0 : i32
    %c0_i32_0 = arith.constant 0 : i32
    %c0_i32_1 = arith.constant 0 : i32
    return %c0_i32, %c0_i32_0 : i32, i32
  }
  func.func @transform_3(%arg0: i32) -> (i32, i32) {
    %c0_i32 = arith.constant 0 : i32
    %c0_i32_0 = arith.constant 0 : i32
    %c0_i32_1 = arith.constant 0 : i32
    return %c0_i32, %c0_i32_0 : i32, i32
  }
  func.func @transform_4(%arg0: i32) -> (i32, i32) {
    %c0_i32 = arith.constant 0 : i32
    %c0_i32_0 = arith.constant 0 : i32
    %c0_i32_1 = arith.constant 0 : i32
    return %c0_i32, %c0_i32_0 : i32, i32
  }
  func.func @transform_5(%arg0: i32) -> (i32, i32) {
    %c0_i32 = arith.constant 0 : i32
    %c0_i32_0 = arith.constant 0 : i32
    %c0_i32_1 = arith.constant 0 : i32
    return %c0_i32, %c0_i32_0 : i32, i32
  }
  func.func @transform_6(%arg0: i32) -> (i32, i32) {
    %c0_i32 = arith.constant 0 : i32
    %c0_i32_0 = arith.constant 0 : i32
    return %arg0, %c0_i32 : i32, i32
  }
}

module attributes {stable_mosaic.version = 14 : i64} {
  func.func @body(%arg0: i32, %arg1: i32, %arg2: memref<1x256x64xf32, #tpu.memory_space<vmem>>, %arg3: memref<1x64x2048xf32, #tpu.memory_space<vmem>>, %arg4: memref<1x256x20xi32, #tpu.memory_space<vmem>>) attributes {dimension_semantics = [#tpu.dimension_semantics<arbitrary>, #tpu.dimension_semantics<arbitrary>], iteration_bounds = array<i64: 8, 8>, scalar_prefetch = 0 : i64, scratch_operands = 0 : i64, tpu.core_type = #tpu.core_type<tc>, window_params = [{transform_indices = @transform_0, window_bounds = array<i64: 1, 256, 64>}, {transform_indices = @transform_1, window_bounds = array<i64: 1, 64, 2048>}, {transform_indices = @transform_2, window_bounds = array<i64: 1, 256, 20>}]} {
    %get3A = arith.constant 0 : index
    %get3A_0 = arith.constant 0 : index
    %get3A_1 = arith.constant 0 : index
    %get3A_2 = vector.load %arg2[%get3A, %get3A_0, %get3A_1] : memref<1x256x64xf32, #tpu.memory_space<vmem>>, vector<1x256x64xf32>
    %get3A_3 = vector.shape_cast %get3A_2 : vector<1x256x64xf32> to vector<256x64xf32>
    %get3A_4 = arith.constant 0 : index
    %get3A_5 = arith.constant 0 : index
    %get3A_6 = arith.constant 0 : index
    %get3A_7 = vector.load %arg3[%get3A_4, %get3A_5, %get3A_6] : memref<1x64x2048xf32, #tpu.memory_space<vmem>>, vector<1x64x2048xf32>
    %get3A_8 = vector.shape_cast %get3A_7 : vector<1x64x2048xf32> to vector<64x2048xf32>
    %dot_general3A = arith.constant dense<0.000000e+00> : vector<256x2048xf32>
    %dot_general3A_9 = tpu.matmul %get3A_3, %get3A_8, %dot_general3A {dimension_numbers = #tpu.dot_dimension_numbers<[1], [0], [0], [1], [0, 0, 1, 1], [], []>, transpose_lhs_hint = false} : vector<256x64xf32>, vector<64x2048xf32>, vector<256x2048xf32> -> vector<256x2048xf32>
    %mul3A = arith.mulf %get3A_8, %get3A_8 : vector<64x2048xf32>
    %reduce_sum3A = arith.constant dense<0.000000e+00> : vector<2048xf32>
    %reduce_sum3A_10 = vector.multi_reduction <add>, %mul3A, %reduce_sum3A [0] : vector<64x2048xf32> to vector<2048xf32>
    %broadcast_in_dim3A = vector.shape_cast %reduce_sum3A_10 : vector<2048xf32> to vector<1x2048xf32>
    %mul3A_11 = arith.constant 2.000000e+00 : f32
    %mul3A_12 = vector.broadcast %mul3A_11 : f32 to vector<256x2048xf32>
    %mul3A_13 = arith.mulf %mul3A_12, %dot_general3A_9 : vector<256x2048xf32>
    %sub3A = vector.broadcast %broadcast_in_dim3A : vector<1x2048xf32> to vector<256x2048xf32>
    %sub3A_14 = arith.subf %mul3A_13, %sub3A : vector<256x2048xf32>
    %iota3A = tpu.iota {dimensions = array<i32: 1>} : vector<256x2048xi32>
    %reduce_max3A = arith.constant dense<0xFF800000> : vector<256xf32>
    %reduce_max3A_15 = vector.multi_reduction <maximumf>, %sub3A_14, %reduce_max3A [1] : vector<256x2048xf32> to vector<256xf32>
    %broadcast_in_dim3A_16 = vector.shape_cast %reduce_max3A_15 : vector<256xf32> to vector<256x1xf32>
    %eq3A = vector.broadcast %broadcast_in_dim3A_16 : vector<256x1xf32> to vector<256x2048xf32>
    %eq3A_17 = arith.cmpf oeq, %sub3A_14, %eq3A : vector<256x2048xf32>
    %jit3A = arith.constant 2048 : i32
    %broadcast_in_dim3A_18 = vector.broadcast %jit3A : i32 to vector<256x2048xi32>
    %select_n3A = arith.select %eq3A_17, %iota3A, %broadcast_in_dim3A_18 : vector<256x2048xi1>, vector<256x2048xi32>
    %reduce_min3A = arith.constant dense<2147483647> : vector<256xi32>
    %reduce_min3A_19 = vector.multi_reduction <minsi>, %select_n3A, %reduce_min3A [1] : vector<256x2048xi32> to vector<256xi32>
    %broadcast_in_dim3A_20 = vector.shape_cast %reduce_min3A_19 : vector<256xi32> to vector<256x1xi32>
    %eq3A_21 = vector.broadcast %broadcast_in_dim3A_20 : vector<256x1xi32> to vector<256x2048xi32>
    %eq3A_22 = arith.cmpi eq, %select_n3A, %eq3A_21 : vector<256x2048xi32>
    %jit3A_23 = arith.constant -1.000000e+30 : f32
    %broadcast_in_dim3A_24 = vector.broadcast %jit3A_23 : f32 to vector<256x2048xf32>
    %select_n3A_25 = arith.select %eq3A_22, %broadcast_in_dim3A_24, %sub3A_14 : vector<256x2048xi1>, vector<256x2048xf32>
    %reduce_max3A_26 = arith.constant dense<0xFF800000> : vector<256xf32>
    %reduce_max3A_27 = vector.multi_reduction <maximumf>, %select_n3A_25, %reduce_max3A_26 [1] : vector<256x2048xf32> to vector<256xf32>
    %broadcast_in_dim3A_28 = vector.shape_cast %reduce_max3A_27 : vector<256xf32> to vector<256x1xf32>
    %eq3A_29 = vector.broadcast %broadcast_in_dim3A_28 : vector<256x1xf32> to vector<256x2048xf32>
    %eq3A_30 = arith.cmpf oeq, %select_n3A_25, %eq3A_29 : vector<256x2048xf32>
    %jit3A_31 = arith.constant 2048 : i32
    %broadcast_in_dim3A_32 = vector.broadcast %jit3A_31 : i32 to vector<256x2048xi32>
    %select_n3A_33 = arith.select %eq3A_30, %iota3A, %broadcast_in_dim3A_32 : vector<256x2048xi1>, vector<256x2048xi32>
    %reduce_min3A_34 = arith.constant dense<2147483647> : vector<256xi32>
    %reduce_min3A_35 = vector.multi_reduction <minsi>, %select_n3A_33, %reduce_min3A_34 [1] : vector<256x2048xi32> to vector<256xi32>
    %broadcast_in_dim3A_36 = vector.shape_cast %reduce_min3A_35 : vector<256xi32> to vector<256x1xi32>
    %eq3A_37 = vector.broadcast %broadcast_in_dim3A_36 : vector<256x1xi32> to vector<256x2048xi32>
    %eq3A_38 = arith.cmpi eq, %select_n3A_33, %eq3A_37 : vector<256x2048xi32>
    %jit3A_39 = arith.constant -1.000000e+30 : f32
    %broadcast_in_dim3A_40 = vector.broadcast %jit3A_39 : f32 to vector<256x2048xf32>
    %select_n3A_41 = arith.select %eq3A_38, %broadcast_in_dim3A_40, %select_n3A_25 : vector<256x2048xi1>, vector<256x2048xf32>
    %reduce_max3A_42 = arith.constant dense<0xFF800000> : vector<256xf32>
    %reduce_max3A_43 = vector.multi_reduction <maximumf>, %select_n3A_41, %reduce_max3A_42 [1] : vector<256x2048xf32> to vector<256xf32>
    %broadcast_in_dim3A_44 = vector.shape_cast %reduce_max3A_43 : vector<256xf32> to vector<256x1xf32>
    %eq3A_45 = vector.broadcast %broadcast_in_dim3A_44 : vector<256x1xf32> to vector<256x2048xf32>
    %eq3A_46 = arith.cmpf oeq, %select_n3A_41, %eq3A_45 : vector<256x2048xf32>
    %jit3A_47 = arith.constant 2048 : i32
    %broadcast_in_dim3A_48 = vector.broadcast %jit3A_47 : i32 to vector<256x2048xi32>
    %select_n3A_49 = arith.select %eq3A_46, %iota3A, %broadcast_in_dim3A_48 : vector<256x2048xi1>, vector<256x2048xi32>
    %reduce_min3A_50 = arith.constant dense<2147483647> : vector<256xi32>
    %reduce_min3A_51 = vector.multi_reduction <minsi>, %select_n3A_49, %reduce_min3A_50 [1] : vector<256x2048xi32> to vector<256xi32>
    %broadcast_in_dim3A_52 = vector.shape_cast %reduce_min3A_51 : vector<256xi32> to vector<256x1xi32>
    %eq3A_53 = vector.broadcast %broadcast_in_dim3A_52 : vector<256x1xi32> to vector<256x2048xi32>
    %eq3A_54 = arith.cmpi eq, %select_n3A_49, %eq3A_53 : vector<256x2048xi32>
    %jit3A_55 = arith.constant -1.000000e+30 : f32
    %broadcast_in_dim3A_56 = vector.broadcast %jit3A_55 : f32 to vector<256x2048xf32>
    %select_n3A_57 = arith.select %eq3A_54, %broadcast_in_dim3A_56, %select_n3A_41 : vector<256x2048xi1>, vector<256x2048xf32>
    %reduce_max3A_58 = arith.constant dense<0xFF800000> : vector<256xf32>
    %reduce_max3A_59 = vector.multi_reduction <maximumf>, %select_n3A_57, %reduce_max3A_58 [1] : vector<256x2048xf32> to vector<256xf32>
    %broadcast_in_dim3A_60 = vector.shape_cast %reduce_max3A_59 : vector<256xf32> to vector<256x1xf32>
    %eq3A_61 = vector.broadcast %broadcast_in_dim3A_60 : vector<256x1xf32> to vector<256x2048xf32>
    %eq3A_62 = arith.cmpf oeq, %select_n3A_57, %eq3A_61 : vector<256x2048xf32>
    %jit3A_63 = arith.constant 2048 : i32
    %broadcast_in_dim3A_64 = vector.broadcast %jit3A_63 : i32 to vector<256x2048xi32>
    %select_n3A_65 = arith.select %eq3A_62, %iota3A, %broadcast_in_dim3A_64 : vector<256x2048xi1>, vector<256x2048xi32>
    %reduce_min3A_66 = arith.constant dense<2147483647> : vector<256xi32>
    %reduce_min3A_67 = vector.multi_reduction <minsi>, %select_n3A_65, %reduce_min3A_66 [1] : vector<256x2048xi32> to vector<256xi32>
    %broadcast_in_dim3A_68 = vector.shape_cast %reduce_min3A_67 : vector<256xi32> to vector<256x1xi32>
    %eq3A_69 = vector.broadcast %broadcast_in_dim3A_68 : vector<256x1xi32> to vector<256x2048xi32>
    %eq3A_70 = arith.cmpi eq, %select_n3A_65, %eq3A_69 : vector<256x2048xi32>
    %jit3A_71 = arith.constant -1.000000e+30 : f32
    %broadcast_in_dim3A_72 = vector.broadcast %jit3A_71 : f32 to vector<256x2048xf32>
    %select_n3A_73 = arith.select %eq3A_70, %broadcast_in_dim3A_72, %select_n3A_57 : vector<256x2048xi1>, vector<256x2048xf32>
    %reduce_max3A_74 = arith.constant dense<0xFF800000> : vector<256xf32>
    %reduce_max3A_75 = vector.multi_reduction <maximumf>, %select_n3A_73, %reduce_max3A_74 [1] : vector<256x2048xf32> to vector<256xf32>
    %broadcast_in_dim3A_76 = vector.shape_cast %reduce_max3A_75 : vector<256xf32> to vector<256x1xf32>
    %eq3A_77 = vector.broadcast %broadcast_in_dim3A_76 : vector<256x1xf32> to vector<256x2048xf32>
    %eq3A_78 = arith.cmpf oeq, %select_n3A_73, %eq3A_77 : vector<256x2048xf32>
    %jit3A_79 = arith.constant 2048 : i32
    %broadcast_in_dim3A_80 = vector.broadcast %jit3A_79 : i32 to vector<256x2048xi32>
    %select_n3A_81 = arith.select %eq3A_78, %iota3A, %broadcast_in_dim3A_80 : vector<256x2048xi1>, vector<256x2048xi32>
    %reduce_min3A_82 = arith.constant dense<2147483647> : vector<256xi32>
    %reduce_min3A_83 = vector.multi_reduction <minsi>, %select_n3A_81, %reduce_min3A_82 [1] : vector<256x2048xi32> to vector<256xi32>
    %broadcast_in_dim3A_84 = vector.shape_cast %reduce_min3A_83 : vector<256xi32> to vector<256x1xi32>
    %eq3A_85 = vector.broadcast %broadcast_in_dim3A_84 : vector<256x1xi32> to vector<256x2048xi32>
    %eq3A_86 = arith.cmpi eq, %select_n3A_81, %eq3A_85 : vector<256x2048xi32>
    %jit3A_87 = arith.constant -1.000000e+30 : f32
    %broadcast_in_dim3A_88 = vector.broadcast %jit3A_87 : f32 to vector<256x2048xf32>
    %select_n3A_89 = arith.select %eq3A_86, %broadcast_in_dim3A_88, %select_n3A_73 : vector<256x2048xi1>, vector<256x2048xf32>
    %reduce_max3A_90 = arith.constant dense<0xFF800000> : vector<256xf32>
    %reduce_max3A_91 = vector.multi_reduction <maximumf>, %select_n3A_89, %reduce_max3A_90 [1] : vector<256x2048xf32> to vector<256xf32>
    %broadcast_in_dim3A_92 = vector.shape_cast %reduce_max3A_91 : vector<256xf32> to vector<256x1xf32>
    %eq3A_93 = vector.broadcast %broadcast_in_dim3A_92 : vector<256x1xf32> to vector<256x2048xf32>
    %eq3A_94 = arith.cmpf oeq, %select_n3A_89, %eq3A_93 : vector<256x2048xf32>
    %jit3A_95 = arith.constant 2048 : i32
    %broadcast_in_dim3A_96 = vector.broadcast %jit3A_95 : i32 to vector<256x2048xi32>
    %select_n3A_97 = arith.select %eq3A_94, %iota3A, %broadcast_in_dim3A_96 : vector<256x2048xi1>, vector<256x2048xi32>
    %reduce_min3A_98 = arith.constant dense<2147483647> : vector<256xi32>
    %reduce_min3A_99 = vector.multi_reduction <minsi>, %select_n3A_97, %reduce_min3A_98 [1] : vector<256x2048xi32> to vector<256xi32>
    %broadcast_in_dim3A_100 = vector.shape_cast %reduce_min3A_99 : vector<256xi32> to vector<256x1xi32>
    %eq3A_101 = vector.broadcast %broadcast_in_dim3A_100 : vector<256x1xi32> to vector<256x2048xi32>
    %eq3A_102 = arith.cmpi eq, %select_n3A_97, %eq3A_101 : vector<256x2048xi32>
    %jit3A_103 = arith.constant -1.000000e+30 : f32
    %broadcast_in_dim3A_104 = vector.broadcast %jit3A_103 : f32 to vector<256x2048xf32>
    %select_n3A_105 = arith.select %eq3A_102, %broadcast_in_dim3A_104, %select_n3A_89 : vector<256x2048xi1>, vector<256x2048xf32>
    %reduce_max3A_106 = arith.constant dense<0xFF800000> : vector<256xf32>
    %reduce_max3A_107 = vector.multi_reduction <maximumf>, %select_n3A_105, %reduce_max3A_106 [1] : vector<256x2048xf32> to vector<256xf32>
    %broadcast_in_dim3A_108 = vector.shape_cast %reduce_max3A_107 : vector<256xf32> to vector<256x1xf32>
    %eq3A_109 = vector.broadcast %broadcast_in_dim3A_108 : vector<256x1xf32> to vector<256x2048xf32>
    %eq3A_110 = arith.cmpf oeq, %select_n3A_105, %eq3A_109 : vector<256x2048xf32>
    %jit3A_111 = arith.constant 2048 : i32
    %broadcast_in_dim3A_112 = vector.broadcast %jit3A_111 : i32 to vector<256x2048xi32>
    %select_n3A_113 = arith.select %eq3A_110, %iota3A, %broadcast_in_dim3A_112 : vector<256x2048xi1>, vector<256x2048xi32>
    %reduce_min3A_114 = arith.constant dense<2147483647> : vector<256xi32>
    %reduce_min3A_115 = vector.multi_reduction <minsi>, %select_n3A_113, %reduce_min3A_114 [1] : vector<256x2048xi32> to vector<256xi32>
    %broadcast_in_dim3A_116 = vector.shape_cast %reduce_min3A_115 : vector<256xi32> to vector<256x1xi32>
    %eq3A_117 = vector.broadcast %broadcast_in_dim3A_116 : vector<256x1xi32> to vector<256x2048xi32>
    %eq3A_118 = arith.cmpi eq, %select_n3A_113, %eq3A_117 : vector<256x2048xi32>
    %jit3A_119 = arith.constant -1.000000e+30 : f32
    %broadcast_in_dim3A_120 = vector.broadcast %jit3A_119 : f32 to vector<256x2048xf32>
    %select_n3A_121 = arith.select %eq3A_118, %broadcast_in_dim3A_120, %select_n3A_105 : vector<256x2048xi1>, vector<256x2048xf32>
    %reduce_max3A_122 = arith.constant dense<0xFF800000> : vector<256xf32>
    %reduce_max3A_123 = vector.multi_reduction <maximumf>, %select_n3A_121, %reduce_max3A_122 [1] : vector<256x2048xf32> to vector<256xf32>
    %broadcast_in_dim3A_124 = vector.shape_cast %reduce_max3A_123 : vector<256xf32> to vector<256x1xf32>
    %eq3A_125 = vector.broadcast %broadcast_in_dim3A_124 : vector<256x1xf32> to vector<256x2048xf32>
    %eq3A_126 = arith.cmpf oeq, %select_n3A_121, %eq3A_125 : vector<256x2048xf32>
    %jit3A_127 = arith.constant 2048 : i32
    %broadcast_in_dim3A_128 = vector.broadcast %jit3A_127 : i32 to vector<256x2048xi32>
    %select_n3A_129 = arith.select %eq3A_126, %iota3A, %broadcast_in_dim3A_128 : vector<256x2048xi1>, vector<256x2048xi32>
    %reduce_min3A_130 = arith.constant dense<2147483647> : vector<256xi32>
    %reduce_min3A_131 = vector.multi_reduction <minsi>, %select_n3A_129, %reduce_min3A_130 [1] : vector<256x2048xi32> to vector<256xi32>
    %broadcast_in_dim3A_132 = vector.shape_cast %reduce_min3A_131 : vector<256xi32> to vector<256x1xi32>
    %eq3A_133 = vector.broadcast %broadcast_in_dim3A_132 : vector<256x1xi32> to vector<256x2048xi32>
    %eq3A_134 = arith.cmpi eq, %select_n3A_129, %eq3A_133 : vector<256x2048xi32>
    %jit3A_135 = arith.constant -1.000000e+30 : f32
    %broadcast_in_dim3A_136 = vector.broadcast %jit3A_135 : f32 to vector<256x2048xf32>
    %select_n3A_137 = arith.select %eq3A_134, %broadcast_in_dim3A_136, %select_n3A_121 : vector<256x2048xi1>, vector<256x2048xf32>
    %reduce_max3A_138 = arith.constant dense<0xFF800000> : vector<256xf32>
    %reduce_max3A_139 = vector.multi_reduction <maximumf>, %select_n3A_137, %reduce_max3A_138 [1] : vector<256x2048xf32> to vector<256xf32>
    %broadcast_in_dim3A_140 = vector.shape_cast %reduce_max3A_139 : vector<256xf32> to vector<256x1xf32>
    %eq3A_141 = vector.broadcast %broadcast_in_dim3A_140 : vector<256x1xf32> to vector<256x2048xf32>
    %eq3A_142 = arith.cmpf oeq, %select_n3A_137, %eq3A_141 : vector<256x2048xf32>
    %jit3A_143 = arith.constant 2048 : i32
    %broadcast_in_dim3A_144 = vector.broadcast %jit3A_143 : i32 to vector<256x2048xi32>
    %select_n3A_145 = arith.select %eq3A_142, %iota3A, %broadcast_in_dim3A_144 : vector<256x2048xi1>, vector<256x2048xi32>
    %reduce_min3A_146 = arith.constant dense<2147483647> : vector<256xi32>
    %reduce_min3A_147 = vector.multi_reduction <minsi>, %select_n3A_145, %reduce_min3A_146 [1] : vector<256x2048xi32> to vector<256xi32>
    %broadcast_in_dim3A_148 = vector.shape_cast %reduce_min3A_147 : vector<256xi32> to vector<256x1xi32>
    %eq3A_149 = vector.broadcast %broadcast_in_dim3A_148 : vector<256x1xi32> to vector<256x2048xi32>
    %eq3A_150 = arith.cmpi eq, %select_n3A_145, %eq3A_149 : vector<256x2048xi32>
    %jit3A_151 = arith.constant -1.000000e+30 : f32
    %broadcast_in_dim3A_152 = vector.broadcast %jit3A_151 : f32 to vector<256x2048xf32>
    %select_n3A_153 = arith.select %eq3A_150, %broadcast_in_dim3A_152, %select_n3A_137 : vector<256x2048xi1>, vector<256x2048xf32>
    %reduce_max3A_154 = arith.constant dense<0xFF800000> : vector<256xf32>
    %reduce_max3A_155 = vector.multi_reduction <maximumf>, %select_n3A_153, %reduce_max3A_154 [1] : vector<256x2048xf32> to vector<256xf32>
    %broadcast_in_dim3A_156 = vector.shape_cast %reduce_max3A_155 : vector<256xf32> to vector<256x1xf32>
    %eq3A_157 = vector.broadcast %broadcast_in_dim3A_156 : vector<256x1xf32> to vector<256x2048xf32>
    %eq3A_158 = arith.cmpf oeq, %select_n3A_153, %eq3A_157 : vector<256x2048xf32>
    %jit3A_159 = arith.constant 2048 : i32
    %broadcast_in_dim3A_160 = vector.broadcast %jit3A_159 : i32 to vector<256x2048xi32>
    %select_n3A_161 = arith.select %eq3A_158, %iota3A, %broadcast_in_dim3A_160 : vector<256x2048xi1>, vector<256x2048xi32>
    %reduce_min3A_162 = arith.constant dense<2147483647> : vector<256xi32>
    %reduce_min3A_163 = vector.multi_reduction <minsi>, %select_n3A_161, %reduce_min3A_162 [1] : vector<256x2048xi32> to vector<256xi32>
    %broadcast_in_dim3A_164 = vector.shape_cast %reduce_min3A_163 : vector<256xi32> to vector<256x1xi32>
    %eq3A_165 = vector.broadcast %broadcast_in_dim3A_164 : vector<256x1xi32> to vector<256x2048xi32>
    %eq3A_166 = arith.cmpi eq, %select_n3A_161, %eq3A_165 : vector<256x2048xi32>
    %jit3A_167 = arith.constant -1.000000e+30 : f32
    %broadcast_in_dim3A_168 = vector.broadcast %jit3A_167 : f32 to vector<256x2048xf32>
    %select_n3A_169 = arith.select %eq3A_166, %broadcast_in_dim3A_168, %select_n3A_153 : vector<256x2048xi1>, vector<256x2048xf32>
    %reduce_max3A_170 = arith.constant dense<0xFF800000> : vector<256xf32>
    %reduce_max3A_171 = vector.multi_reduction <maximumf>, %select_n3A_169, %reduce_max3A_170 [1] : vector<256x2048xf32> to vector<256xf32>
    %broadcast_in_dim3A_172 = vector.shape_cast %reduce_max3A_171 : vector<256xf32> to vector<256x1xf32>
    %eq3A_173 = vector.broadcast %broadcast_in_dim3A_172 : vector<256x1xf32> to vector<256x2048xf32>
    %eq3A_174 = arith.cmpf oeq, %select_n3A_169, %eq3A_173 : vector<256x2048xf32>
    %jit3A_175 = arith.constant 2048 : i32
    %broadcast_in_dim3A_176 = vector.broadcast %jit3A_175 : i32 to vector<256x2048xi32>
    %select_n3A_177 = arith.select %eq3A_174, %iota3A, %broadcast_in_dim3A_176 : vector<256x2048xi1>, vector<256x2048xi32>
    %reduce_min3A_178 = arith.constant dense<2147483647> : vector<256xi32>
    %reduce_min3A_179 = vector.multi_reduction <minsi>, %select_n3A_177, %reduce_min3A_178 [1] : vector<256x2048xi32> to vector<256xi32>
    %broadcast_in_dim3A_180 = vector.shape_cast %reduce_min3A_179 : vector<256xi32> to vector<256x1xi32>
    %eq3A_181 = vector.broadcast %broadcast_in_dim3A_180 : vector<256x1xi32> to vector<256x2048xi32>
    %eq3A_182 = arith.cmpi eq, %select_n3A_177, %eq3A_181 : vector<256x2048xi32>
    %jit3A_183 = arith.constant -1.000000e+30 : f32
    %broadcast_in_dim3A_184 = vector.broadcast %jit3A_183 : f32 to vector<256x2048xf32>
    %select_n3A_185 = arith.select %eq3A_182, %broadcast_in_dim3A_184, %select_n3A_169 : vector<256x2048xi1>, vector<256x2048xf32>
    %reduce_max3A_186 = arith.constant dense<0xFF800000> : vector<256xf32>
    %reduce_max3A_187 = vector.multi_reduction <maximumf>, %select_n3A_185, %reduce_max3A_186 [1] : vector<256x2048xf32> to vector<256xf32>
    %broadcast_in_dim3A_188 = vector.shape_cast %reduce_max3A_187 : vector<256xf32> to vector<256x1xf32>
    %eq3A_189 = vector.broadcast %broadcast_in_dim3A_188 : vector<256x1xf32> to vector<256x2048xf32>
    %eq3A_190 = arith.cmpf oeq, %select_n3A_185, %eq3A_189 : vector<256x2048xf32>
    %jit3A_191 = arith.constant 2048 : i32
    %broadcast_in_dim3A_192 = vector.broadcast %jit3A_191 : i32 to vector<256x2048xi32>
    %select_n3A_193 = arith.select %eq3A_190, %iota3A, %broadcast_in_dim3A_192 : vector<256x2048xi1>, vector<256x2048xi32>
    %reduce_min3A_194 = arith.constant dense<2147483647> : vector<256xi32>
    %reduce_min3A_195 = vector.multi_reduction <minsi>, %select_n3A_193, %reduce_min3A_194 [1] : vector<256x2048xi32> to vector<256xi32>
    %broadcast_in_dim3A_196 = vector.shape_cast %reduce_min3A_195 : vector<256xi32> to vector<256x1xi32>
    %eq3A_197 = vector.broadcast %broadcast_in_dim3A_196 : vector<256x1xi32> to vector<256x2048xi32>
    %eq3A_198 = arith.cmpi eq, %select_n3A_193, %eq3A_197 : vector<256x2048xi32>
    %jit3A_199 = arith.constant -1.000000e+30 : f32
    %broadcast_in_dim3A_200 = vector.broadcast %jit3A_199 : f32 to vector<256x2048xf32>
    %select_n3A_201 = arith.select %eq3A_198, %broadcast_in_dim3A_200, %select_n3A_185 : vector<256x2048xi1>, vector<256x2048xf32>
    %reduce_max3A_202 = arith.constant dense<0xFF800000> : vector<256xf32>
    %reduce_max3A_203 = vector.multi_reduction <maximumf>, %select_n3A_201, %reduce_max3A_202 [1] : vector<256x2048xf32> to vector<256xf32>
    %broadcast_in_dim3A_204 = vector.shape_cast %reduce_max3A_203 : vector<256xf32> to vector<256x1xf32>
    %eq3A_205 = vector.broadcast %broadcast_in_dim3A_204 : vector<256x1xf32> to vector<256x2048xf32>
    %eq3A_206 = arith.cmpf oeq, %select_n3A_201, %eq3A_205 : vector<256x2048xf32>
    %jit3A_207 = arith.constant 2048 : i32
    %broadcast_in_dim3A_208 = vector.broadcast %jit3A_207 : i32 to vector<256x2048xi32>
    %select_n3A_209 = arith.select %eq3A_206, %iota3A, %broadcast_in_dim3A_208 : vector<256x2048xi1>, vector<256x2048xi32>
    %reduce_min3A_210 = arith.constant dense<2147483647> : vector<256xi32>
    %reduce_min3A_211 = vector.multi_reduction <minsi>, %select_n3A_209, %reduce_min3A_210 [1] : vector<256x2048xi32> to vector<256xi32>
    %broadcast_in_dim3A_212 = vector.shape_cast %reduce_min3A_211 : vector<256xi32> to vector<256x1xi32>
    %eq3A_213 = vector.broadcast %broadcast_in_dim3A_212 : vector<256x1xi32> to vector<256x2048xi32>
    %eq3A_214 = arith.cmpi eq, %select_n3A_209, %eq3A_213 : vector<256x2048xi32>
    %jit3A_215 = arith.constant -1.000000e+30 : f32
    %broadcast_in_dim3A_216 = vector.broadcast %jit3A_215 : f32 to vector<256x2048xf32>
    %select_n3A_217 = arith.select %eq3A_214, %broadcast_in_dim3A_216, %select_n3A_201 : vector<256x2048xi1>, vector<256x2048xf32>
    %reduce_max3A_218 = arith.constant dense<0xFF800000> : vector<256xf32>
    %reduce_max3A_219 = vector.multi_reduction <maximumf>, %select_n3A_217, %reduce_max3A_218 [1] : vector<256x2048xf32> to vector<256xf32>
    %broadcast_in_dim3A_220 = vector.shape_cast %reduce_max3A_219 : vector<256xf32> to vector<256x1xf32>
    %eq3A_221 = vector.broadcast %broadcast_in_dim3A_220 : vector<256x1xf32> to vector<256x2048xf32>
    %eq3A_222 = arith.cmpf oeq, %select_n3A_217, %eq3A_221 : vector<256x2048xf32>
    %jit3A_223 = arith.constant 2048 : i32
    %broadcast_in_dim3A_224 = vector.broadcast %jit3A_223 : i32 to vector<256x2048xi32>
    %select_n3A_225 = arith.select %eq3A_222, %iota3A, %broadcast_in_dim3A_224 : vector<256x2048xi1>, vector<256x2048xi32>
    %reduce_min3A_226 = arith.constant dense<2147483647> : vector<256xi32>
    %reduce_min3A_227 = vector.multi_reduction <minsi>, %select_n3A_225, %reduce_min3A_226 [1] : vector<256x2048xi32> to vector<256xi32>
    %broadcast_in_dim3A_228 = vector.shape_cast %reduce_min3A_227 : vector<256xi32> to vector<256x1xi32>
    %eq3A_229 = vector.broadcast %broadcast_in_dim3A_228 : vector<256x1xi32> to vector<256x2048xi32>
    %eq3A_230 = arith.cmpi eq, %select_n3A_225, %eq3A_229 : vector<256x2048xi32>
    %jit3A_231 = arith.constant -1.000000e+30 : f32
    %broadcast_in_dim3A_232 = vector.broadcast %jit3A_231 : f32 to vector<256x2048xf32>
    %select_n3A_233 = arith.select %eq3A_230, %broadcast_in_dim3A_232, %select_n3A_217 : vector<256x2048xi1>, vector<256x2048xf32>
    %reduce_max3A_234 = arith.constant dense<0xFF800000> : vector<256xf32>
    %reduce_max3A_235 = vector.multi_reduction <maximumf>, %select_n3A_233, %reduce_max3A_234 [1] : vector<256x2048xf32> to vector<256xf32>
    %broadcast_in_dim3A_236 = vector.shape_cast %reduce_max3A_235 : vector<256xf32> to vector<256x1xf32>
    %eq3A_237 = vector.broadcast %broadcast_in_dim3A_236 : vector<256x1xf32> to vector<256x2048xf32>
    %eq3A_238 = arith.cmpf oeq, %select_n3A_233, %eq3A_237 : vector<256x2048xf32>
    %jit3A_239 = arith.constant 2048 : i32
    %broadcast_in_dim3A_240 = vector.broadcast %jit3A_239 : i32 to vector<256x2048xi32>
    %select_n3A_241 = arith.select %eq3A_238, %iota3A, %broadcast_in_dim3A_240 : vector<256x2048xi1>, vector<256x2048xi32>
    %reduce_min3A_242 = arith.constant dense<2147483647> : vector<256xi32>
    %reduce_min3A_243 = vector.multi_reduction <minsi>, %select_n3A_241, %reduce_min3A_242 [1] : vector<256x2048xi32> to vector<256xi32>
    %broadcast_in_dim3A_244 = vector.shape_cast %reduce_min3A_243 : vector<256xi32> to vector<256x1xi32>
    %eq3A_245 = vector.broadcast %broadcast_in_dim3A_244 : vector<256x1xi32> to vector<256x2048xi32>
    %eq3A_246 = arith.cmpi eq, %select_n3A_241, %eq3A_245 : vector<256x2048xi32>
    %jit3A_247 = arith.constant -1.000000e+30 : f32
    %broadcast_in_dim3A_248 = vector.broadcast %jit3A_247 : f32 to vector<256x2048xf32>
    %select_n3A_249 = arith.select %eq3A_246, %broadcast_in_dim3A_248, %select_n3A_233 : vector<256x2048xi1>, vector<256x2048xf32>
    %reduce_max3A_250 = arith.constant dense<0xFF800000> : vector<256xf32>
    %reduce_max3A_251 = vector.multi_reduction <maximumf>, %select_n3A_249, %reduce_max3A_250 [1] : vector<256x2048xf32> to vector<256xf32>
    %broadcast_in_dim3A_252 = vector.shape_cast %reduce_max3A_251 : vector<256xf32> to vector<256x1xf32>
    %eq3A_253 = vector.broadcast %broadcast_in_dim3A_252 : vector<256x1xf32> to vector<256x2048xf32>
    %eq3A_254 = arith.cmpf oeq, %select_n3A_249, %eq3A_253 : vector<256x2048xf32>
    %jit3A_255 = arith.constant 2048 : i32
    %broadcast_in_dim3A_256 = vector.broadcast %jit3A_255 : i32 to vector<256x2048xi32>
    %select_n3A_257 = arith.select %eq3A_254, %iota3A, %broadcast_in_dim3A_256 : vector<256x2048xi1>, vector<256x2048xi32>
    %reduce_min3A_258 = arith.constant dense<2147483647> : vector<256xi32>
    %reduce_min3A_259 = vector.multi_reduction <minsi>, %select_n3A_257, %reduce_min3A_258 [1] : vector<256x2048xi32> to vector<256xi32>
    %broadcast_in_dim3A_260 = vector.shape_cast %reduce_min3A_259 : vector<256xi32> to vector<256x1xi32>
    %eq3A_261 = vector.broadcast %broadcast_in_dim3A_260 : vector<256x1xi32> to vector<256x2048xi32>
    %eq3A_262 = arith.cmpi eq, %select_n3A_257, %eq3A_261 : vector<256x2048xi32>
    %jit3A_263 = arith.constant -1.000000e+30 : f32
    %broadcast_in_dim3A_264 = vector.broadcast %jit3A_263 : f32 to vector<256x2048xf32>
    %select_n3A_265 = arith.select %eq3A_262, %broadcast_in_dim3A_264, %select_n3A_249 : vector<256x2048xi1>, vector<256x2048xf32>
    %reduce_max3A_266 = arith.constant dense<0xFF800000> : vector<256xf32>
    %reduce_max3A_267 = vector.multi_reduction <maximumf>, %select_n3A_265, %reduce_max3A_266 [1] : vector<256x2048xf32> to vector<256xf32>
    %broadcast_in_dim3A_268 = vector.shape_cast %reduce_max3A_267 : vector<256xf32> to vector<256x1xf32>
    %eq3A_269 = vector.broadcast %broadcast_in_dim3A_268 : vector<256x1xf32> to vector<256x2048xf32>
    %eq3A_270 = arith.cmpf oeq, %select_n3A_265, %eq3A_269 : vector<256x2048xf32>
    %jit3A_271 = arith.constant 2048 : i32
    %broadcast_in_dim3A_272 = vector.broadcast %jit3A_271 : i32 to vector<256x2048xi32>
    %select_n3A_273 = arith.select %eq3A_270, %iota3A, %broadcast_in_dim3A_272 : vector<256x2048xi1>, vector<256x2048xi32>
    %reduce_min3A_274 = arith.constant dense<2147483647> : vector<256xi32>
    %reduce_min3A_275 = vector.multi_reduction <minsi>, %select_n3A_273, %reduce_min3A_274 [1] : vector<256x2048xi32> to vector<256xi32>
    %broadcast_in_dim3A_276 = vector.shape_cast %reduce_min3A_275 : vector<256xi32> to vector<256x1xi32>
    %eq3A_277 = vector.broadcast %broadcast_in_dim3A_276 : vector<256x1xi32> to vector<256x2048xi32>
    %eq3A_278 = arith.cmpi eq, %select_n3A_273, %eq3A_277 : vector<256x2048xi32>
    %jit3A_279 = arith.constant -1.000000e+30 : f32
    %broadcast_in_dim3A_280 = vector.broadcast %jit3A_279 : f32 to vector<256x2048xf32>
    %select_n3A_281 = arith.select %eq3A_278, %broadcast_in_dim3A_280, %select_n3A_265 : vector<256x2048xi1>, vector<256x2048xf32>
    %reduce_max3A_282 = arith.constant dense<0xFF800000> : vector<256xf32>
    %reduce_max3A_283 = vector.multi_reduction <maximumf>, %select_n3A_281, %reduce_max3A_282 [1] : vector<256x2048xf32> to vector<256xf32>
    %broadcast_in_dim3A_284 = vector.shape_cast %reduce_max3A_283 : vector<256xf32> to vector<256x1xf32>
    %eq3A_285 = vector.broadcast %broadcast_in_dim3A_284 : vector<256x1xf32> to vector<256x2048xf32>
    %eq3A_286 = arith.cmpf oeq, %select_n3A_281, %eq3A_285 : vector<256x2048xf32>
    %jit3A_287 = arith.constant 2048 : i32
    %broadcast_in_dim3A_288 = vector.broadcast %jit3A_287 : i32 to vector<256x2048xi32>
    %select_n3A_289 = arith.select %eq3A_286, %iota3A, %broadcast_in_dim3A_288 : vector<256x2048xi1>, vector<256x2048xi32>
    %reduce_min3A_290 = arith.constant dense<2147483647> : vector<256xi32>
    %reduce_min3A_291 = vector.multi_reduction <minsi>, %select_n3A_289, %reduce_min3A_290 [1] : vector<256x2048xi32> to vector<256xi32>
    %broadcast_in_dim3A_292 = vector.shape_cast %reduce_min3A_291 : vector<256xi32> to vector<256x1xi32>
    %eq3A_293 = vector.broadcast %broadcast_in_dim3A_292 : vector<256x1xi32> to vector<256x2048xi32>
    %eq3A_294 = arith.cmpi eq, %select_n3A_289, %eq3A_293 : vector<256x2048xi32>
    %jit3A_295 = arith.constant -1.000000e+30 : f32
    %broadcast_in_dim3A_296 = vector.broadcast %jit3A_295 : f32 to vector<256x2048xf32>
    %select_n3A_297 = arith.select %eq3A_294, %broadcast_in_dim3A_296, %select_n3A_281 : vector<256x2048xi1>, vector<256x2048xf32>
    %reduce_max3A_298 = arith.constant dense<0xFF800000> : vector<256xf32>
    %reduce_max3A_299 = vector.multi_reduction <maximumf>, %select_n3A_297, %reduce_max3A_298 [1] : vector<256x2048xf32> to vector<256xf32>
    %broadcast_in_dim3A_300 = vector.shape_cast %reduce_max3A_299 : vector<256xf32> to vector<256x1xf32>
    %eq3A_301 = vector.broadcast %broadcast_in_dim3A_300 : vector<256x1xf32> to vector<256x2048xf32>
    %eq3A_302 = arith.cmpf oeq, %select_n3A_297, %eq3A_301 : vector<256x2048xf32>
    %jit3A_303 = arith.constant 2048 : i32
    %broadcast_in_dim3A_304 = vector.broadcast %jit3A_303 : i32 to vector<256x2048xi32>
    %select_n3A_305 = arith.select %eq3A_302, %iota3A, %broadcast_in_dim3A_304 : vector<256x2048xi1>, vector<256x2048xi32>
    %reduce_min3A_306 = arith.constant dense<2147483647> : vector<256xi32>
    %reduce_min3A_307 = vector.multi_reduction <minsi>, %select_n3A_305, %reduce_min3A_306 [1] : vector<256x2048xi32> to vector<256xi32>
    %broadcast_in_dim3A_308 = vector.shape_cast %reduce_min3A_307 : vector<256xi32> to vector<256x1xi32>
    %eq3A_309 = vector.broadcast %broadcast_in_dim3A_308 : vector<256x1xi32> to vector<256x2048xi32>
    %eq3A_310 = arith.cmpi eq, %select_n3A_305, %eq3A_309 : vector<256x2048xi32>
    %jit3A_311 = arith.constant -1.000000e+30 : f32
    %broadcast_in_dim3A_312 = vector.broadcast %jit3A_311 : f32 to vector<256x2048xf32>
    %select_n3A_313 = arith.select %eq3A_310, %broadcast_in_dim3A_312, %select_n3A_297 : vector<256x2048xi1>, vector<256x2048xf32>
    %reduce_max3A_314 = arith.constant dense<0xFF800000> : vector<256xf32>
    %reduce_max3A_315 = vector.multi_reduction <maximumf>, %select_n3A_313, %reduce_max3A_314 [1] : vector<256x2048xf32> to vector<256xf32>
    %broadcast_in_dim3A_316 = vector.shape_cast %reduce_max3A_315 : vector<256xf32> to vector<256x1xf32>
    %eq3A_317 = vector.broadcast %broadcast_in_dim3A_316 : vector<256x1xf32> to vector<256x2048xf32>
    %eq3A_318 = arith.cmpf oeq, %select_n3A_313, %eq3A_317 : vector<256x2048xf32>
    %jit3A_319 = arith.constant 2048 : i32
    %broadcast_in_dim3A_320 = vector.broadcast %jit3A_319 : i32 to vector<256x2048xi32>
    %select_n3A_321 = arith.select %eq3A_318, %iota3A, %broadcast_in_dim3A_320 : vector<256x2048xi1>, vector<256x2048xi32>
    %reduce_min3A_322 = arith.constant dense<2147483647> : vector<256xi32>
    %reduce_min3A_323 = vector.multi_reduction <minsi>, %select_n3A_321, %reduce_min3A_322 [1] : vector<256x2048xi32> to vector<256xi32>
    %broadcast_in_dim3A_324 = vector.shape_cast %reduce_min3A_323 : vector<256xi32> to vector<256x1xi32>
    %concatenate3A = tpu.concatenate %broadcast_in_dim3A_20, %broadcast_in_dim3A_36, %broadcast_in_dim3A_52, %broadcast_in_dim3A_68, %broadcast_in_dim3A_84, %broadcast_in_dim3A_100, %broadcast_in_dim3A_116, %broadcast_in_dim3A_132, %broadcast_in_dim3A_148, %broadcast_in_dim3A_164, %broadcast_in_dim3A_180, %broadcast_in_dim3A_196, %broadcast_in_dim3A_212, %broadcast_in_dim3A_228, %broadcast_in_dim3A_244, %broadcast_in_dim3A_260, %broadcast_in_dim3A_276, %broadcast_in_dim3A_292, %broadcast_in_dim3A_308, %broadcast_in_dim3A_324 in 1 : vector<256x1xi32>, vector<256x1xi32>, vector<256x1xi32>, vector<256x1xi32>, vector<256x1xi32>, vector<256x1xi32>, vector<256x1xi32>, vector<256x1xi32>, vector<256x1xi32>, vector<256x1xi32>, vector<256x1xi32>, vector<256x1xi32>, vector<256x1xi32>, vector<256x1xi32>, vector<256x1xi32>, vector<256x1xi32>, vector<256x1xi32>, vector<256x1xi32>, vector<256x1xi32>, vector<256x1xi32> -> vector<256x20xi32>
    %mul3A_325 = arith.constant 2048 : i32
    %mul3A_326 = arith.muli %arg0, %mul3A_325 : i32
    %add3A = vector.broadcast %mul3A_326 : i32 to vector<256x20xi32>
    %add3A_327 = arith.addi %concatenate3A, %add3A : vector<256x20xi32>
    %swap3A = arith.constant 0 : index
    %swap3A_328 = arith.constant 0 : index
    %swap3A_329 = arith.constant 0 : index
    %swap3A_330 = vector.load %arg4[%swap3A, %swap3A_328, %swap3A_329] : memref<1x256x20xi32, #tpu.memory_space<vmem>>, vector<1x256x20xi32>
    %swap3A_331 = vector.shape_cast %swap3A_330 : vector<1x256x20xi32> to vector<256x20xi32>
    %swap3A_332 = vector.shape_cast %add3A_327 : vector<256x20xi32> to vector<1x256x20xi32>
    tpu.vector_store %arg4[%swap3A, %swap3A_328, %swap3A_329], %swap3A_332 {strides = array<i32>} : memref<1x256x20xi32, #tpu.memory_space<vmem>>, vector<1x256x20xi32>,
    return
  }
  func.func @transform_0(%arg0: i32, %arg1: i32) -> (i32, i32, i32) {
    %c0_i32 = arith.constant 0 : i32
    %c0_i32_0 = arith.constant 0 : i32
    return %arg0, %arg1, %c0_i32 : i32, i32, i32
  }
  func.func @transform_1(%arg0: i32, %arg1: i32) -> (i32, i32, i32) {
    %c0_i32 = arith.constant 0 : i32
    %c0_i32_0 = arith.constant 0 : i32
    %c0_i32_1 = arith.constant 0 : i32
    return %arg0, %c0_i32, %c0_i32_0 : i32, i32, i32
  }
  func.func @transform_2(%arg0: i32, %arg1: i32) -> (i32, i32, i32) {
    %c0_i32 = arith.constant 0 : i32
    %c0_i32_0 = arith.constant 0 : i32
    return %arg0, %arg1, %c0_i32 : i32, i32, i32
  }
}

module attributes {stable_mosaic.version = 14 : i64} {
  func.func @body(%arg0: i32, %arg1: memref<640x128xf32, #tpu.memory_space<vmem>>, %arg2: memref<32x128xf32, #tpu.memory_space<vmem>>, %arg3: memref<32x128xf32, #tpu.memory_space<vmem>>, %arg4: memref<64x128xf32, #tpu.memory_space<vmem>>, %arg5: memref<32x64xf32, #tpu.memory_space<vmem>>, %arg6: memref<32x64xf32, #tpu.memory_space<vmem>>, %arg7: memref<1x64xf32, #tpu.memory_space<vmem>>, %arg8: memref<1x64xf32, #tpu.memory_space<vmem>>) attributes {dimension_semantics = [#tpu.dimension_semantics<arbitrary>], iteration_bounds = array<i64: 512>, scalar_prefetch = 0 : i64, scratch_operands = 0 : i64, tpu.core_type = #tpu.core_type<tc>, window_params = [{transform_indices = @transform_0, window_bounds = array<i64: 640, 128>}, {transform_indices = @transform_1, window_bounds = array<i64: 32, 128>}, {transform_indices = @transform_2, window_bounds = array<i64: 32, 128>}, {pipeline_mode = #tpu.pipeline_mode<synchronous>, transform_indices = @transform_3, window_bounds = array<i64: 64, 128>}, {transform_indices = @transform_4, window_bounds = array<i64: 32, 64>}, {transform_indices = @transform_5, window_bounds = array<i64: 32, 64>}, {pipeline_mode = #tpu.pipeline_mode<synchronous>, transform_indices = @transform_6, window_bounds = array<i64: 1, 64>}, {pipeline_mode = #tpu.pipeline_mode<synchronous>, transform_indices = @transform_7, window_bounds = array<i64: 1, 64>}]} {
    %get3A = arith.constant 0 : index
    %get3A_0 = arith.constant 0 : index
    %get3A_1 = vector.load %arg1[%get3A, %get3A_0] : memref<640x128xf32, #tpu.memory_space<vmem>>, vector<640x128xf32>
    %get3A_2 = arith.constant 0 : index
    %get3A_3 = arith.constant 0 : index
    %get3A_4 = vector.load %arg2[%get3A_2, %get3A_3] : memref<32x128xf32, #tpu.memory_space<vmem>>, vector<32x128xf32>
    %broadcast_in_dim3A = vector.shape_cast %get3A_4 : vector<32x128xf32> to vector<32x1x128xf32>
    %broadcast_in_dim3A_5 = vector.shape_cast %broadcast_in_dim3A : vector<32x1x128xf32> to vector<32x1x128xf32>
    %broadcast_in_dim3A_6 = vector.broadcast %broadcast_in_dim3A_5 : vector<32x1x128xf32> to vector<32x20x128xf32>
    %reshape3A = vector.shape_cast %broadcast_in_dim3A_6 : vector<32x20x128xf32> to vector<640x128xf32>
    %get3A_7 = arith.constant 0 : index
    %get3A_8 = arith.constant 0 : index
    %get3A_9 = vector.load %arg3[%get3A_7, %get3A_8] : memref<32x128xf32, #tpu.memory_space<vmem>>, vector<32x128xf32>
    %broadcast_in_dim3A_10 = vector.shape_cast %get3A_9 : vector<32x128xf32> to vector<32x1x128xf32>
    %broadcast_in_dim3A_11 = vector.shape_cast %broadcast_in_dim3A_10 : vector<32x1x128xf32> to vector<32x1x128xf32>
    %broadcast_in_dim3A_12 = vector.broadcast %broadcast_in_dim3A_11 : vector<32x1x128xf32> to vector<32x20x128xf32>
    %reshape3A_13 = vector.shape_cast %broadcast_in_dim3A_12 : vector<32x20x128xf32> to vector<640x128xf32>
    %iota3A = tpu.iota {dimensions = array<i32: 1>} : vector<640x128xi32>
    %lt3A = arith.constant 64 : i32
    %lt3A_14 = vector.broadcast %lt3A : i32 to vector<640x128xi32>
    %lt3A_15 = arith.cmpi slt, %iota3A, %lt3A_14 : vector<640x128xi32>
    %sub3A = arith.subf %get3A_1, %reshape3A : vector<640x128xf32>
    %select_n3A = arith.select %lt3A_15, %sub3A, %reshape3A_13 : vector<640x128xi1>, vector<640x128xf32>
    %get3A_16 = arith.constant 0 : index
    %get3A_17 = arith.constant 0 : index
    %get3A_18 = vector.load %arg4[%get3A_16, %get3A_17] : memref<64x128xf32, #tpu.memory_space<vmem>>, vector<64x128xf32>
    %dot_general3A = arith.constant dense<0.000000e+00> : vector<640x64xf32>
    %dot_general3A_19 = tpu.matmul %select_n3A, %get3A_18, %dot_general3A {dimension_numbers = #tpu.dot_dimension_numbers<[1], [1], [0], [0], [0, 0, 1, 0], [], []>, transpose_lhs_hint = false} : vector<640x128xf32>, vector<64x128xf32>, vector<640x64xf32> -> vector<640x64xf32>
    %reshape3A_20 = vector.shape_cast %dot_general3A_19 : vector<640x64xf32> to vector<32x20x64xf32>
    %reduce_max3A = arith.constant dense<0xFF800000> : vector<32x64xf32>
    %reduce_max3A_21 = vector.multi_reduction <maximumf>, %reshape3A_20, %reduce_max3A [1] : vector<32x20x64xf32> to vector<32x64xf32>
    %swap3A = arith.constant 0 : index
    %swap3A_22 = arith.constant 0 : index
    %swap3A_23 = vector.load %arg5[%swap3A, %swap3A_22] : memref<32x64xf32, #tpu.memory_space<vmem>>, vector<32x64xf32>
    tpu.vector_store %arg5[%swap3A, %swap3A_22], %reduce_max3A_21 {strides = array<i32>} : memref<32x64xf32, #tpu.memory_space<vmem>>, vector<32x64xf32>,
    %reduce_min3A = arith.constant dense<0x7F800000> : vector<32x64xf32>
    %reduce_min3A_24 = vector.multi_reduction <minimumf>, %reshape3A_20, %reduce_min3A [1] : vector<32x20x64xf32> to vector<32x64xf32>
    %swap3A_25 = arith.constant 0 : index
    %swap3A_26 = arith.constant 0 : index
    %swap3A_27 = vector.load %arg6[%swap3A_25, %swap3A_26] : memref<32x64xf32, #tpu.memory_space<vmem>>, vector<32x64xf32>
    tpu.vector_store %arg6[%swap3A_25, %swap3A_26], %reduce_min3A_24 {strides = array<i32>} : memref<32x64xf32, #tpu.memory_space<vmem>>, vector<32x64xf32>,
    %reduce_sum3A = arith.constant dense<0.000000e+00> : vector<64xf32>
    %reduce_sum3A_28 = vector.multi_reduction <add>, %reshape3A_20, %reduce_sum3A [0, 1] : vector<32x20x64xf32> to vector<64xf32>
    %reshape3A_29 = vector.shape_cast %reduce_sum3A_28 : vector<64xf32> to vector<1x64xf32>
    %mul3A = arith.mulf %reshape3A_20, %reshape3A_20 : vector<32x20x64xf32>
    %reduce_sum3A_30 = arith.constant dense<0.000000e+00> : vector<64xf32>
    %reduce_sum3A_31 = vector.multi_reduction <add>, %mul3A, %reduce_sum3A_30 [0, 1] : vector<32x20x64xf32> to vector<64xf32>
    %reshape3A_32 = vector.shape_cast %reduce_sum3A_31 : vector<64xf32> to vector<1x64xf32>
    %eq3A = arith.constant 0 : i32
    %eq3A_33 = arith.cmpi eq, %arg0, %eq3A : i32
    %convert_element_type3A = arith.extui %eq3A_33 : i1 to i32
    %cond3A = arith.constant 0 : i32
    %cond3A_34 = arith.cmpi ne, %convert_element_type3A, %cond3A : i32
    scf.if %cond3A_34 {
      %swap3A_39 = arith.constant 0 : index
      %swap3A_40 = arith.constant 0 : index
      %swap3A_41 = vector.load %arg7[%swap3A_39, %swap3A_40] : memref<1x64xf32, #tpu.memory_space<vmem>>, vector<1x64xf32>
      tpu.vector_store %arg7[%swap3A_39, %swap3A_40], %reshape3A_29 {strides = array<i32>} : memref<1x64xf32, #tpu.memory_space<vmem>>, vector<1x64xf32>,
      %swap3A_42 = arith.constant 0 : index
      %swap3A_43 = arith.constant 0 : index
      %swap3A_44 = vector.load %arg8[%swap3A_42, %swap3A_43] : memref<1x64xf32, #tpu.memory_space<vmem>>, vector<1x64xf32>
      tpu.vector_store %arg8[%swap3A_42, %swap3A_43], %reshape3A_32 {strides = array<i32>} : memref<1x64xf32, #tpu.memory_space<vmem>>, vector<1x64xf32>,
    } else {
    }
    %gt3A = arith.constant 0 : i32
    %gt3A_35 = arith.cmpi sgt, %arg0, %gt3A : i32
    %convert_element_type3A_36 = arith.extui %gt3A_35 : i1 to i32
    %cond3A_37 = arith.constant 0 : i32
    %cond3A_38 = arith.cmpi ne, %convert_element_type3A_36, %cond3A_37 : i32
    scf.if %cond3A_38 {
      %get3A_39 = arith.constant 0 : index
      %get3A_40 = arith.constant 0 : index
      %get3A_41 = vector.load %arg7[%get3A_39, %get3A_40] : memref<1x64xf32, #tpu.memory_space<vmem>>, vector<1x64xf32>
      %add3A = arith.addf %get3A_41, %reshape3A_29 : vector<1x64xf32>
      %swap3A_42 = arith.constant 0 : index
      %swap3A_43 = arith.constant 0 : index
      %swap3A_44 = vector.load %arg7[%swap3A_42, %swap3A_43] : memref<1x64xf32, #tpu.memory_space<vmem>>, vector<1x64xf32>
      tpu.vector_store %arg7[%swap3A_42, %swap3A_43], %add3A {strides = array<i32>} : memref<1x64xf32, #tpu.memory_space<vmem>>, vector<1x64xf32>,
      %get3A_45 = arith.constant 0 : index
      %get3A_46 = arith.constant 0 : index
      %get3A_47 = vector.load %arg8[%get3A_45, %get3A_46] : memref<1x64xf32, #tpu.memory_space<vmem>>, vector<1x64xf32>
      %add3A_48 = arith.addf %get3A_47, %reshape3A_32 : vector<1x64xf32>
      %swap3A_49 = arith.constant 0 : index
      %swap3A_50 = arith.constant 0 : index
      %swap3A_51 = vector.load %arg8[%swap3A_49, %swap3A_50] : memref<1x64xf32, #tpu.memory_space<vmem>>, vector<1x64xf32>
      tpu.vector_store %arg8[%swap3A_49, %swap3A_50], %add3A_48 {strides = array<i32>} : memref<1x64xf32, #tpu.memory_space<vmem>>, vector<1x64xf32>,
    } else {
    }
    return
  }
  func.func @transform_0(%arg0: i32) -> (i32, i32) {
    %c0_i32 = arith.constant 0 : i32
    %c0_i32_0 = arith.constant 0 : i32
    return %arg0, %c0_i32 : i32, i32
  }
  func.func @transform_1(%arg0: i32) -> (i32, i32) {
    %c0_i32 = arith.constant 0 : i32
    %c0_i32_0 = arith.constant 0 : i32
    return %arg0, %c0_i32 : i32, i32
  }
  func.func @transform_2(%arg0: i32) -> (i32, i32) {
    %c0_i32 = arith.constant 0 : i32
    %c0_i32_0 = arith.constant 0 : i32
    return %arg0, %c0_i32 : i32, i32
  }
  func.func @transform_3(%arg0: i32) -> (i32, i32) {
    %c0_i32 = arith.constant 0 : i32
    %c0_i32_0 = arith.constant 0 : i32
    %c0_i32_1 = arith.constant 0 : i32
    return %c0_i32, %c0_i32_0 : i32, i32
  }
  func.func @transform_4(%arg0: i32) -> (i32, i32) {
    %c0_i32 = arith.constant 0 : i32
    %c0_i32_0 = arith.constant 0 : i32
    return %arg0, %c0_i32 : i32, i32
  }
  func.func @transform_5(%arg0: i32) -> (i32, i32) {
    %c0_i32 = arith.constant 0 : i32
    %c0_i32_0 = arith.constant 0 : i32
    return %arg0, %c0_i32 : i32, i32
  }
  func.func @transform_6(%arg0: i32) -> (i32, i32) {
    %c0_i32 = arith.constant 0 : i32
    %c0_i32_0 = arith.constant 0 : i32
    %c0_i32_1 = arith.constant 0 : i32
    return %c0_i32, %c0_i32_0 : i32, i32
  }
  func.func @transform_7(%arg0: i32) -> (i32, i32) {
    %c0_i32 = arith.constant 0 : i32
    %c0_i32_0 = arith.constant 0 : i32
    %c0_i32_1 = arith.constant 0 : i32
    return %c0_i32, %c0_i32_0 : i32, i32
  }
}

module attributes {stable_mosaic.version = 14 : i64} {
  func.func @body(%arg0: i32, %arg1: memref<640x128xf32, #tpu.memory_space<vmem>>, %arg2: memref<32x128xf32, #tpu.memory_space<vmem>>, %arg3: memref<32x128xf32, #tpu.memory_space<vmem>>, %arg4: memref<128x128xf32, #tpu.memory_space<vmem>>, %arg5: memref<32x128xf32, #tpu.memory_space<vmem>>, %arg6: memref<32x128xf32, #tpu.memory_space<vmem>>, %arg7: memref<1x128xf32, #tpu.memory_space<vmem>>, %arg8: memref<1x128xf32, #tpu.memory_space<vmem>>) attributes {dimension_semantics = [#tpu.dimension_semantics<arbitrary>], iteration_bounds = array<i64: 512>, scalar_prefetch = 0 : i64, scratch_operands = 0 : i64, tpu.core_type = #tpu.core_type<tc>, window_params = [{transform_indices = @transform_0, window_bounds = array<i64: 640, 128>}, {transform_indices = @transform_1, window_bounds = array<i64: 32, 128>}, {transform_indices = @transform_2, window_bounds = array<i64: 32, 128>}, {pipeline_mode = #tpu.pipeline_mode<synchronous>, transform_indices = @transform_3, window_bounds = array<i64: 128, 128>}, {transform_indices = @transform_4, window_bounds = array<i64: 32, 128>}, {transform_indices = @transform_5, window_bounds = array<i64: 32, 128>}, {pipeline_mode = #tpu.pipeline_mode<synchronous>, transform_indices = @transform_6, window_bounds = array<i64: 1, 128>}, {pipeline_mode = #tpu.pipeline_mode<synchronous>, transform_indices = @transform_7, window_bounds = array<i64: 1, 128>}]} {
    %get3A = arith.constant 0 : index
    %get3A_0 = arith.constant 0 : index
    %get3A_1 = vector.load %arg1[%get3A, %get3A_0] : memref<640x128xf32, #tpu.memory_space<vmem>>, vector<640x128xf32>
    %get3A_2 = arith.constant 0 : index
    %get3A_3 = arith.constant 0 : index
    %get3A_4 = vector.load %arg2[%get3A_2, %get3A_3] : memref<32x128xf32, #tpu.memory_space<vmem>>, vector<32x128xf32>
    %broadcast_in_dim3A = vector.shape_cast %get3A_4 : vector<32x128xf32> to vector<32x1x128xf32>
    %broadcast_in_dim3A_5 = vector.shape_cast %broadcast_in_dim3A : vector<32x1x128xf32> to vector<32x1x128xf32>
    %broadcast_in_dim3A_6 = vector.broadcast %broadcast_in_dim3A_5 : vector<32x1x128xf32> to vector<32x20x128xf32>
    %reshape3A = vector.shape_cast %broadcast_in_dim3A_6 : vector<32x20x128xf32> to vector<640x128xf32>
    %get3A_7 = arith.constant 0 : index
    %get3A_8 = arith.constant 0 : index
    %get3A_9 = vector.load %arg3[%get3A_7, %get3A_8] : memref<32x128xf32, #tpu.memory_space<vmem>>, vector<32x128xf32>
    %broadcast_in_dim3A_10 = vector.shape_cast %get3A_9 : vector<32x128xf32> to vector<32x1x128xf32>
    %broadcast_in_dim3A_11 = vector.shape_cast %broadcast_in_dim3A_10 : vector<32x1x128xf32> to vector<32x1x128xf32>
    %broadcast_in_dim3A_12 = vector.broadcast %broadcast_in_dim3A_11 : vector<32x1x128xf32> to vector<32x20x128xf32>
    %reshape3A_13 = vector.shape_cast %broadcast_in_dim3A_12 : vector<32x20x128xf32> to vector<640x128xf32>
    %iota3A = tpu.iota {dimensions = array<i32: 1>} : vector<640x128xi32>
    %lt3A = arith.constant 64 : i32
    %lt3A_14 = vector.broadcast %lt3A : i32 to vector<640x128xi32>
    %lt3A_15 = arith.cmpi slt, %iota3A, %lt3A_14 : vector<640x128xi32>
    %sub3A = arith.subf %get3A_1, %reshape3A : vector<640x128xf32>
    %select_n3A = arith.select %lt3A_15, %sub3A, %reshape3A_13 : vector<640x128xi1>, vector<640x128xf32>
    %get3A_16 = arith.constant 0 : index
    %get3A_17 = arith.constant 0 : index
    %get3A_18 = vector.load %arg4[%get3A_16, %get3A_17] : memref<128x128xf32, #tpu.memory_space<vmem>>, vector<128x128xf32>
    %dot_general3A = arith.constant dense<0.000000e+00> : vector<640x128xf32>
    %dot_general3A_19 = tpu.matmul %select_n3A, %get3A_18, %dot_general3A {dimension_numbers = #tpu.dot_dimension_numbers<[1], [1], [0], [0], [0, 0, 1, 0], [], []>, transpose_lhs_hint = false} : vector<640x128xf32>, vector<128x128xf32>, vector<640x128xf32> -> vector<640x128xf32>
    %reshape3A_20 = vector.shape_cast %dot_general3A_19 : vector<640x128xf32> to vector<32x20x128xf32>
    %reduce_max3A = arith.constant dense<0xFF800000> : vector<32x128xf32>
    %reduce_max3A_21 = vector.multi_reduction <maximumf>, %reshape3A_20, %reduce_max3A [1] : vector<32x20x128xf32> to vector<32x128xf32>
    %swap3A = arith.constant 0 : index
    %swap3A_22 = arith.constant 0 : index
    %swap3A_23 = vector.load %arg5[%swap3A, %swap3A_22] : memref<32x128xf32, #tpu.memory_space<vmem>>, vector<32x128xf32>
    tpu.vector_store %arg5[%swap3A, %swap3A_22], %reduce_max3A_21 {strides = array<i32>} : memref<32x128xf32, #tpu.memory_space<vmem>>, vector<32x128xf32>,
    %reduce_min3A = arith.constant dense<0x7F800000> : vector<32x128xf32>
    %reduce_min3A_24 = vector.multi_reduction <minimumf>, %reshape3A_20, %reduce_min3A [1] : vector<32x20x128xf32> to vector<32x128xf32>
    %swap3A_25 = arith.constant 0 : index
    %swap3A_26 = arith.constant 0 : index
    %swap3A_27 = vector.load %arg6[%swap3A_25, %swap3A_26] : memref<32x128xf32, #tpu.memory_space<vmem>>, vector<32x128xf32>
    tpu.vector_store %arg6[%swap3A_25, %swap3A_26], %reduce_min3A_24 {strides = array<i32>} : memref<32x128xf32, #tpu.memory_space<vmem>>, vector<32x128xf32>,
    %reduce_sum3A = arith.constant dense<0.000000e+00> : vector<128xf32>
    %reduce_sum3A_28 = vector.multi_reduction <add>, %reshape3A_20, %reduce_sum3A [0, 1] : vector<32x20x128xf32> to vector<128xf32>
    %reshape3A_29 = vector.shape_cast %reduce_sum3A_28 : vector<128xf32> to vector<1x128xf32>
    %mul3A = arith.mulf %reshape3A_20, %reshape3A_20 : vector<32x20x128xf32>
    %reduce_sum3A_30 = arith.constant dense<0.000000e+00> : vector<128xf32>
    %reduce_sum3A_31 = vector.multi_reduction <add>, %mul3A, %reduce_sum3A_30 [0, 1] : vector<32x20x128xf32> to vector<128xf32>
    %reshape3A_32 = vector.shape_cast %reduce_sum3A_31 : vector<128xf32> to vector<1x128xf32>
    %eq3A = arith.constant 0 : i32
    %eq3A_33 = arith.cmpi eq, %arg0, %eq3A : i32
    %convert_element_type3A = arith.extui %eq3A_33 : i1 to i32
    %cond3A = arith.constant 0 : i32
    %cond3A_34 = arith.cmpi ne, %convert_element_type3A, %cond3A : i32
    scf.if %cond3A_34 {
      %swap3A_39 = arith.constant 0 : index
      %swap3A_40 = arith.constant 0 : index
      %swap3A_41 = vector.load %arg7[%swap3A_39, %swap3A_40] : memref<1x128xf32, #tpu.memory_space<vmem>>, vector<1x128xf32>
      tpu.vector_store %arg7[%swap3A_39, %swap3A_40], %reshape3A_29 {strides = array<i32>} : memref<1x128xf32, #tpu.memory_space<vmem>>, vector<1x128xf32>,
      %swap3A_42 = arith.constant 0 : index
      %swap3A_43 = arith.constant 0 : index
      %swap3A_44 = vector.load %arg8[%swap3A_42, %swap3A_43] : memref<1x128xf32, #tpu.memory_space<vmem>>, vector<1x128xf32>
      tpu.vector_store %arg8[%swap3A_42, %swap3A_43], %reshape3A_32 {strides = array<i32>} : memref<1x128xf32, #tpu.memory_space<vmem>>, vector<1x128xf32>,
    } else {
    }
    %gt3A = arith.constant 0 : i32
    %gt3A_35 = arith.cmpi sgt, %arg0, %gt3A : i32
    %convert_element_type3A_36 = arith.extui %gt3A_35 : i1 to i32
    %cond3A_37 = arith.constant 0 : i32
    %cond3A_38 = arith.cmpi ne, %convert_element_type3A_36, %cond3A_37 : i32
    scf.if %cond3A_38 {
      %get3A_39 = arith.constant 0 : index
      %get3A_40 = arith.constant 0 : index
      %get3A_41 = vector.load %arg7[%get3A_39, %get3A_40] : memref<1x128xf32, #tpu.memory_space<vmem>>, vector<1x128xf32>
      %add3A = arith.addf %get3A_41, %reshape3A_29 : vector<1x128xf32>
      %swap3A_42 = arith.constant 0 : index
      %swap3A_43 = arith.constant 0 : index
      %swap3A_44 = vector.load %arg7[%swap3A_42, %swap3A_43] : memref<1x128xf32, #tpu.memory_space<vmem>>, vector<1x128xf32>
      tpu.vector_store %arg7[%swap3A_42, %swap3A_43], %add3A {strides = array<i32>} : memref<1x128xf32, #tpu.memory_space<vmem>>, vector<1x128xf32>,
      %get3A_45 = arith.constant 0 : index
      %get3A_46 = arith.constant 0 : index
      %get3A_47 = vector.load %arg8[%get3A_45, %get3A_46] : memref<1x128xf32, #tpu.memory_space<vmem>>, vector<1x128xf32>
      %add3A_48 = arith.addf %get3A_47, %reshape3A_32 : vector<1x128xf32>
      %swap3A_49 = arith.constant 0 : index
      %swap3A_50 = arith.constant 0 : index
      %swap3A_51 = vector.load %arg8[%swap3A_49, %swap3A_50] : memref<1x128xf32, #tpu.memory_space<vmem>>, vector<1x128xf32>
      tpu.vector_store %arg8[%swap3A_49, %swap3A_50], %add3A_48 {strides = array<i32>} : memref<1x128xf32, #tpu.memory_space<vmem>>, vector<1x128xf32>,
    } else {
    }
    return
  }
  func.func @transform_0(%arg0: i32) -> (i32, i32) {
    %c0_i32 = arith.constant 0 : i32
    %c0_i32_0 = arith.constant 0 : i32
    return %arg0, %c0_i32 : i32, i32
  }
  func.func @transform_1(%arg0: i32) -> (i32, i32) {
    %c0_i32 = arith.constant 0 : i32
    %c0_i32_0 = arith.constant 0 : i32
    return %arg0, %c0_i32 : i32, i32
  }
  func.func @transform_2(%arg0: i32) -> (i32, i32) {
    %c0_i32 = arith.constant 0 : i32
    %c0_i32_0 = arith.constant 0 : i32
    return %arg0, %c0_i32 : i32, i32
  }
  func.func @transform_3(%arg0: i32) -> (i32, i32) {
    %c0_i32 = arith.constant 0 : i32
    %c0_i32_0 = arith.constant 0 : i32
    %c0_i32_1 = arith.constant 0 : i32
    return %c0_i32, %c0_i32_0 : i32, i32
  }
  func.func @transform_4(%arg0: i32) -> (i32, i32) {
    %c0_i32 = arith.constant 0 : i32
    %c0_i32_0 = arith.constant 0 : i32
    return %arg0, %c0_i32 : i32, i32
  }
  func.func @transform_5(%arg0: i32) -> (i32, i32) {
    %c0_i32 = arith.constant 0 : i32
    %c0_i32_0 = arith.constant 0 : i32
    return %arg0, %c0_i32 : i32, i32
  }
  func.func @transform_6(%arg0: i32) -> (i32, i32) {
    %c0_i32 = arith.constant 0 : i32
    %c0_i32_0 = arith.constant 0 : i32
    %c0_i32_1 = arith.constant 0 : i32
    return %c0_i32, %c0_i32_0 : i32, i32
  }
  func.func @transform_7(%arg0: i32) -> (i32, i32) {
    %c0_i32 = arith.constant 0 : i32
    %c0_i32_0 = arith.constant 0 : i32
    %c0_i32_1 = arith.constant 0 : i32
    return %c0_i32, %c0_i32_0 : i32, i32
  }
}

module attributes {stable_mosaic.version = 14 : i64} {
  func.func @body(%arg0: i32, %arg1: memref<1024x128xf32, #tpu.memory_space<vmem>>, %arg2: memref<1024x128xf32, #tpu.memory_space<vmem>>, %arg3: memref<1x128xf32, #tpu.memory_space<vmem>>, %arg4: memref<1x128xf32, #tpu.memory_space<vmem>>, %arg5: memref<1x128xf32, #tpu.memory_space<vmem>>, %arg6: memref<1x128xf32, #tpu.memory_space<vmem>>, %arg7: memref<1024x128xf32, #tpu.memory_space<vmem>>) attributes {dimension_semantics = [#tpu.dimension_semantics<arbitrary>], iteration_bounds = array<i64: 16>, scalar_prefetch = 0 : i64, scratch_operands = 0 : i64, tpu.core_type = #tpu.core_type<tc>, window_params = [{transform_indices = @transform_0, window_bounds = array<i64: 1024, 128>}, {transform_indices = @transform_1, window_bounds = array<i64: 1024, 128>}, {pipeline_mode = #tpu.pipeline_mode<synchronous>, transform_indices = @transform_2, window_bounds = array<i64: 1, 128>}, {pipeline_mode = #tpu.pipeline_mode<synchronous>, transform_indices = @transform_3, window_bounds = array<i64: 1, 128>}, {pipeline_mode = #tpu.pipeline_mode<synchronous>, transform_indices = @transform_4, window_bounds = array<i64: 1, 128>}, {pipeline_mode = #tpu.pipeline_mode<synchronous>, transform_indices = @transform_5, window_bounds = array<i64: 1, 128>}, {transform_indices = @transform_6, window_bounds = array<i64: 1024, 128>}]} {
    %get3A = arith.constant 0 : index
    %get3A_0 = arith.constant 0 : index
    %get3A_1 = vector.load %arg3[%get3A, %get3A_0] : memref<1x128xf32, #tpu.memory_space<vmem>>, vector<1x128xf32>
    %get3A_2 = arith.constant 0 : index
    %get3A_3 = arith.constant 0 : index
    %get3A_4 = vector.load %arg4[%get3A_2, %get3A_3] : memref<1x128xf32, #tpu.memory_space<vmem>>, vector<1x128xf32>
    %div3A = arith.constant 3.276800e+05 : f32
    %div3A_5 = vector.broadcast %div3A : f32 to vector<1x128xf32>
    %div3A_6 = arith.divf %get3A_1, %div3A_5 : vector<1x128xf32>
    %div3A_7 = arith.constant 3.276800e+05 : f32
    %div3A_8 = vector.broadcast %div3A_7 : f32 to vector<1x128xf32>
    %div3A_9 = arith.divf %get3A_4, %div3A_8 : vector<1x128xf32>
    %mul3A = arith.mulf %div3A_6, %div3A_6 : vector<1x128xf32>
    %sub3A = arith.subf %div3A_9, %mul3A : vector<1x128xf32>
    %get3A_10 = arith.constant 0 : index
    %get3A_11 = arith.constant 0 : index
    %get3A_12 = vector.load %arg5[%get3A_10, %get3A_11] : memref<1x128xf32, #tpu.memory_space<vmem>>, vector<1x128xf32>
    %add3A = arith.constant 9.99999974E-6 : f32
    %add3A_13 = vector.broadcast %add3A : f32 to vector<1x128xf32>
    %add3A_14 = arith.addf %sub3A, %add3A_13 : vector<1x128xf32>
    %rsqrt3A = math.rsqrt %add3A_14 : vector<1x128xf32>
    %mul3A_15 = arith.mulf %get3A_12, %rsqrt3A : vector<1x128xf32>
    %get3A_16 = arith.constant 0 : index
    %get3A_17 = arith.constant 0 : index
    %get3A_18 = vector.load %arg6[%get3A_16, %get3A_17] : memref<1x128xf32, #tpu.memory_space<vmem>>, vector<1x128xf32>
    %mul3A_19 = arith.mulf %div3A_6, %mul3A_15 : vector<1x128xf32>
    %sub3A_20 = arith.subf %get3A_18, %mul3A_19 : vector<1x128xf32>
    %ge3A = arith.constant 0.000000e+00 : f32
    %ge3A_21 = vector.broadcast %ge3A : f32 to vector<1x128xf32>
    %ge3A_22 = arith.cmpf oge, %mul3A_15, %ge3A_21 : vector<1x128xf32>
    %get3A_23 = arith.constant 0 : index
    %get3A_24 = arith.constant 0 : index
    %get3A_25 = vector.load %arg1[%get3A_23, %get3A_24] : memref<1024x128xf32, #tpu.memory_space<vmem>>, vector<1024x128xf32>
    %get3A_26 = arith.constant 0 : index
    %get3A_27 = arith.constant 0 : index
    %get3A_28 = vector.load %arg2[%get3A_26, %get3A_27] : memref<1024x128xf32, #tpu.memory_space<vmem>>, vector<1024x128xf32>
    %broadcast_in_dim3A = vector.shape_cast %ge3A_22 : vector<1x128xi1> to vector<1x128xi1>
    %broadcast_in_dim3A_29 = vector.broadcast %broadcast_in_dim3A : vector<1x128xi1> to vector<1024x128xi1>
    %select_n3A = arith.select %broadcast_in_dim3A_29, %get3A_25, %get3A_28 : vector<1024x128xi1>, vector<1024x128xf32>
    %mul3A_30 = vector.broadcast %mul3A_15 : vector<1x128xf32> to vector<1024x128xf32>
    %mul3A_31 = arith.mulf %select_n3A, %mul3A_30 : vector<1024x128xf32>
    %add3A_32 = vector.broadcast %sub3A_20 : vector<1x128xf32> to vector<1024x128xf32>
    %add3A_33 = arith.addf %mul3A_31, %add3A_32 : vector<1024x128xf32>
    %ge3A_34 = arith.constant 0.000000e+00 : f32
    %ge3A_35 = vector.broadcast %ge3A_34 : f32 to vector<1024x128xf32>
    %ge3A_36 = arith.cmpf oge, %add3A_33, %ge3A_35 : vector<1024x128xf32>
    %mul3A_37 = arith.constant 2.000000e-01 : f32
    %mul3A_38 = vector.broadcast %mul3A_37 : f32 to vector<1024x128xf32>
    %mul3A_39 = arith.mulf %mul3A_38, %add3A_33 : vector<1024x128xf32>
    %select_n3A_40 = arith.select %ge3A_36, %add3A_33, %mul3A_39 : vector<1024x128xi1>, vector<1024x128xf32>
    %swap3A = arith.constant 0 : index
    %swap3A_41 = arith.constant 0 : index
    %swap3A_42 = vector.load %arg7[%swap3A, %swap3A_41] : memref<1024x128xf32, #tpu.memory_space<vmem>>, vector<1024x128xf32>
    tpu.vector_store %arg7[%swap3A, %swap3A_41], %select_n3A_40 {strides = array<i32>} : memref<1024x128xf32, #tpu.memory_space<vmem>>, vector<1024x128xf32>,
    return
  }
  func.func @transform_0(%arg0: i32) -> (i32, i32) {
    %c0_i32 = arith.constant 0 : i32
    %c0_i32_0 = arith.constant 0 : i32
    return %arg0, %c0_i32 : i32, i32
  }
  func.func @transform_1(%arg0: i32) -> (i32, i32) {
    %c0_i32 = arith.constant 0 : i32
    %c0_i32_0 = arith.constant 0 : i32
    return %arg0, %c0_i32 : i32, i32
  }
  func.func @transform_2(%arg0: i32) -> (i32, i32) {
    %c0_i32 = arith.constant 0 : i32
    %c0_i32_0 = arith.constant 0 : i32
    %c0_i32_1 = arith.constant 0 : i32
    return %c0_i32, %c0_i32_0 : i32, i32
  }
  func.func @transform_3(%arg0: i32) -> (i32, i32) {
    %c0_i32 = arith.constant 0 : i32
    %c0_i32_0 = arith.constant 0 : i32
    %c0_i32_1 = arith.constant 0 : i32
    return %c0_i32, %c0_i32_0 : i32, i32
  }
  func.func @transform_4(%arg0: i32) -> (i32, i32) {
    %c0_i32 = arith.constant 0 : i32
    %c0_i32_0 = arith.constant 0 : i32
    %c0_i32_1 = arith.constant 0 : i32
    return %c0_i32, %c0_i32_0 : i32, i32
  }
  func.func @transform_5(%arg0: i32) -> (i32, i32) {
    %c0_i32 = arith.constant 0 : i32
    %c0_i32_0 = arith.constant 0 : i32
    %c0_i32_1 = arith.constant 0 : i32
    return %c0_i32, %c0_i32_0 : i32, i32
  }
  func.func @transform_6(%arg0: i32) -> (i32, i32) {
    %c0_i32 = arith.constant 0 : i32
    %c0_i32_0 = arith.constant 0 : i32
    return %arg0, %c0_i32 : i32, i32
  }
}

module attributes {stable_mosaic.version = 14 : i64} {
  func.func @body(%arg0: i32, %arg1: i32, %arg2: memref<1x256x128xf32, #tpu.memory_space<vmem>>, %arg3: memref<1x128x2048xf32, #tpu.memory_space<vmem>>, %arg4: memref<1x256x20xi32, #tpu.memory_space<vmem>>) attributes {dimension_semantics = [#tpu.dimension_semantics<arbitrary>, #tpu.dimension_semantics<arbitrary>], iteration_bounds = array<i64: 8, 8>, scalar_prefetch = 0 : i64, scratch_operands = 0 : i64, tpu.core_type = #tpu.core_type<tc>, window_params = [{transform_indices = @transform_0, window_bounds = array<i64: 1, 256, 128>}, {transform_indices = @transform_1, window_bounds = array<i64: 1, 128, 2048>}, {transform_indices = @transform_2, window_bounds = array<i64: 1, 256, 20>}]} {
    %get3A = arith.constant 0 : index
    %get3A_0 = arith.constant 0 : index
    %get3A_1 = arith.constant 0 : index
    %get3A_2 = vector.load %arg2[%get3A, %get3A_0, %get3A_1] : memref<1x256x128xf32, #tpu.memory_space<vmem>>, vector<1x256x128xf32>
    %get3A_3 = vector.shape_cast %get3A_2 : vector<1x256x128xf32> to vector<256x128xf32>
    %get3A_4 = arith.constant 0 : index
    %get3A_5 = arith.constant 0 : index
    %get3A_6 = arith.constant 0 : index
    %get3A_7 = vector.load %arg3[%get3A_4, %get3A_5, %get3A_6] : memref<1x128x2048xf32, #tpu.memory_space<vmem>>, vector<1x128x2048xf32>
    %get3A_8 = vector.shape_cast %get3A_7 : vector<1x128x2048xf32> to vector<128x2048xf32>
    %dot_general3A = arith.constant dense<0.000000e+00> : vector<256x2048xf32>
    %dot_general3A_9 = tpu.matmul %get3A_3, %get3A_8, %dot_general3A {dimension_numbers = #tpu.dot_dimension_numbers<[1], [0], [0], [1], [0, 0, 1, 1], [], []>, transpose_lhs_hint = false} : vector<256x128xf32>, vector<128x2048xf32>, vector<256x2048xf32> -> vector<256x2048xf32>
    %mul3A = arith.mulf %get3A_8, %get3A_8 : vector<128x2048xf32>
    %reduce_sum3A = arith.constant dense<0.000000e+00> : vector<2048xf32>
    %reduce_sum3A_10 = vector.multi_reduction <add>, %mul3A, %reduce_sum3A [0] : vector<128x2048xf32> to vector<2048xf32>
    %broadcast_in_dim3A = vector.shape_cast %reduce_sum3A_10 : vector<2048xf32> to vector<1x2048xf32>
    %mul3A_11 = arith.constant 2.000000e+00 : f32
    %mul3A_12 = vector.broadcast %mul3A_11 : f32 to vector<256x2048xf32>
    %mul3A_13 = arith.mulf %mul3A_12, %dot_general3A_9 : vector<256x2048xf32>
    %sub3A = vector.broadcast %broadcast_in_dim3A : vector<1x2048xf32> to vector<256x2048xf32>
    %sub3A_14 = arith.subf %mul3A_13, %sub3A : vector<256x2048xf32>
    %iota3A = tpu.iota {dimensions = array<i32: 1>} : vector<256x2048xi32>
    %reduce_max3A = arith.constant dense<0xFF800000> : vector<256xf32>
    %reduce_max3A_15 = vector.multi_reduction <maximumf>, %sub3A_14, %reduce_max3A [1] : vector<256x2048xf32> to vector<256xf32>
    %broadcast_in_dim3A_16 = vector.shape_cast %reduce_max3A_15 : vector<256xf32> to vector<256x1xf32>
    %eq3A = vector.broadcast %broadcast_in_dim3A_16 : vector<256x1xf32> to vector<256x2048xf32>
    %eq3A_17 = arith.cmpf oeq, %sub3A_14, %eq3A : vector<256x2048xf32>
    %jit3A = arith.constant 2048 : i32
    %broadcast_in_dim3A_18 = vector.broadcast %jit3A : i32 to vector<256x2048xi32>
    %select_n3A = arith.select %eq3A_17, %iota3A, %broadcast_in_dim3A_18 : vector<256x2048xi1>, vector<256x2048xi32>
    %reduce_min3A = arith.constant dense<2147483647> : vector<256xi32>
    %reduce_min3A_19 = vector.multi_reduction <minsi>, %select_n3A, %reduce_min3A [1] : vector<256x2048xi32> to vector<256xi32>
    %broadcast_in_dim3A_20 = vector.shape_cast %reduce_min3A_19 : vector<256xi32> to vector<256x1xi32>
    %eq3A_21 = vector.broadcast %broadcast_in_dim3A_20 : vector<256x1xi32> to vector<256x2048xi32>
    %eq3A_22 = arith.cmpi eq, %select_n3A, %eq3A_21 : vector<256x2048xi32>
    %jit3A_23 = arith.constant -1.000000e+30 : f32
    %broadcast_in_dim3A_24 = vector.broadcast %jit3A_23 : f32 to vector<256x2048xf32>
    %select_n3A_25 = arith.select %eq3A_22, %broadcast_in_dim3A_24, %sub3A_14 : vector<256x2048xi1>, vector<256x2048xf32>
    %reduce_max3A_26 = arith.constant dense<0xFF800000> : vector<256xf32>
    %reduce_max3A_27 = vector.multi_reduction <maximumf>, %select_n3A_25, %reduce_max3A_26 [1] : vector<256x2048xf32> to vector<256xf32>
    %broadcast_in_dim3A_28 = vector.shape_cast %reduce_max3A_27 : vector<256xf32> to vector<256x1xf32>
    %eq3A_29 = vector.broadcast %broadcast_in_dim3A_28 : vector<256x1xf32> to vector<256x2048xf32>
    %eq3A_30 = arith.cmpf oeq, %select_n3A_25, %eq3A_29 : vector<256x2048xf32>
    %jit3A_31 = arith.constant 2048 : i32
    %broadcast_in_dim3A_32 = vector.broadcast %jit3A_31 : i32 to vector<256x2048xi32>
    %select_n3A_33 = arith.select %eq3A_30, %iota3A, %broadcast_in_dim3A_32 : vector<256x2048xi1>, vector<256x2048xi32>
    %reduce_min3A_34 = arith.constant dense<2147483647> : vector<256xi32>
    %reduce_min3A_35 = vector.multi_reduction <minsi>, %select_n3A_33, %reduce_min3A_34 [1] : vector<256x2048xi32> to vector<256xi32>
    %broadcast_in_dim3A_36 = vector.shape_cast %reduce_min3A_35 : vector<256xi32> to vector<256x1xi32>
    %eq3A_37 = vector.broadcast %broadcast_in_dim3A_36 : vector<256x1xi32> to vector<256x2048xi32>
    %eq3A_38 = arith.cmpi eq, %select_n3A_33, %eq3A_37 : vector<256x2048xi32>
    %jit3A_39 = arith.constant -1.000000e+30 : f32
    %broadcast_in_dim3A_40 = vector.broadcast %jit3A_39 : f32 to vector<256x2048xf32>
    %select_n3A_41 = arith.select %eq3A_38, %broadcast_in_dim3A_40, %select_n3A_25 : vector<256x2048xi1>, vector<256x2048xf32>
    %reduce_max3A_42 = arith.constant dense<0xFF800000> : vector<256xf32>
    %reduce_max3A_43 = vector.multi_reduction <maximumf>, %select_n3A_41, %reduce_max3A_42 [1] : vector<256x2048xf32> to vector<256xf32>
    %broadcast_in_dim3A_44 = vector.shape_cast %reduce_max3A_43 : vector<256xf32> to vector<256x1xf32>
    %eq3A_45 = vector.broadcast %broadcast_in_dim3A_44 : vector<256x1xf32> to vector<256x2048xf32>
    %eq3A_46 = arith.cmpf oeq, %select_n3A_41, %eq3A_45 : vector<256x2048xf32>
    %jit3A_47 = arith.constant 2048 : i32
    %broadcast_in_dim3A_48 = vector.broadcast %jit3A_47 : i32 to vector<256x2048xi32>
    %select_n3A_49 = arith.select %eq3A_46, %iota3A, %broadcast_in_dim3A_48 : vector<256x2048xi1>, vector<256x2048xi32>
    %reduce_min3A_50 = arith.constant dense<2147483647> : vector<256xi32>
    %reduce_min3A_51 = vector.multi_reduction <minsi>, %select_n3A_49, %reduce_min3A_50 [1] : vector<256x2048xi32> to vector<256xi32>
    %broadcast_in_dim3A_52 = vector.shape_cast %reduce_min3A_51 : vector<256xi32> to vector<256x1xi32>
    %eq3A_53 = vector.broadcast %broadcast_in_dim3A_52 : vector<256x1xi32> to vector<256x2048xi32>
    %eq3A_54 = arith.cmpi eq, %select_n3A_49, %eq3A_53 : vector<256x2048xi32>
    %jit3A_55 = arith.constant -1.000000e+30 : f32
    %broadcast_in_dim3A_56 = vector.broadcast %jit3A_55 : f32 to vector<256x2048xf32>
    %select_n3A_57 = arith.select %eq3A_54, %broadcast_in_dim3A_56, %select_n3A_41 : vector<256x2048xi1>, vector<256x2048xf32>
    %reduce_max3A_58 = arith.constant dense<0xFF800000> : vector<256xf32>
    %reduce_max3A_59 = vector.multi_reduction <maximumf>, %select_n3A_57, %reduce_max3A_58 [1] : vector<256x2048xf32> to vector<256xf32>
    %broadcast_in_dim3A_60 = vector.shape_cast %reduce_max3A_59 : vector<256xf32> to vector<256x1xf32>
    %eq3A_61 = vector.broadcast %broadcast_in_dim3A_60 : vector<256x1xf32> to vector<256x2048xf32>
    %eq3A_62 = arith.cmpf oeq, %select_n3A_57, %eq3A_61 : vector<256x2048xf32>
    %jit3A_63 = arith.constant 2048 : i32
    %broadcast_in_dim3A_64 = vector.broadcast %jit3A_63 : i32 to vector<256x2048xi32>
    %select_n3A_65 = arith.select %eq3A_62, %iota3A, %broadcast_in_dim3A_64 : vector<256x2048xi1>, vector<256x2048xi32>
    %reduce_min3A_66 = arith.constant dense<2147483647> : vector<256xi32>
    %reduce_min3A_67 = vector.multi_reduction <minsi>, %select_n3A_65, %reduce_min3A_66 [1] : vector<256x2048xi32> to vector<256xi32>
    %broadcast_in_dim3A_68 = vector.shape_cast %reduce_min3A_67 : vector<256xi32> to vector<256x1xi32>
    %eq3A_69 = vector.broadcast %broadcast_in_dim3A_68 : vector<256x1xi32> to vector<256x2048xi32>
    %eq3A_70 = arith.cmpi eq, %select_n3A_65, %eq3A_69 : vector<256x2048xi32>
    %jit3A_71 = arith.constant -1.000000e+30 : f32
    %broadcast_in_dim3A_72 = vector.broadcast %jit3A_71 : f32 to vector<256x2048xf32>
    %select_n3A_73 = arith.select %eq3A_70, %broadcast_in_dim3A_72, %select_n3A_57 : vector<256x2048xi1>, vector<256x2048xf32>
    %reduce_max3A_74 = arith.constant dense<0xFF800000> : vector<256xf32>
    %reduce_max3A_75 = vector.multi_reduction <maximumf>, %select_n3A_73, %reduce_max3A_74 [1] : vector<256x2048xf32> to vector<256xf32>
    %broadcast_in_dim3A_76 = vector.shape_cast %reduce_max3A_75 : vector<256xf32> to vector<256x1xf32>
    %eq3A_77 = vector.broadcast %broadcast_in_dim3A_76 : vector<256x1xf32> to vector<256x2048xf32>
    %eq3A_78 = arith.cmpf oeq, %select_n3A_73, %eq3A_77 : vector<256x2048xf32>
    %jit3A_79 = arith.constant 2048 : i32
    %broadcast_in_dim3A_80 = vector.broadcast %jit3A_79 : i32 to vector<256x2048xi32>
    %select_n3A_81 = arith.select %eq3A_78, %iota3A, %broadcast_in_dim3A_80 : vector<256x2048xi1>, vector<256x2048xi32>
    %reduce_min3A_82 = arith.constant dense<2147483647> : vector<256xi32>
    %reduce_min3A_83 = vector.multi_reduction <minsi>, %select_n3A_81, %reduce_min3A_82 [1] : vector<256x2048xi32> to vector<256xi32>
    %broadcast_in_dim3A_84 = vector.shape_cast %reduce_min3A_83 : vector<256xi32> to vector<256x1xi32>
    %eq3A_85 = vector.broadcast %broadcast_in_dim3A_84 : vector<256x1xi32> to vector<256x2048xi32>
    %eq3A_86 = arith.cmpi eq, %select_n3A_81, %eq3A_85 : vector<256x2048xi32>
    %jit3A_87 = arith.constant -1.000000e+30 : f32
    %broadcast_in_dim3A_88 = vector.broadcast %jit3A_87 : f32 to vector<256x2048xf32>
    %select_n3A_89 = arith.select %eq3A_86, %broadcast_in_dim3A_88, %select_n3A_73 : vector<256x2048xi1>, vector<256x2048xf32>
    %reduce_max3A_90 = arith.constant dense<0xFF800000> : vector<256xf32>
    %reduce_max3A_91 = vector.multi_reduction <maximumf>, %select_n3A_89, %reduce_max3A_90 [1] : vector<256x2048xf32> to vector<256xf32>
    %broadcast_in_dim3A_92 = vector.shape_cast %reduce_max3A_91 : vector<256xf32> to vector<256x1xf32>
    %eq3A_93 = vector.broadcast %broadcast_in_dim3A_92 : vector<256x1xf32> to vector<256x2048xf32>
    %eq3A_94 = arith.cmpf oeq, %select_n3A_89, %eq3A_93 : vector<256x2048xf32>
    %jit3A_95 = arith.constant 2048 : i32
    %broadcast_in_dim3A_96 = vector.broadcast %jit3A_95 : i32 to vector<256x2048xi32>
    %select_n3A_97 = arith.select %eq3A_94, %iota3A, %broadcast_in_dim3A_96 : vector<256x2048xi1>, vector<256x2048xi32>
    %reduce_min3A_98 = arith.constant dense<2147483647> : vector<256xi32>
    %reduce_min3A_99 = vector.multi_reduction <minsi>, %select_n3A_97, %reduce_min3A_98 [1] : vector<256x2048xi32> to vector<256xi32>
    %broadcast_in_dim3A_100 = vector.shape_cast %reduce_min3A_99 : vector<256xi32> to vector<256x1xi32>
    %eq3A_101 = vector.broadcast %broadcast_in_dim3A_100 : vector<256x1xi32> to vector<256x2048xi32>
    %eq3A_102 = arith.cmpi eq, %select_n3A_97, %eq3A_101 : vector<256x2048xi32>
    %jit3A_103 = arith.constant -1.000000e+30 : f32
    %broadcast_in_dim3A_104 = vector.broadcast %jit3A_103 : f32 to vector<256x2048xf32>
    %select_n3A_105 = arith.select %eq3A_102, %broadcast_in_dim3A_104, %select_n3A_89 : vector<256x2048xi1>, vector<256x2048xf32>
    %reduce_max3A_106 = arith.constant dense<0xFF800000> : vector<256xf32>
    %reduce_max3A_107 = vector.multi_reduction <maximumf>, %select_n3A_105, %reduce_max3A_106 [1] : vector<256x2048xf32> to vector<256xf32>
    %broadcast_in_dim3A_108 = vector.shape_cast %reduce_max3A_107 : vector<256xf32> to vector<256x1xf32>
    %eq3A_109 = vector.broadcast %broadcast_in_dim3A_108 : vector<256x1xf32> to vector<256x2048xf32>
    %eq3A_110 = arith.cmpf oeq, %select_n3A_105, %eq3A_109 : vector<256x2048xf32>
    %jit3A_111 = arith.constant 2048 : i32
    %broadcast_in_dim3A_112 = vector.broadcast %jit3A_111 : i32 to vector<256x2048xi32>
    %select_n3A_113 = arith.select %eq3A_110, %iota3A, %broadcast_in_dim3A_112 : vector<256x2048xi1>, vector<256x2048xi32>
    %reduce_min3A_114 = arith.constant dense<2147483647> : vector<256xi32>
    %reduce_min3A_115 = vector.multi_reduction <minsi>, %select_n3A_113, %reduce_min3A_114 [1] : vector<256x2048xi32> to vector<256xi32>
    %broadcast_in_dim3A_116 = vector.shape_cast %reduce_min3A_115 : vector<256xi32> to vector<256x1xi32>
    %eq3A_117 = vector.broadcast %broadcast_in_dim3A_116 : vector<256x1xi32> to vector<256x2048xi32>
    %eq3A_118 = arith.cmpi eq, %select_n3A_113, %eq3A_117 : vector<256x2048xi32>
    %jit3A_119 = arith.constant -1.000000e+30 : f32
    %broadcast_in_dim3A_120 = vector.broadcast %jit3A_119 : f32 to vector<256x2048xf32>
    %select_n3A_121 = arith.select %eq3A_118, %broadcast_in_dim3A_120, %select_n3A_105 : vector<256x2048xi1>, vector<256x2048xf32>
    %reduce_max3A_122 = arith.constant dense<0xFF800000> : vector<256xf32>
    %reduce_max3A_123 = vector.multi_reduction <maximumf>, %select_n3A_121, %reduce_max3A_122 [1] : vector<256x2048xf32> to vector<256xf32>
    %broadcast_in_dim3A_124 = vector.shape_cast %reduce_max3A_123 : vector<256xf32> to vector<256x1xf32>
    %eq3A_125 = vector.broadcast %broadcast_in_dim3A_124 : vector<256x1xf32> to vector<256x2048xf32>
    %eq3A_126 = arith.cmpf oeq, %select_n3A_121, %eq3A_125 : vector<256x2048xf32>
    %jit3A_127 = arith.constant 2048 : i32
    %broadcast_in_dim3A_128 = vector.broadcast %jit3A_127 : i32 to vector<256x2048xi32>
    %select_n3A_129 = arith.select %eq3A_126, %iota3A, %broadcast_in_dim3A_128 : vector<256x2048xi1>, vector<256x2048xi32>
    %reduce_min3A_130 = arith.constant dense<2147483647> : vector<256xi32>
    %reduce_min3A_131 = vector.multi_reduction <minsi>, %select_n3A_129, %reduce_min3A_130 [1] : vector<256x2048xi32> to vector<256xi32>
    %broadcast_in_dim3A_132 = vector.shape_cast %reduce_min3A_131 : vector<256xi32> to vector<256x1xi32>
    %eq3A_133 = vector.broadcast %broadcast_in_dim3A_132 : vector<256x1xi32> to vector<256x2048xi32>
    %eq3A_134 = arith.cmpi eq, %select_n3A_129, %eq3A_133 : vector<256x2048xi32>
    %jit3A_135 = arith.constant -1.000000e+30 : f32
    %broadcast_in_dim3A_136 = vector.broadcast %jit3A_135 : f32 to vector<256x2048xf32>
    %select_n3A_137 = arith.select %eq3A_134, %broadcast_in_dim3A_136, %select_n3A_121 : vector<256x2048xi1>, vector<256x2048xf32>
    %reduce_max3A_138 = arith.constant dense<0xFF800000> : vector<256xf32>
    %reduce_max3A_139 = vector.multi_reduction <maximumf>, %select_n3A_137, %reduce_max3A_138 [1] : vector<256x2048xf32> to vector<256xf32>
    %broadcast_in_dim3A_140 = vector.shape_cast %reduce_max3A_139 : vector<256xf32> to vector<256x1xf32>
    %eq3A_141 = vector.broadcast %broadcast_in_dim3A_140 : vector<256x1xf32> to vector<256x2048xf32>
    %eq3A_142 = arith.cmpf oeq, %select_n3A_137, %eq3A_141 : vector<256x2048xf32>
    %jit3A_143 = arith.constant 2048 : i32
    %broadcast_in_dim3A_144 = vector.broadcast %jit3A_143 : i32 to vector<256x2048xi32>
    %select_n3A_145 = arith.select %eq3A_142, %iota3A, %broadcast_in_dim3A_144 : vector<256x2048xi1>, vector<256x2048xi32>
    %reduce_min3A_146 = arith.constant dense<2147483647> : vector<256xi32>
    %reduce_min3A_147 = vector.multi_reduction <minsi>, %select_n3A_145, %reduce_min3A_146 [1] : vector<256x2048xi32> to vector<256xi32>
    %broadcast_in_dim3A_148 = vector.shape_cast %reduce_min3A_147 : vector<256xi32> to vector<256x1xi32>
    %eq3A_149 = vector.broadcast %broadcast_in_dim3A_148 : vector<256x1xi32> to vector<256x2048xi32>
    %eq3A_150 = arith.cmpi eq, %select_n3A_145, %eq3A_149 : vector<256x2048xi32>
    %jit3A_151 = arith.constant -1.000000e+30 : f32
    %broadcast_in_dim3A_152 = vector.broadcast %jit3A_151 : f32 to vector<256x2048xf32>
    %select_n3A_153 = arith.select %eq3A_150, %broadcast_in_dim3A_152, %select_n3A_137 : vector<256x2048xi1>, vector<256x2048xf32>
    %reduce_max3A_154 = arith.constant dense<0xFF800000> : vector<256xf32>
    %reduce_max3A_155 = vector.multi_reduction <maximumf>, %select_n3A_153, %reduce_max3A_154 [1] : vector<256x2048xf32> to vector<256xf32>
    %broadcast_in_dim3A_156 = vector.shape_cast %reduce_max3A_155 : vector<256xf32> to vector<256x1xf32>
    %eq3A_157 = vector.broadcast %broadcast_in_dim3A_156 : vector<256x1xf32> to vector<256x2048xf32>
    %eq3A_158 = arith.cmpf oeq, %select_n3A_153, %eq3A_157 : vector<256x2048xf32>
    %jit3A_159 = arith.constant 2048 : i32
    %broadcast_in_dim3A_160 = vector.broadcast %jit3A_159 : i32 to vector<256x2048xi32>
    %select_n3A_161 = arith.select %eq3A_158, %iota3A, %broadcast_in_dim3A_160 : vector<256x2048xi1>, vector<256x2048xi32>
    %reduce_min3A_162 = arith.constant dense<2147483647> : vector<256xi32>
    %reduce_min3A_163 = vector.multi_reduction <minsi>, %select_n3A_161, %reduce_min3A_162 [1] : vector<256x2048xi32> to vector<256xi32>
    %broadcast_in_dim3A_164 = vector.shape_cast %reduce_min3A_163 : vector<256xi32> to vector<256x1xi32>
    %eq3A_165 = vector.broadcast %broadcast_in_dim3A_164 : vector<256x1xi32> to vector<256x2048xi32>
    %eq3A_166 = arith.cmpi eq, %select_n3A_161, %eq3A_165 : vector<256x2048xi32>
    %jit3A_167 = arith.constant -1.000000e+30 : f32
    %broadcast_in_dim3A_168 = vector.broadcast %jit3A_167 : f32 to vector<256x2048xf32>
    %select_n3A_169 = arith.select %eq3A_166, %broadcast_in_dim3A_168, %select_n3A_153 : vector<256x2048xi1>, vector<256x2048xf32>
    %reduce_max3A_170 = arith.constant dense<0xFF800000> : vector<256xf32>
    %reduce_max3A_171 = vector.multi_reduction <maximumf>, %select_n3A_169, %reduce_max3A_170 [1] : vector<256x2048xf32> to vector<256xf32>
    %broadcast_in_dim3A_172 = vector.shape_cast %reduce_max3A_171 : vector<256xf32> to vector<256x1xf32>
    %eq3A_173 = vector.broadcast %broadcast_in_dim3A_172 : vector<256x1xf32> to vector<256x2048xf32>
    %eq3A_174 = arith.cmpf oeq, %select_n3A_169, %eq3A_173 : vector<256x2048xf32>
    %jit3A_175 = arith.constant 2048 : i32
    %broadcast_in_dim3A_176 = vector.broadcast %jit3A_175 : i32 to vector<256x2048xi32>
    %select_n3A_177 = arith.select %eq3A_174, %iota3A, %broadcast_in_dim3A_176 : vector<256x2048xi1>, vector<256x2048xi32>
    %reduce_min3A_178 = arith.constant dense<2147483647> : vector<256xi32>
    %reduce_min3A_179 = vector.multi_reduction <minsi>, %select_n3A_177, %reduce_min3A_178 [1] : vector<256x2048xi32> to vector<256xi32>
    %broadcast_in_dim3A_180 = vector.shape_cast %reduce_min3A_179 : vector<256xi32> to vector<256x1xi32>
    %eq3A_181 = vector.broadcast %broadcast_in_dim3A_180 : vector<256x1xi32> to vector<256x2048xi32>
    %eq3A_182 = arith.cmpi eq, %select_n3A_177, %eq3A_181 : vector<256x2048xi32>
    %jit3A_183 = arith.constant -1.000000e+30 : f32
    %broadcast_in_dim3A_184 = vector.broadcast %jit3A_183 : f32 to vector<256x2048xf32>
    %select_n3A_185 = arith.select %eq3A_182, %broadcast_in_dim3A_184, %select_n3A_169 : vector<256x2048xi1>, vector<256x2048xf32>
    %reduce_max3A_186 = arith.constant dense<0xFF800000> : vector<256xf32>
    %reduce_max3A_187 = vector.multi_reduction <maximumf>, %select_n3A_185, %reduce_max3A_186 [1] : vector<256x2048xf32> to vector<256xf32>
    %broadcast_in_dim3A_188 = vector.shape_cast %reduce_max3A_187 : vector<256xf32> to vector<256x1xf32>
    %eq3A_189 = vector.broadcast %broadcast_in_dim3A_188 : vector<256x1xf32> to vector<256x2048xf32>
    %eq3A_190 = arith.cmpf oeq, %select_n3A_185, %eq3A_189 : vector<256x2048xf32>
    %jit3A_191 = arith.constant 2048 : i32
    %broadcast_in_dim3A_192 = vector.broadcast %jit3A_191 : i32 to vector<256x2048xi32>
    %select_n3A_193 = arith.select %eq3A_190, %iota3A, %broadcast_in_dim3A_192 : vector<256x2048xi1>, vector<256x2048xi32>
    %reduce_min3A_194 = arith.constant dense<2147483647> : vector<256xi32>
    %reduce_min3A_195 = vector.multi_reduction <minsi>, %select_n3A_193, %reduce_min3A_194 [1] : vector<256x2048xi32> to vector<256xi32>
    %broadcast_in_dim3A_196 = vector.shape_cast %reduce_min3A_195 : vector<256xi32> to vector<256x1xi32>
    %eq3A_197 = vector.broadcast %broadcast_in_dim3A_196 : vector<256x1xi32> to vector<256x2048xi32>
    %eq3A_198 = arith.cmpi eq, %select_n3A_193, %eq3A_197 : vector<256x2048xi32>
    %jit3A_199 = arith.constant -1.000000e+30 : f32
    %broadcast_in_dim3A_200 = vector.broadcast %jit3A_199 : f32 to vector<256x2048xf32>
    %select_n3A_201 = arith.select %eq3A_198, %broadcast_in_dim3A_200, %select_n3A_185 : vector<256x2048xi1>, vector<256x2048xf32>
    %reduce_max3A_202 = arith.constant dense<0xFF800000> : vector<256xf32>
    %reduce_max3A_203 = vector.multi_reduction <maximumf>, %select_n3A_201, %reduce_max3A_202 [1] : vector<256x2048xf32> to vector<256xf32>
    %broadcast_in_dim3A_204 = vector.shape_cast %reduce_max3A_203 : vector<256xf32> to vector<256x1xf32>
    %eq3A_205 = vector.broadcast %broadcast_in_dim3A_204 : vector<256x1xf32> to vector<256x2048xf32>
    %eq3A_206 = arith.cmpf oeq, %select_n3A_201, %eq3A_205 : vector<256x2048xf32>
    %jit3A_207 = arith.constant 2048 : i32
    %broadcast_in_dim3A_208 = vector.broadcast %jit3A_207 : i32 to vector<256x2048xi32>
    %select_n3A_209 = arith.select %eq3A_206, %iota3A, %broadcast_in_dim3A_208 : vector<256x2048xi1>, vector<256x2048xi32>
    %reduce_min3A_210 = arith.constant dense<2147483647> : vector<256xi32>
    %reduce_min3A_211 = vector.multi_reduction <minsi>, %select_n3A_209, %reduce_min3A_210 [1] : vector<256x2048xi32> to vector<256xi32>
    %broadcast_in_dim3A_212 = vector.shape_cast %reduce_min3A_211 : vector<256xi32> to vector<256x1xi32>
    %eq3A_213 = vector.broadcast %broadcast_in_dim3A_212 : vector<256x1xi32> to vector<256x2048xi32>
    %eq3A_214 = arith.cmpi eq, %select_n3A_209, %eq3A_213 : vector<256x2048xi32>
    %jit3A_215 = arith.constant -1.000000e+30 : f32
    %broadcast_in_dim3A_216 = vector.broadcast %jit3A_215 : f32 to vector<256x2048xf32>
    %select_n3A_217 = arith.select %eq3A_214, %broadcast_in_dim3A_216, %select_n3A_201 : vector<256x2048xi1>, vector<256x2048xf32>
    %reduce_max3A_218 = arith.constant dense<0xFF800000> : vector<256xf32>
    %reduce_max3A_219 = vector.multi_reduction <maximumf>, %select_n3A_217, %reduce_max3A_218 [1] : vector<256x2048xf32> to vector<256xf32>
    %broadcast_in_dim3A_220 = vector.shape_cast %reduce_max3A_219 : vector<256xf32> to vector<256x1xf32>
    %eq3A_221 = vector.broadcast %broadcast_in_dim3A_220 : vector<256x1xf32> to vector<256x2048xf32>
    %eq3A_222 = arith.cmpf oeq, %select_n3A_217, %eq3A_221 : vector<256x2048xf32>
    %jit3A_223 = arith.constant 2048 : i32
    %broadcast_in_dim3A_224 = vector.broadcast %jit3A_223 : i32 to vector<256x2048xi32>
    %select_n3A_225 = arith.select %eq3A_222, %iota3A, %broadcast_in_dim3A_224 : vector<256x2048xi1>, vector<256x2048xi32>
    %reduce_min3A_226 = arith.constant dense<2147483647> : vector<256xi32>
    %reduce_min3A_227 = vector.multi_reduction <minsi>, %select_n3A_225, %reduce_min3A_226 [1] : vector<256x2048xi32> to vector<256xi32>
    %broadcast_in_dim3A_228 = vector.shape_cast %reduce_min3A_227 : vector<256xi32> to vector<256x1xi32>
    %eq3A_229 = vector.broadcast %broadcast_in_dim3A_228 : vector<256x1xi32> to vector<256x2048xi32>
    %eq3A_230 = arith.cmpi eq, %select_n3A_225, %eq3A_229 : vector<256x2048xi32>
    %jit3A_231 = arith.constant -1.000000e+30 : f32
    %broadcast_in_dim3A_232 = vector.broadcast %jit3A_231 : f32 to vector<256x2048xf32>
    %select_n3A_233 = arith.select %eq3A_230, %broadcast_in_dim3A_232, %select_n3A_217 : vector<256x2048xi1>, vector<256x2048xf32>
    %reduce_max3A_234 = arith.constant dense<0xFF800000> : vector<256xf32>
    %reduce_max3A_235 = vector.multi_reduction <maximumf>, %select_n3A_233, %reduce_max3A_234 [1] : vector<256x2048xf32> to vector<256xf32>
    %broadcast_in_dim3A_236 = vector.shape_cast %reduce_max3A_235 : vector<256xf32> to vector<256x1xf32>
    %eq3A_237 = vector.broadcast %broadcast_in_dim3A_236 : vector<256x1xf32> to vector<256x2048xf32>
    %eq3A_238 = arith.cmpf oeq, %select_n3A_233, %eq3A_237 : vector<256x2048xf32>
    %jit3A_239 = arith.constant 2048 : i32
    %broadcast_in_dim3A_240 = vector.broadcast %jit3A_239 : i32 to vector<256x2048xi32>
    %select_n3A_241 = arith.select %eq3A_238, %iota3A, %broadcast_in_dim3A_240 : vector<256x2048xi1>, vector<256x2048xi32>
    %reduce_min3A_242 = arith.constant dense<2147483647> : vector<256xi32>
    %reduce_min3A_243 = vector.multi_reduction <minsi>, %select_n3A_241, %reduce_min3A_242 [1] : vector<256x2048xi32> to vector<256xi32>
    %broadcast_in_dim3A_244 = vector.shape_cast %reduce_min3A_243 : vector<256xi32> to vector<256x1xi32>
    %eq3A_245 = vector.broadcast %broadcast_in_dim3A_244 : vector<256x1xi32> to vector<256x2048xi32>
    %eq3A_246 = arith.cmpi eq, %select_n3A_241, %eq3A_245 : vector<256x2048xi32>
    %jit3A_247 = arith.constant -1.000000e+30 : f32
    %broadcast_in_dim3A_248 = vector.broadcast %jit3A_247 : f32 to vector<256x2048xf32>
    %select_n3A_249 = arith.select %eq3A_246, %broadcast_in_dim3A_248, %select_n3A_233 : vector<256x2048xi1>, vector<256x2048xf32>
    %reduce_max3A_250 = arith.constant dense<0xFF800000> : vector<256xf32>
    %reduce_max3A_251 = vector.multi_reduction <maximumf>, %select_n3A_249, %reduce_max3A_250 [1] : vector<256x2048xf32> to vector<256xf32>
    %broadcast_in_dim3A_252 = vector.shape_cast %reduce_max3A_251 : vector<256xf32> to vector<256x1xf32>
    %eq3A_253 = vector.broadcast %broadcast_in_dim3A_252 : vector<256x1xf32> to vector<256x2048xf32>
    %eq3A_254 = arith.cmpf oeq, %select_n3A_249, %eq3A_253 : vector<256x2048xf32>
    %jit3A_255 = arith.constant 2048 : i32
    %broadcast_in_dim3A_256 = vector.broadcast %jit3A_255 : i32 to vector<256x2048xi32>
    %select_n3A_257 = arith.select %eq3A_254, %iota3A, %broadcast_in_dim3A_256 : vector<256x2048xi1>, vector<256x2048xi32>
    %reduce_min3A_258 = arith.constant dense<2147483647> : vector<256xi32>
    %reduce_min3A_259 = vector.multi_reduction <minsi>, %select_n3A_257, %reduce_min3A_258 [1] : vector<256x2048xi32> to vector<256xi32>
    %broadcast_in_dim3A_260 = vector.shape_cast %reduce_min3A_259 : vector<256xi32> to vector<256x1xi32>
    %eq3A_261 = vector.broadcast %broadcast_in_dim3A_260 : vector<256x1xi32> to vector<256x2048xi32>
    %eq3A_262 = arith.cmpi eq, %select_n3A_257, %eq3A_261 : vector<256x2048xi32>
    %jit3A_263 = arith.constant -1.000000e+30 : f32
    %broadcast_in_dim3A_264 = vector.broadcast %jit3A_263 : f32 to vector<256x2048xf32>
    %select_n3A_265 = arith.select %eq3A_262, %broadcast_in_dim3A_264, %select_n3A_249 : vector<256x2048xi1>, vector<256x2048xf32>
    %reduce_max3A_266 = arith.constant dense<0xFF800000> : vector<256xf32>
    %reduce_max3A_267 = vector.multi_reduction <maximumf>, %select_n3A_265, %reduce_max3A_266 [1] : vector<256x2048xf32> to vector<256xf32>
    %broadcast_in_dim3A_268 = vector.shape_cast %reduce_max3A_267 : vector<256xf32> to vector<256x1xf32>
    %eq3A_269 = vector.broadcast %broadcast_in_dim3A_268 : vector<256x1xf32> to vector<256x2048xf32>
    %eq3A_270 = arith.cmpf oeq, %select_n3A_265, %eq3A_269 : vector<256x2048xf32>
    %jit3A_271 = arith.constant 2048 : i32
    %broadcast_in_dim3A_272 = vector.broadcast %jit3A_271 : i32 to vector<256x2048xi32>
    %select_n3A_273 = arith.select %eq3A_270, %iota3A, %broadcast_in_dim3A_272 : vector<256x2048xi1>, vector<256x2048xi32>
    %reduce_min3A_274 = arith.constant dense<2147483647> : vector<256xi32>
    %reduce_min3A_275 = vector.multi_reduction <minsi>, %select_n3A_273, %reduce_min3A_274 [1] : vector<256x2048xi32> to vector<256xi32>
    %broadcast_in_dim3A_276 = vector.shape_cast %reduce_min3A_275 : vector<256xi32> to vector<256x1xi32>
    %eq3A_277 = vector.broadcast %broadcast_in_dim3A_276 : vector<256x1xi32> to vector<256x2048xi32>
    %eq3A_278 = arith.cmpi eq, %select_n3A_273, %eq3A_277 : vector<256x2048xi32>
    %jit3A_279 = arith.constant -1.000000e+30 : f32
    %broadcast_in_dim3A_280 = vector.broadcast %jit3A_279 : f32 to vector<256x2048xf32>
    %select_n3A_281 = arith.select %eq3A_278, %broadcast_in_dim3A_280, %select_n3A_265 : vector<256x2048xi1>, vector<256x2048xf32>
    %reduce_max3A_282 = arith.constant dense<0xFF800000> : vector<256xf32>
    %reduce_max3A_283 = vector.multi_reduction <maximumf>, %select_n3A_281, %reduce_max3A_282 [1] : vector<256x2048xf32> to vector<256xf32>
    %broadcast_in_dim3A_284 = vector.shape_cast %reduce_max3A_283 : vector<256xf32> to vector<256x1xf32>
    %eq3A_285 = vector.broadcast %broadcast_in_dim3A_284 : vector<256x1xf32> to vector<256x2048xf32>
    %eq3A_286 = arith.cmpf oeq, %select_n3A_281, %eq3A_285 : vector<256x2048xf32>
    %jit3A_287 = arith.constant 2048 : i32
    %broadcast_in_dim3A_288 = vector.broadcast %jit3A_287 : i32 to vector<256x2048xi32>
    %select_n3A_289 = arith.select %eq3A_286, %iota3A, %broadcast_in_dim3A_288 : vector<256x2048xi1>, vector<256x2048xi32>
    %reduce_min3A_290 = arith.constant dense<2147483647> : vector<256xi32>
    %reduce_min3A_291 = vector.multi_reduction <minsi>, %select_n3A_289, %reduce_min3A_290 [1] : vector<256x2048xi32> to vector<256xi32>
    %broadcast_in_dim3A_292 = vector.shape_cast %reduce_min3A_291 : vector<256xi32> to vector<256x1xi32>
    %eq3A_293 = vector.broadcast %broadcast_in_dim3A_292 : vector<256x1xi32> to vector<256x2048xi32>
    %eq3A_294 = arith.cmpi eq, %select_n3A_289, %eq3A_293 : vector<256x2048xi32>
    %jit3A_295 = arith.constant -1.000000e+30 : f32
    %broadcast_in_dim3A_296 = vector.broadcast %jit3A_295 : f32 to vector<256x2048xf32>
    %select_n3A_297 = arith.select %eq3A_294, %broadcast_in_dim3A_296, %select_n3A_281 : vector<256x2048xi1>, vector<256x2048xf32>
    %reduce_max3A_298 = arith.constant dense<0xFF800000> : vector<256xf32>
    %reduce_max3A_299 = vector.multi_reduction <maximumf>, %select_n3A_297, %reduce_max3A_298 [1] : vector<256x2048xf32> to vector<256xf32>
    %broadcast_in_dim3A_300 = vector.shape_cast %reduce_max3A_299 : vector<256xf32> to vector<256x1xf32>
    %eq3A_301 = vector.broadcast %broadcast_in_dim3A_300 : vector<256x1xf32> to vector<256x2048xf32>
    %eq3A_302 = arith.cmpf oeq, %select_n3A_297, %eq3A_301 : vector<256x2048xf32>
    %jit3A_303 = arith.constant 2048 : i32
    %broadcast_in_dim3A_304 = vector.broadcast %jit3A_303 : i32 to vector<256x2048xi32>
    %select_n3A_305 = arith.select %eq3A_302, %iota3A, %broadcast_in_dim3A_304 : vector<256x2048xi1>, vector<256x2048xi32>
    %reduce_min3A_306 = arith.constant dense<2147483647> : vector<256xi32>
    %reduce_min3A_307 = vector.multi_reduction <minsi>, %select_n3A_305, %reduce_min3A_306 [1] : vector<256x2048xi32> to vector<256xi32>
    %broadcast_in_dim3A_308 = vector.shape_cast %reduce_min3A_307 : vector<256xi32> to vector<256x1xi32>
    %eq3A_309 = vector.broadcast %broadcast_in_dim3A_308 : vector<256x1xi32> to vector<256x2048xi32>
    %eq3A_310 = arith.cmpi eq, %select_n3A_305, %eq3A_309 : vector<256x2048xi32>
    %jit3A_311 = arith.constant -1.000000e+30 : f32
    %broadcast_in_dim3A_312 = vector.broadcast %jit3A_311 : f32 to vector<256x2048xf32>
    %select_n3A_313 = arith.select %eq3A_310, %broadcast_in_dim3A_312, %select_n3A_297 : vector<256x2048xi1>, vector<256x2048xf32>
    %reduce_max3A_314 = arith.constant dense<0xFF800000> : vector<256xf32>
    %reduce_max3A_315 = vector.multi_reduction <maximumf>, %select_n3A_313, %reduce_max3A_314 [1] : vector<256x2048xf32> to vector<256xf32>
    %broadcast_in_dim3A_316 = vector.shape_cast %reduce_max3A_315 : vector<256xf32> to vector<256x1xf32>
    %eq3A_317 = vector.broadcast %broadcast_in_dim3A_316 : vector<256x1xf32> to vector<256x2048xf32>
    %eq3A_318 = arith.cmpf oeq, %select_n3A_313, %eq3A_317 : vector<256x2048xf32>
    %jit3A_319 = arith.constant 2048 : i32
    %broadcast_in_dim3A_320 = vector.broadcast %jit3A_319 : i32 to vector<256x2048xi32>
    %select_n3A_321 = arith.select %eq3A_318, %iota3A, %broadcast_in_dim3A_320 : vector<256x2048xi1>, vector<256x2048xi32>
    %reduce_min3A_322 = arith.constant dense<2147483647> : vector<256xi32>
    %reduce_min3A_323 = vector.multi_reduction <minsi>, %select_n3A_321, %reduce_min3A_322 [1] : vector<256x2048xi32> to vector<256xi32>
    %broadcast_in_dim3A_324 = vector.shape_cast %reduce_min3A_323 : vector<256xi32> to vector<256x1xi32>
    %concatenate3A = tpu.concatenate %broadcast_in_dim3A_20, %broadcast_in_dim3A_36, %broadcast_in_dim3A_52, %broadcast_in_dim3A_68, %broadcast_in_dim3A_84, %broadcast_in_dim3A_100, %broadcast_in_dim3A_116, %broadcast_in_dim3A_132, %broadcast_in_dim3A_148, %broadcast_in_dim3A_164, %broadcast_in_dim3A_180, %broadcast_in_dim3A_196, %broadcast_in_dim3A_212, %broadcast_in_dim3A_228, %broadcast_in_dim3A_244, %broadcast_in_dim3A_260, %broadcast_in_dim3A_276, %broadcast_in_dim3A_292, %broadcast_in_dim3A_308, %broadcast_in_dim3A_324 in 1 : vector<256x1xi32>, vector<256x1xi32>, vector<256x1xi32>, vector<256x1xi32>, vector<256x1xi32>, vector<256x1xi32>, vector<256x1xi32>, vector<256x1xi32>, vector<256x1xi32>, vector<256x1xi32>, vector<256x1xi32>, vector<256x1xi32>, vector<256x1xi32>, vector<256x1xi32>, vector<256x1xi32>, vector<256x1xi32>, vector<256x1xi32>, vector<256x1xi32>, vector<256x1xi32>, vector<256x1xi32> -> vector<256x20xi32>
    %mul3A_325 = arith.constant 2048 : i32
    %mul3A_326 = arith.muli %arg0, %mul3A_325 : i32
    %add3A = vector.broadcast %mul3A_326 : i32 to vector<256x20xi32>
    %add3A_327 = arith.addi %concatenate3A, %add3A : vector<256x20xi32>
    %swap3A = arith.constant 0 : index
    %swap3A_328 = arith.constant 0 : index
    %swap3A_329 = arith.constant 0 : index
    %swap3A_330 = vector.load %arg4[%swap3A, %swap3A_328, %swap3A_329] : memref<1x256x20xi32, #tpu.memory_space<vmem>>, vector<1x256x20xi32>
    %swap3A_331 = vector.shape_cast %swap3A_330 : vector<1x256x20xi32> to vector<256x20xi32>
    %swap3A_332 = vector.shape_cast %add3A_327 : vector<256x20xi32> to vector<1x256x20xi32>
    tpu.vector_store %arg4[%swap3A, %swap3A_328, %swap3A_329], %swap3A_332 {strides = array<i32>} : memref<1x256x20xi32, #tpu.memory_space<vmem>>, vector<1x256x20xi32>,
    return
  }
  func.func @transform_0(%arg0: i32, %arg1: i32) -> (i32, i32, i32) {
    %c0_i32 = arith.constant 0 : i32
    %c0_i32_0 = arith.constant 0 : i32
    return %arg0, %arg1, %c0_i32 : i32, i32, i32
  }
  func.func @transform_1(%arg0: i32, %arg1: i32) -> (i32, i32, i32) {
    %c0_i32 = arith.constant 0 : i32
    %c0_i32_0 = arith.constant 0 : i32
    %c0_i32_1 = arith.constant 0 : i32
    return %arg0, %c0_i32, %c0_i32_0 : i32, i32, i32
  }
  func.func @transform_2(%arg0: i32, %arg1: i32) -> (i32, i32, i32) {
    %c0_i32 = arith.constant 0 : i32
    %c0_i32_0 = arith.constant 0 : i32
    return %arg0, %arg1, %c0_i32 : i32, i32, i32
  }
}

module attributes {stable_mosaic.version = 14 : i64} {
  func.func @body(%arg0: i32, %arg1: memref<640x128xf32, #tpu.memory_space<vmem>>, %arg2: memref<32x128xf32, #tpu.memory_space<vmem>>, %arg3: memref<32x128xf32, #tpu.memory_space<vmem>>, %arg4: memref<256x256xf32, #tpu.memory_space<vmem>>, %arg5: memref<32x256xf32, #tpu.memory_space<vmem>>, %arg6: memref<32x256xf32, #tpu.memory_space<vmem>>, %arg7: memref<1x256xf32, #tpu.memory_space<vmem>>, %arg8: memref<1x256xf32, #tpu.memory_space<vmem>>) attributes {dimension_semantics = [#tpu.dimension_semantics<arbitrary>], iteration_bounds = array<i64: 512>, scalar_prefetch = 0 : i64, scratch_operands = 0 : i64, tpu.core_type = #tpu.core_type<tc>, window_params = [{transform_indices = @transform_0, window_bounds = array<i64: 640, 128>}, {transform_indices = @transform_1, window_bounds = array<i64: 32, 128>}, {transform_indices = @transform_2, window_bounds = array<i64: 32, 128>}, {pipeline_mode = #tpu.pipeline_mode<synchronous>, transform_indices = @transform_3, window_bounds = array<i64: 256, 256>}, {transform_indices = @transform_4, window_bounds = array<i64: 32, 256>}, {transform_indices = @transform_5, window_bounds = array<i64: 32, 256>}, {pipeline_mode = #tpu.pipeline_mode<synchronous>, transform_indices = @transform_6, window_bounds = array<i64: 1, 256>}, {pipeline_mode = #tpu.pipeline_mode<synchronous>, transform_indices = @transform_7, window_bounds = array<i64: 1, 256>}]} {
    %get3A = arith.constant 0 : index
    %get3A_0 = arith.constant 0 : index
    %get3A_1 = vector.load %arg1[%get3A, %get3A_0] : memref<640x128xf32, #tpu.memory_space<vmem>>, vector<640x128xf32>
    %get3A_2 = arith.constant 0 : index
    %get3A_3 = arith.constant 0 : index
    %get3A_4 = vector.load %arg2[%get3A_2, %get3A_3] : memref<32x128xf32, #tpu.memory_space<vmem>>, vector<32x128xf32>
    %broadcast_in_dim3A = vector.shape_cast %get3A_4 : vector<32x128xf32> to vector<32x1x128xf32>
    %broadcast_in_dim3A_5 = vector.shape_cast %broadcast_in_dim3A : vector<32x1x128xf32> to vector<32x1x128xf32>
    %broadcast_in_dim3A_6 = vector.broadcast %broadcast_in_dim3A_5 : vector<32x1x128xf32> to vector<32x20x128xf32>
    %reshape3A = vector.shape_cast %broadcast_in_dim3A_6 : vector<32x20x128xf32> to vector<640x128xf32>
    %sub3A = arith.subf %get3A_1, %reshape3A : vector<640x128xf32>
    %concatenate3A = tpu.concatenate %sub3A, %reshape3A in 1 : vector<640x128xf32>, vector<640x128xf32> -> vector<640x256xf32>
    %get3A_7 = arith.constant 0 : index
    %get3A_8 = arith.constant 0 : index
    %get3A_9 = vector.load %arg4[%get3A_7, %get3A_8] : memref<256x256xf32, #tpu.memory_space<vmem>>, vector<256x256xf32>
    %dot_general3A = arith.constant dense<0.000000e+00> : vector<640x256xf32>
    %dot_general3A_10 = tpu.matmul %concatenate3A, %get3A_9, %dot_general3A {dimension_numbers = #tpu.dot_dimension_numbers<[1], [1], [0], [0], [0, 0, 1, 0], [], []>, transpose_lhs_hint = false} : vector<640x256xf32>, vector<256x256xf32>, vector<640x256xf32> -> vector<640x256xf32>
    %reshape3A_11 = vector.shape_cast %dot_general3A_10 : vector<640x256xf32> to vector<32x20x256xf32>
    %reduce_max3A = arith.constant dense<0xFF800000> : vector<32x256xf32>
    %reduce_max3A_12 = vector.multi_reduction <maximumf>, %reshape3A_11, %reduce_max3A [1] : vector<32x20x256xf32> to vector<32x256xf32>
    %swap3A = arith.constant 0 : index
    %swap3A_13 = arith.constant 0 : index
    %swap3A_14 = vector.load %arg5[%swap3A, %swap3A_13] : memref<32x256xf32, #tpu.memory_space<vmem>>, vector<32x256xf32>
    tpu.vector_store %arg5[%swap3A, %swap3A_13], %reduce_max3A_12 {strides = array<i32>} : memref<32x256xf32, #tpu.memory_space<vmem>>, vector<32x256xf32>,
    %reduce_min3A = arith.constant dense<0x7F800000> : vector<32x256xf32>
    %reduce_min3A_15 = vector.multi_reduction <minimumf>, %reshape3A_11, %reduce_min3A [1] : vector<32x20x256xf32> to vector<32x256xf32>
    %swap3A_16 = arith.constant 0 : index
    %swap3A_17 = arith.constant 0 : index
    %swap3A_18 = vector.load %arg6[%swap3A_16, %swap3A_17] : memref<32x256xf32, #tpu.memory_space<vmem>>, vector<32x256xf32>
    tpu.vector_store %arg6[%swap3A_16, %swap3A_17], %reduce_min3A_15 {strides = array<i32>} : memref<32x256xf32, #tpu.memory_space<vmem>>, vector<32x256xf32>,
    %reduce_sum3A = arith.constant dense<0.000000e+00> : vector<256xf32>
    %reduce_sum3A_19 = vector.multi_reduction <add>, %reshape3A_11, %reduce_sum3A [0, 1] : vector<32x20x256xf32> to vector<256xf32>
    %reshape3A_20 = vector.shape_cast %reduce_sum3A_19 : vector<256xf32> to vector<1x256xf32>
    %mul3A = arith.mulf %reshape3A_11, %reshape3A_11 : vector<32x20x256xf32>
    %reduce_sum3A_21 = arith.constant dense<0.000000e+00> : vector<256xf32>
    %reduce_sum3A_22 = vector.multi_reduction <add>, %mul3A, %reduce_sum3A_21 [0, 1] : vector<32x20x256xf32> to vector<256xf32>
    %reshape3A_23 = vector.shape_cast %reduce_sum3A_22 : vector<256xf32> to vector<1x256xf32>
    %eq3A = arith.constant 0 : i32
    %eq3A_24 = arith.cmpi eq, %arg0, %eq3A : i32
    %convert_element_type3A = arith.extui %eq3A_24 : i1 to i32
    %cond3A = arith.constant 0 : i32
    %cond3A_25 = arith.cmpi ne, %convert_element_type3A, %cond3A : i32
    scf.if %cond3A_25 {
      %swap3A_30 = arith.constant 0 : index
      %swap3A_31 = arith.constant 0 : index
      %swap3A_32 = vector.load %arg7[%swap3A_30, %swap3A_31] : memref<1x256xf32, #tpu.memory_space<vmem>>, vector<1x256xf32>
      tpu.vector_store %arg7[%swap3A_30, %swap3A_31], %reshape3A_20 {strides = array<i32>} : memref<1x256xf32, #tpu.memory_space<vmem>>, vector<1x256xf32>,
      %swap3A_33 = arith.constant 0 : index
      %swap3A_34 = arith.constant 0 : index
      %swap3A_35 = vector.load %arg8[%swap3A_33, %swap3A_34] : memref<1x256xf32, #tpu.memory_space<vmem>>, vector<1x256xf32>
      tpu.vector_store %arg8[%swap3A_33, %swap3A_34], %reshape3A_23 {strides = array<i32>} : memref<1x256xf32, #tpu.memory_space<vmem>>, vector<1x256xf32>,
    } else {
    }
    %gt3A = arith.constant 0 : i32
    %gt3A_26 = arith.cmpi sgt, %arg0, %gt3A : i32
    %convert_element_type3A_27 = arith.extui %gt3A_26 : i1 to i32
    %cond3A_28 = arith.constant 0 : i32
    %cond3A_29 = arith.cmpi ne, %convert_element_type3A_27, %cond3A_28 : i32
    scf.if %cond3A_29 {
      %get3A_30 = arith.constant 0 : index
      %get3A_31 = arith.constant 0 : index
      %get3A_32 = vector.load %arg7[%get3A_30, %get3A_31] : memref<1x256xf32, #tpu.memory_space<vmem>>, vector<1x256xf32>
      %add3A = arith.addf %get3A_32, %reshape3A_20 : vector<1x256xf32>
      %swap3A_33 = arith.constant 0 : index
      %swap3A_34 = arith.constant 0 : index
      %swap3A_35 = vector.load %arg7[%swap3A_33, %swap3A_34] : memref<1x256xf32, #tpu.memory_space<vmem>>, vector<1x256xf32>
      tpu.vector_store %arg7[%swap3A_33, %swap3A_34], %add3A {strides = array<i32>} : memref<1x256xf32, #tpu.memory_space<vmem>>, vector<1x256xf32>,
      %get3A_36 = arith.constant 0 : index
      %get3A_37 = arith.constant 0 : index
      %get3A_38 = vector.load %arg8[%get3A_36, %get3A_37] : memref<1x256xf32, #tpu.memory_space<vmem>>, vector<1x256xf32>
      %add3A_39 = arith.addf %get3A_38, %reshape3A_23 : vector<1x256xf32>
      %swap3A_40 = arith.constant 0 : index
      %swap3A_41 = arith.constant 0 : index
      %swap3A_42 = vector.load %arg8[%swap3A_40, %swap3A_41] : memref<1x256xf32, #tpu.memory_space<vmem>>, vector<1x256xf32>
      tpu.vector_store %arg8[%swap3A_40, %swap3A_41], %add3A_39 {strides = array<i32>} : memref<1x256xf32, #tpu.memory_space<vmem>>, vector<1x256xf32>,
    } else {
    }
    return
  }
  func.func @transform_0(%arg0: i32) -> (i32, i32) {
    %c0_i32 = arith.constant 0 : i32
    %c0_i32_0 = arith.constant 0 : i32
    return %arg0, %c0_i32 : i32, i32
  }
  func.func @transform_1(%arg0: i32) -> (i32, i32) {
    %c0_i32 = arith.constant 0 : i32
    %c0_i32_0 = arith.constant 0 : i32
    return %arg0, %c0_i32 : i32, i32
  }
  func.func @transform_2(%arg0: i32) -> (i32, i32) {
    %c0_i32 = arith.constant 0 : i32
    %c0_i32_0 = arith.constant 0 : i32
    return %arg0, %c0_i32 : i32, i32
  }
  func.func @transform_3(%arg0: i32) -> (i32, i32) {
    %c0_i32 = arith.constant 0 : i32
    %c0_i32_0 = arith.constant 0 : i32
    %c0_i32_1 = arith.constant 0 : i32
    return %c0_i32, %c0_i32_0 : i32, i32
  }
  func.func @transform_4(%arg0: i32) -> (i32, i32) {
    %c0_i32 = arith.constant 0 : i32
    %c0_i32_0 = arith.constant 0 : i32
    return %arg0, %c0_i32 : i32, i32
  }
  func.func @transform_5(%arg0: i32) -> (i32, i32) {
    %c0_i32 = arith.constant 0 : i32
    %c0_i32_0 = arith.constant 0 : i32
    return %arg0, %c0_i32 : i32, i32
  }
  func.func @transform_6(%arg0: i32) -> (i32, i32) {
    %c0_i32 = arith.constant 0 : i32
    %c0_i32_0 = arith.constant 0 : i32
    %c0_i32_1 = arith.constant 0 : i32
    return %c0_i32, %c0_i32_0 : i32, i32
  }
  func.func @transform_7(%arg0: i32) -> (i32, i32) {
    %c0_i32 = arith.constant 0 : i32
    %c0_i32_0 = arith.constant 0 : i32
    %c0_i32_1 = arith.constant 0 : i32
    return %c0_i32, %c0_i32_0 : i32, i32
  }
}

module attributes {stable_mosaic.version = 14 : i64} {
  func.func @body(%arg0: i32, %arg1: memref<1024x256xf32, #tpu.memory_space<vmem>>, %arg2: memref<1024x256xf32, #tpu.memory_space<vmem>>, %arg3: memref<1x256xf32, #tpu.memory_space<vmem>>, %arg4: memref<1x256xf32, #tpu.memory_space<vmem>>, %arg5: memref<1x256xf32, #tpu.memory_space<vmem>>, %arg6: memref<1x256xf32, #tpu.memory_space<vmem>>, %arg7: memref<1024x256xf32, #tpu.memory_space<vmem>>) attributes {dimension_semantics = [#tpu.dimension_semantics<arbitrary>], iteration_bounds = array<i64: 16>, scalar_prefetch = 0 : i64, scratch_operands = 0 : i64, tpu.core_type = #tpu.core_type<tc>, window_params = [{transform_indices = @transform_0, window_bounds = array<i64: 1024, 256>}, {transform_indices = @transform_1, window_bounds = array<i64: 1024, 256>}, {pipeline_mode = #tpu.pipeline_mode<synchronous>, transform_indices = @transform_2, window_bounds = array<i64: 1, 256>}, {pipeline_mode = #tpu.pipeline_mode<synchronous>, transform_indices = @transform_3, window_bounds = array<i64: 1, 256>}, {pipeline_mode = #tpu.pipeline_mode<synchronous>, transform_indices = @transform_4, window_bounds = array<i64: 1, 256>}, {pipeline_mode = #tpu.pipeline_mode<synchronous>, transform_indices = @transform_5, window_bounds = array<i64: 1, 256>}, {transform_indices = @transform_6, window_bounds = array<i64: 1024, 256>}]} {
    %get3A = arith.constant 0 : index
    %get3A_0 = arith.constant 0 : index
    %get3A_1 = vector.load %arg3[%get3A, %get3A_0] : memref<1x256xf32, #tpu.memory_space<vmem>>, vector<1x256xf32>
    %get3A_2 = arith.constant 0 : index
    %get3A_3 = arith.constant 0 : index
    %get3A_4 = vector.load %arg4[%get3A_2, %get3A_3] : memref<1x256xf32, #tpu.memory_space<vmem>>, vector<1x256xf32>
    %div3A = arith.constant 3.276800e+05 : f32
    %div3A_5 = vector.broadcast %div3A : f32 to vector<1x256xf32>
    %div3A_6 = arith.divf %get3A_1, %div3A_5 : vector<1x256xf32>
    %div3A_7 = arith.constant 3.276800e+05 : f32
    %div3A_8 = vector.broadcast %div3A_7 : f32 to vector<1x256xf32>
    %div3A_9 = arith.divf %get3A_4, %div3A_8 : vector<1x256xf32>
    %mul3A = arith.mulf %div3A_6, %div3A_6 : vector<1x256xf32>
    %sub3A = arith.subf %div3A_9, %mul3A : vector<1x256xf32>
    %get3A_10 = arith.constant 0 : index
    %get3A_11 = arith.constant 0 : index
    %get3A_12 = vector.load %arg5[%get3A_10, %get3A_11] : memref<1x256xf32, #tpu.memory_space<vmem>>, vector<1x256xf32>
    %add3A = arith.constant 9.99999974E-6 : f32
    %add3A_13 = vector.broadcast %add3A : f32 to vector<1x256xf32>
    %add3A_14 = arith.addf %sub3A, %add3A_13 : vector<1x256xf32>
    %rsqrt3A = math.rsqrt %add3A_14 : vector<1x256xf32>
    %mul3A_15 = arith.mulf %get3A_12, %rsqrt3A : vector<1x256xf32>
    %get3A_16 = arith.constant 0 : index
    %get3A_17 = arith.constant 0 : index
    %get3A_18 = vector.load %arg6[%get3A_16, %get3A_17] : memref<1x256xf32, #tpu.memory_space<vmem>>, vector<1x256xf32>
    %mul3A_19 = arith.mulf %div3A_6, %mul3A_15 : vector<1x256xf32>
    %sub3A_20 = arith.subf %get3A_18, %mul3A_19 : vector<1x256xf32>
    %ge3A = arith.constant 0.000000e+00 : f32
    %ge3A_21 = vector.broadcast %ge3A : f32 to vector<1x256xf32>
    %ge3A_22 = arith.cmpf oge, %mul3A_15, %ge3A_21 : vector<1x256xf32>
    %get3A_23 = arith.constant 0 : index
    %get3A_24 = arith.constant 0 : index
    %get3A_25 = vector.load %arg1[%get3A_23, %get3A_24] : memref<1024x256xf32, #tpu.memory_space<vmem>>, vector<1024x256xf32>
    %get3A_26 = arith.constant 0 : index
    %get3A_27 = arith.constant 0 : index
    %get3A_28 = vector.load %arg2[%get3A_26, %get3A_27] : memref<1024x256xf32, #tpu.memory_space<vmem>>, vector<1024x256xf32>
    %broadcast_in_dim3A = vector.shape_cast %ge3A_22 : vector<1x256xi1> to vector<1x256xi1>
    %broadcast_in_dim3A_29 = vector.broadcast %broadcast_in_dim3A : vector<1x256xi1> to vector<1024x256xi1>
    %select_n3A = arith.select %broadcast_in_dim3A_29, %get3A_25, %get3A_28 : vector<1024x256xi1>, vector<1024x256xf32>
    %mul3A_30 = vector.broadcast %mul3A_15 : vector<1x256xf32> to vector<1024x256xf32>
    %mul3A_31 = arith.mulf %select_n3A, %mul3A_30 : vector<1024x256xf32>
    %add3A_32 = vector.broadcast %sub3A_20 : vector<1x256xf32> to vector<1024x256xf32>
    %add3A_33 = arith.addf %mul3A_31, %add3A_32 : vector<1024x256xf32>
    %ge3A_34 = arith.constant 0.000000e+00 : f32
    %ge3A_35 = vector.broadcast %ge3A_34 : f32 to vector<1024x256xf32>
    %ge3A_36 = arith.cmpf oge, %add3A_33, %ge3A_35 : vector<1024x256xf32>
    %mul3A_37 = arith.constant 2.000000e-01 : f32
    %mul3A_38 = vector.broadcast %mul3A_37 : f32 to vector<1024x256xf32>
    %mul3A_39 = arith.mulf %mul3A_38, %add3A_33 : vector<1024x256xf32>
    %select_n3A_40 = arith.select %ge3A_36, %add3A_33, %mul3A_39 : vector<1024x256xi1>, vector<1024x256xf32>
    %swap3A = arith.constant 0 : index
    %swap3A_41 = arith.constant 0 : index
    %swap3A_42 = vector.load %arg7[%swap3A, %swap3A_41] : memref<1024x256xf32, #tpu.memory_space<vmem>>, vector<1024x256xf32>
    tpu.vector_store %arg7[%swap3A, %swap3A_41], %select_n3A_40 {strides = array<i32>} : memref<1024x256xf32, #tpu.memory_space<vmem>>, vector<1024x256xf32>,
    return
  }
  func.func @transform_0(%arg0: i32) -> (i32, i32) {
    %c0_i32 = arith.constant 0 : i32
    %c0_i32_0 = arith.constant 0 : i32
    return %arg0, %c0_i32 : i32, i32
  }
  func.func @transform_1(%arg0: i32) -> (i32, i32) {
    %c0_i32 = arith.constant 0 : i32
    %c0_i32_0 = arith.constant 0 : i32
    return %arg0, %c0_i32 : i32, i32
  }
  func.func @transform_2(%arg0: i32) -> (i32, i32) {
    %c0_i32 = arith.constant 0 : i32
    %c0_i32_0 = arith.constant 0 : i32
    %c0_i32_1 = arith.constant 0 : i32
    return %c0_i32, %c0_i32_0 : i32, i32
  }
  func.func @transform_3(%arg0: i32) -> (i32, i32) {
    %c0_i32 = arith.constant 0 : i32
    %c0_i32_0 = arith.constant 0 : i32
    %c0_i32_1 = arith.constant 0 : i32
    return %c0_i32, %c0_i32_0 : i32, i32
  }
  func.func @transform_4(%arg0: i32) -> (i32, i32) {
    %c0_i32 = arith.constant 0 : i32
    %c0_i32_0 = arith.constant 0 : i32
    %c0_i32_1 = arith.constant 0 : i32
    return %c0_i32, %c0_i32_0 : i32, i32
  }
  func.func @transform_5(%arg0: i32) -> (i32, i32) {
    %c0_i32 = arith.constant 0 : i32
    %c0_i32_0 = arith.constant 0 : i32
    %c0_i32_1 = arith.constant 0 : i32
    return %c0_i32, %c0_i32_0 : i32, i32
  }
  func.func @transform_6(%arg0: i32) -> (i32, i32) {
    %c0_i32 = arith.constant 0 : i32
    %c0_i32_0 = arith.constant 0 : i32
    return %arg0, %c0_i32 : i32, i32
  }
}

</mosaic_0001>

<sc_bundles>
// kernel: kernel.18.cloned.1.call-start
scs
__scs_entry_jumppad:
0x0: {  	(pc) =	sbr.rel $0x88, $3  }
0x1: {  	(tag) =	ssettag $0x0;
	lr =	simm.s32 $0x1  }
0x2: {  	[smem:$0x3F94] =	sst lr;
	_ =	strace $0xD0000000  }
0x3: {  	_ = 	snop  }
0x4: {  	_ = 	snop  }
0x5: {  	_ = 	snop  }
0x6: {  	_ = 	snop  }
0x7: {  	_ = 	snop  }
__scs_overlays_trampoline_lowered:
0x8: {  	[smem:$0x3FA3] =	sst s0  }
0x9: {  	[smem:$0x3FA4] =	sst s1  }
0xa: {  	[smem:$0x3FA5] =	sst s2  }
0xb: {  	[smem:$0x3FA6] =	sst s3  }
0xc: {  	[smem:$0x3FA7] =	sst s4  }
0xd: {  	[smem:$0x3FA8] =	sst s5  }
0xe: {  	[smem:$0x3FA9] =	sst s6  }
0xf: {  	[smem:$0x3FAA] =	sst s7  }
0x10: {  	[smem:$0x3FAB] =	sst s8  }
0x11: {  	[smem:$0x3FAC] =	sst s9;
	s0 =	simm.s32 @!p0 $0x0  }
0x12: {  	s1 =	sld [smem:$0x3F92];
	s0 =	simm.s32 @p0 $0x1  }
0x13: {  	[smem:$0x3FAD] =	sst s0;
	s0 =	simm.s32 @!p1 $0x0  }
0x14: {  	s2 =	sld [smem:$0x3F91];
	s0 =	simm.s32 @p1 $0x1  }
0x15: {  	[smem:$0x3FAE] =	sst s0;
	s0 =	simm.s32 @!p2 $0x0  }
0x16: {  	s3 =	sld [smem:$0x3FDB];
	s0 =	simm.s32 @p2 $0x1  }
0x17: {  	s4 =	simm.s32 $0x1BF5;
	[smem:$0x3FB0] =	sst s0  }
0x18: {  	s0 =	sld [smem:$0x3F93];
	_ =	swait.ge [sflag:s4], $0x0  }
0x19: {  	s7 =	sld [smem:$0x3F94]  }
0x1a: {  	s8 =	sadd.s32 $0xFFFFE003, lr  }
0x1b: {  	s9 =	sadd.s32 $0xFFFFFEF7, lr;
	s5 =	simm.s32 $0xFFFFFFFF;
	p2 =	slt.u32 s8, $0xFFFFF086  }
0x1c: {  	p1 =	slt.u32 s9, $0xF7A;
	s5 =	simm.s32 @!p2 $0x0  }
0x1d: {  	s5 =	simm.s32 @p1 $0x1;
	p0 =	seq.s32 s7, s2  }
0x1e: {  	s7 =	smul.u32 @!p0 $0xF7A, s2;
	p2 =	seq.s32 @!p0 s5, $0x0  }
0x1f: {  	s9 =	smul.u32 $0xF7A, s1;
	s8 =	simm.s32 @!p0 $0x1BF5;
	p2 =	por !p2, p0  }
0x20: {  	[sflag:s8] =	ssyncset.s32 @!p0 $0xFFFFF086;
	s6 =	sadd.s32 @!p0 s3, s7;
	s7 =	simm.s32 @!p0 $0x108  }
0x21: {  	s3 =	sadd.s32 s3, s9;
	s6 =	sadd.s32 @!p0 $0x88, s6;
	s7 =	simm.s32 @p2 $0x1082  }
0x22: {  	[simem:s7], [sflag:s8] =	dma.local @!p0 [hbm:s6], $0xF7A  }
0x23: {  	s9 =	sor.u32 $0xD0000000, s2;
	s6 =	simm.s32 $0x108;
	_ =	swait.ge @!p0 [sflag:s8], $0x0  }
0x24: {  	s3 =	sadd.s32 $0x88, s3;
	s6 =	simm.s32 @!p1 $0x1082;
	[sflag:s4] =	ssyncset.s32 $0xFFFFF086  }
0x25: {  	[simem:s6], [sflag:s4] =	dma.local [hbm:s3], $0xF7A  }
0x26: {  	[smem:$0x3F94] =	sst s1;
	(tag) =	ssettag s2;
	_ =	strace s9  }
0x27: {  	s1 =	sld [smem:$0x3FA4]  }
0x28: {  	s2 =	sld [smem:$0x3FA5]  }
0x29: {  	s4 =	sld [smem:$0x3FA7]  }
0x2a: {  	p0 =	seq.s32 s5, $0x0;
	s5 =	sld [smem:$0x3FA8]  }
0x2b: {  	s6 =	sld [smem:$0x3FA9]  }
0x2c: {  	s7 =	sld [smem:$0x3FAA]  }
0x2d: {  	s3 =	simm.s32 $0x108;
	s8 =	sld [smem:$0x3FAB]  }
0x2e: {  	s3 =	simm.s32 @!p0 $0x1082;
	s9 =	sld [smem:$0x3FAC]  }
0x2f: {  	lr =	sadd.s32 s0, s3;
	s0 =	sld [smem:$0x3FA3]  }
0x30: {  	s3 =	sld [smem:$0x3FA6]  }
0x31: {  	[smem:$0x3FAF] =	sst s10  }
0x32: {  	s10 =	sld [smem:$0x3FAD];
	_ =	sdelay $0x3  }
0x33: {  	p0 =	seq.s32 s10, $0x1;
	s10 =	sld [smem:$0x3FAF];
	_ =	sdelay $0x3  }
0x34: {  	[smem:$0x3FAF] =	sst s10  }
0x35: {  	s10 =	sld [smem:$0x3FAE];
	_ =	sdelay $0x3  }
0x36: {  	p1 =	seq.s32 s10, $0x1;
	s10 =	sld [smem:$0x3FAF];
	_ =	sdelay $0x3  }
0x37: {  	[smem:$0x3FAF] =	sst s10  }
0x38: {  	s10 =	sld [smem:$0x3FB0]  }
0x39: {  	_ = 	snop;
	(pc) =	sbr.ind lr, $3  }
0x3a: {  	_ = 	snop  }
0x3b: {  	_ = 	snop  }
0x3c: {  	p2 =	seq.s32 s10, $0x1;
	s10 =	sld [smem:$0x3FAF]  }
0x3d: {  	_ =	shalt  }
0x3e: {  	_ =	shalt  }
0x3f: {  	_ =	shalt  }
0x40: {  	_ =	shalt  }
0x41: {  	_ =	shalt  }
0x42: {  	_ =	shalt  }
0x43: {  	_ =	shalt  }
0x44: {  	_ =	shalt  }
0x45: {  	_ =	shalt  }
0x46: {  	_ =	shalt  }
0x47: {  	_ =	shalt  }
0x48: {  	_ =	shalt  }
0x49: {  	_ =	shalt  }
0x4a: {  	_ =	shalt  }
0x4b: {  	_ =	shalt  }
0x4c: {  	_ =	shalt  }
0x4d: {  	_ =	shalt  }
0x4e: {  	_ =	shalt  }
0x4f: {  	_ =	shalt  }
0x50: {  	_ =	shalt  }
0x51: {  	_ =	shalt  }
0x52: {  	_ =	shalt  }
0x53: {  	_ =	shalt  }
0x54: {  	_ =	shalt  }
0x55: {  	_ =	shalt  }
0x56: {  	_ =	shalt  }
0x57: {  	_ =	shalt  }
0x58: {  	_ =	shalt  }
0x59: {  	_ =	shalt  }
0x5a: {  	_ =	shalt  }
0x5b: {  	_ =	shalt  }
0x5c: {  	_ =	shalt  }
0x5d: {  	_ =	shalt  }
0x5e: {  	_ =	shalt  }
0x5f: {  	_ =	shalt  }
0x60: {  	_ =	shalt  }
0x61: {  	_ =	shalt  }
0x62: {  	_ =	shalt  }
0x63: {  	_ =	shalt  }
0x64: {  	_ =	shalt  }
0x65: {  	_ =	shalt  }
0x66: {  	_ =	shalt  }
0x67: {  	_ =	shalt  }
0x68: {  	_ =	shalt  }
0x69: {  	_ =	shalt  }
0x6a: {  	_ =	shalt  }
0x6b: {  	_ =	shalt  }
0x6c: {  	_ =	shalt  }
0x6d: {  	_ =	shalt  }
0x6e: {  	_ =	shalt  }
0x6f: {  	_ =	shalt  }
0x70: {  	_ =	shalt  }
0x71: {  	_ =	shalt  }
0x72: {  	_ =	shalt  }
0x73: {  	_ =	shalt  }
0x74: {  	_ =	shalt  }
0x75: {  	_ =	shalt  }
0x76: {  	_ =	shalt  }
0x77: {  	_ =	shalt  }
0x78: {  	_ =	shalt  }
0x79: {  	_ =	shalt  }
0x7a: {  	_ =	shalt  }
0x7b: {  	_ =	shalt  }
0x7c: {  	_ =	shalt  }
0x7d: {  	_ =	shalt  }
0x7e: {  	_ =	shalt  }
0x7f: {  	_ =	shalt  }
0x80: {  	_ =	shalt  }
0x81: {  	_ =	shalt  }
0x82: {  	_ =	shalt  }
0x83: {  	_ =	shalt  }
0x84: {  	_ =	shalt  }
0x85: {  	_ =	shalt  }
0x86: {  	_ =	shalt  }
0x87: {  	_ =	shalt  }
.Lfunc_end0:
.L_simem_size_0:
called_computation_lowered:
.L_overlay_start_0:
0x88: {  	s2 =	sld [smem:$0x3FD9]  }
0x89: {  	s3 =	sld [smem:$0x3FFE];
	_ =	sdelay $0x1  }
0x8a: {  	s1 =	srdreg.scid  }
0x8b: {  	s0 =	sand.u32 $0x1, s1  }
0x8c: {  	s17 =	sshll.u32 s0, $0xA;
	s2 =	sadd.s32 s3, s2  }
0x8d: {  	s2 =	sadd.s32 s2, s17  }
0x8e: {  	[smem:$0x3FBB] =	sst s2  }
0x8f: {  	_ = 	snop  }
0x90: {  	s2 =	sld [smem:$0x3FD0];
	(tm) =	ssettm $0x1  }
0x91: {  	s18 =	sld [smem:$0x3FFB];
	_ =	sdelay $0x3  }
0x92: {  	_ =	strace s18  }
0x93: {  	s3 =	sld [smem:$0x3FFC];
	_ =	sdelay $0x3  }
0x94: {  	_ =	strace s3  }
0x95: {  	s3 =	sld [smem:$0x3FFD];
	_ =	sdelay $0x3  }
0x96: {  	_ =	strace s3  }
0x97: {  	_ =	strace $0x8FFFFFFF  }
0x98: {  	s19 =	sld [smem:$0x3FDB];
	_ =	sdelay $0x1  }
0x99: {  	s4 =	simm.s32 $_scs_section_size  }
0x9a: {  	s5 =	simm.s32 $_size__tile_overlayer_lowered;
	s6 =	simm.s32 $_tile_overlayer_lowered  }
0x9b: {  	s22 =	simm.s32 $0x1BFF;
	s21 =	sshll.u32 s6, $0x1;
	s3 =	sadd.s32 s4, s19  }
0x9c: {  	s7 =	simm.s32 $0x0;
	s20 =	sshll.u32 s5, $0x1;
	s5 =	sadd.s32 s21, s3  }
0x9d: {  	[timem:s7], [sflag:s22] =	dma.local [hbm:s5], s20  }
0x9e: {  	_ =	swait.ge [sflag:s22], s20  }
0x9f: {  	s4 =	ssub.s32 $0x0, s20;
	[sflag:s22] =	ssyncset.done $0x0  }
0xa0: {  	[sflag:s22] =	ssyncadd.s32 s4;
	_ =	sdelay $0x1  }
0xa1: {  	s23 =	simm.s32 $0x1B8B  }
0xa2: {  	_ =	swait.ge [sflag:s23], $0x1  }
0xa3: {  	[sflag:s23] =	ssyncset.done $0x0  }
0xa4: {  	s25 =	simm.s32 $0x1B8E;
	s24 =	sld [smem:$0x3FFE];
	[sflag:s23] =	ssyncadd.s32 $0xFFFFFFFF  }
0xa5: {  	s26 =	simm.s32 $execute0_lowered;
	[smem:$0x3FD2] =	sst s25  }
0xa6: {  	s5 =	sshll.u32 s26, $0x1;
	_ =	strace $0x80000046;
	[dreg:$0x1] =	wrdreg $0xFFFFFFFF  }
0xa7: {  	s28 =	simm.s32 $_size_execute0_lowered;
	s3 =	sadd.s32 s3, s5;
	[dreg:$0x0] =	wrdreg $0x0  }
0xa8: {  	s5 =	sshll.u32 s28, $0x1;
	[dreg:$0x2] =	wrdreg s3  }
0xa9: {  	[dreg:$0x3] =	wrdreg s5  }
0xaa: {  	[dreg:$0x4] =	wrdreg $0xC0  }
0xab: {  	_ =	task [dreg:s7], $0x5FFFF  }
0xac: {  	[dreg:$0x1] =	wrdreg $0xFFFFFFFF  }
0xad: {  	[dreg:$0x0] =	wrdreg $0x60  }
0xae: {  	[dreg:$0x2] =	wrdreg s2  }
0xaf: {  	[dreg:$0x3] =	wrdreg s24  }
0xb0: {  	[dreg:$0x4] =	wrdreg $0x9  }
0xb1: {  	_ =	task.clear_ibuf [dreg:s7], $0x5FFFF;
	_ =	strace $0x90000046  }
0xb2: {  	s29 =	simm.s32 $0x9;
	_ =	strace $0x80000048  }
0xb3: {  	_ =	swait.ge [sflag:s29], $0x1  }
0xb4: {  	[sflag:s29] =	ssyncadd.s32 $0xFFFFFFFF  }
0xb5: {  	_ =	strace $0x90000048  }
0xb6: {  	_ =	sfence  }
0xb7: {  	s30 =	sld [smem:$0x0];
	_ =	sdelay $0x2  }
0xb8: {  	s31 =	sshll.u32 s1, $0xD;
	s1 =	sshrl.u32 s1, $0x2  }
0xb9: {  	s3 =	sand.u32 $0x4000, s31;
	s1 =	sadd.s32 s1, s30  }
0xba: {  	s0 =	sor.u32 s3, s0;
	s1 =	sshll.u32 s1, $0x11  }
0xbb: {  	s0 =	sor.u32 s1, s0  }
0xbc: {  	s0 =	sadd.s32 $0x8F2B, s0  }
0xbd: {  	[sflag:s0] =	ssyncadd.remote.s32 $0x1  }
0xbe: {  	_ =	sfence.sel $0xFFFF  }
0xbf: {  	[dreg:$0x0] =	wrdreg $0xFFFFFFFF;
	(pc) =	sbr.abs _section_cstart, $3  }
0xc0: {  	[dreg:$0x1] =	wrdreg $0xFFFFFFFF  }
0xc1: {  	_ =	task.clear_ibuf [dreg:s7], $0x2FFFF;
	_ =	strace $0x9FFFFFFF  }
0xc2: {  	(tm) =	ssettm $0x7FFFFFFF  }
0xc3: {  	_ =	shalt  }
tec
execute0_lowered:
.L_overlay_start_1:
0x0: {  	(tag) =	ssettag $0x1  }
0x1: {  	s1 =	srdreg.scid;
	s2 =	rddreg [dreg:$0x0]  }
0x2: {  	s0 =	stileid.u32;
	s5 =	rddreg [dreg:$0x1];
	s3 =	simm.s32 $0x0  }
0x3: {  	s10 =	simm.s32 $0x5000;
	s11 =	simm.s32 $0x1;
	s4 =	sand.u32 $0x1, s1  }
0x4: {  	s30 =	sshll.u32 s0, $0x1;
	s7 =	smul.u32 $0x50000, s0;
	[smem:$0x7FF] =	sst s3  }
0x5: {  	s1 =	sor.u32 s4, s30;
	s8 =	ssub.s32 $0x2, s4;
	s4 =	smul.u32 $0x28000, s4  }
0x6: {  	s12 =	simm.s32 $0x0;
	s6 =	smul.u32 $0x500, s1;
	s1 =	rddreg [dreg:$0x2]  }
0x7: {  	_ =	strace $0x80000047;
	s7 =	sadd.s32 s7, s5;
	s9 =	sshrl.u32 s8, $0x1  }
0x8: {  	s31 =	ssub.s32 s8, s9;
	s7 =	sadd.s32 s4, s7;
	s8 =	simm.s32 $0x50  }
0x9: {  	s9 =	simm.s32 $0x2800;
	s5 =	sadd.s32 s6, s5;
	s6 =	sadd.s32 $0xF600, s7  }
0xa: {  	s7 =	simm.s32 $0x2;
	s4 =	sadd.s32 $0x5600, s5;
	s5 =	smax.u32 s31, $0x1  }
.LBB2_1:
0xb: {  	[tilespmem:s3], [sflag:$0x2] =	stream.linear.gather [hbm4b:s4+s3], $0x2800, $0x38;
	[tilespmem:$0x7800] =	vst v63  }
0xc: {  	_ =	swait.ge [sflag:s7], $0x2800  }
0xd: {  	[sflag:s7] =	ssyncset.done $0x0  }
0xe: {  	[sflag:s7] =	ssyncadd.s32 $0xFFFFD800  }
0xf: {  	[tilespmem:s9], [sflag:$0x1] =	stream.indirect.gather [hbm4b:s2+s8], $0x80, s3, s8, $0xb8;
	[tilespmem:$0x7800] =	vst v63  }
0x10: {  	s13 =	simm.s32 $0x50  }
0x11: {  	[tilespmem:s10], [sflag:$0x1] =	stream.indirect.gather [hbm4b:s2+s8], $0x80, s13, s8, $0xb8;
	[tilespmem:$0x7800] =	vst v63  }
0x12: {  	_ =	swait.ge [sflag:s11], $0x2800  }
0x13: {  	[sflag:s11] =	ssyncset.done $0x0  }
0x14: {  	[sflag:s11] =	ssyncadd.s32 $0xFFFFD800  }
0x15: {  	_ =	swait.ge [sflag:s11], $0x2800  }
0x16: {  	[sflag:s11] =	ssyncset.done $0x0  }
0x17: {  	s31 =	sadd.s32 $0x0, s6;
	[sflag:s11] =	ssyncadd.s32 $0xFFFFD800  }
0x18: {  	[hbm4b:s31+s3] =	stream.linear.scatter [tilespmem:s9], [sflag:$0x2], $0x5000, $0x38;
	[tilespmem:$0x7800] =	vst v63  }
0x19: {  	_ =	swait.ge [sflag:s7], $0x5000  }
0x1a: {  	s14 =	simm.s32 $0x0;
	s13 =	simm.s32 $0xA00;
	[sflag:s7] =	ssyncset.done $0x0  }
.LBB2_2:
0x1b: {  	p0 =	sne.s32 s13, $0x27600;
	[sflag:s7] =	ssyncadd.s32 $0xFFFFB000;
	s14 =	sadd.s32 $0xA0, s14  }
0x1c: {  	[tilespmem:s9], [sflag:$0x1] =	stream.indirect.gather [hbm4b:s2+s8], $0x80, s14, s8, $0xb8;
	[tilespmem:$0x7800] =	vst v63  }
0x1d: {  	s16 =	smov.u32 s13;
	s13 =	sadd.s32 $0xA00, s13;
	s15 =	sadd.s32 $0x50, s14  }
0x1e: {  	[tilespmem:s10], [sflag:$0x1] =	stream.indirect.gather [hbm4b:s2+s8], $0x80, s15, s8, $0xb8;
	[tilespmem:$0x7800] =	vst v63  }
0x1f: {  	_ =	swait.ge [sflag:s11], $0x2800  }
0x20: {  	[sflag:s11] =	ssyncset.done $0x0  }
0x21: {  	[sflag:s11] =	ssyncadd.s32 $0xFFFFD800  }
0x22: {  	_ =	swait.ge [sflag:s11], $0x2800  }
.Ltmp0:
0x23: {  	[sflag:s11] =	ssyncset.done $0x0;
	(pc) =	sbr.rel @p0 .LBB2_2-.Ltmp0, $4  }
0x24: {  	s15 =	sadd.s32 s16, s6;
	[sflag:s11] =	ssyncadd.s32 $0xFFFFD800  }
0x25: {  	[hbm4b:s15+s3] =	stream.linear.scatter [tilespmem:s9], [sflag:$0x2], $0x5000, $0x38;
	[tilespmem:$0x7800] =	vst v63  }
0x26: {  	_ =	swait.ge [sflag:s7], $0x5000  }
0x27: {  	[sflag:s7] =	ssyncset.done $0x0  }
0x28: {  	s12 =	sadd.s32 $0x1, s12  }
0x29: {  	p0 =	sne.s32 s12, s5  }
.Ltmp1:
0x2a: {  	_ = 	snop;
	(pc) =	sbr.rel @p0 .LBB2_1-.Ltmp1, $2  }
0x2b: {  	_ =	sdelay $0x2  }
0x2c: {  	[sflag:s7] =	ssyncadd.s32 $0xFFFFB000  }
0x2d: {  	_ =	sfence.sel $0x180000  }
0x2e: {  	[bflag:$0x0] =	sbarrier.arrive $0xFFFF  }
0x2f: {  	p0 =	sne.s32 s0, $0x0;
	_ =	strace $0x90000047  }
0x30: {  	s0 =	sadd.s32 @!p0 $0x100000, s1;
	[bflag:$0x2] =	sbarrier.arrive $0xFFFF  }
0x31: {  	[sflag:s0] =	ssyncadd.tile.s32 @!p0 $0x1;
	_ =	shalt  }
.Lfunc_end2:
_tile_overlayer_lowered:
.L_overlay_start_2:
0x32: {  	(tag) =	ssettag $0x2  }
0x33: {  	s0 =	rddreg [dreg:$0x0];
	s2 =	stileid.u32  }
0x34: {  	s1 =	rddreg [dreg:$0x1];
	p0 =	sne.s32 s2, $0x0  }
0x35: {  	s3 =	rddreg [dreg:$0x2];
	[bflag:$0x3] =	sbarrier.arrive $0xFFFF;
	s2 =	simm.s32 @!p0 $0x1C02  }
0x36: {  	[timem:s3], [sflag:s2] =	dma.local @!p0 [hbm:s0], s1  }
0x37: {  	s0 =	simm.s32 @!p0 $0x2  }
0x38: {  	_ =	swait.ge @!p0 [sflag:s0], s1  }
0x39: {  	s1 =	ssub.s32 @!p0 $0x0, s1;
	[sflag:s0] =	ssyncset.done @!p0 $0x0  }
0x3a: {  	[sflag:s0] =	ssyncadd.s32 @!p0 s1  }
0x3b: {  	[bflag:$0x3] =	sbarrier.arrive $0xFFFF  }
0x3c: {  	_ =	shalt  }

// kernel: kernel.21.cloned.1.call-start
scs
__scs_entry_jumppad:
0x0: {  	(pc) =	sbr.rel $0x88, $3  }
0x1: {  	(tag) =	ssettag $0x0;
	lr =	simm.s32 $0x1  }
0x2: {  	[smem:$0x3F94] =	sst lr;
	_ =	strace $0xD0000000  }
0x3: {  	_ = 	snop  }
0x4: {  	_ = 	snop  }
0x5: {  	_ = 	snop  }
0x6: {  	_ = 	snop  }
0x7: {  	_ = 	snop  }
__scs_overlays_trampoline_lowered:
0x8: {  	[smem:$0x3FA3] =	sst s0  }
0x9: {  	[smem:$0x3FA4] =	sst s1  }
0xa: {  	[smem:$0x3FA5] =	sst s2  }
0xb: {  	[smem:$0x3FA6] =	sst s3  }
0xc: {  	[smem:$0x3FA7] =	sst s4  }
0xd: {  	[smem:$0x3FA8] =	sst s5  }
0xe: {  	[smem:$0x3FA9] =	sst s6  }
0xf: {  	[smem:$0x3FAA] =	sst s7  }
0x10: {  	[smem:$0x3FAB] =	sst s8  }
0x11: {  	[smem:$0x3FAC] =	sst s9;
	s0 =	simm.s32 @!p0 $0x0  }
0x12: {  	s1 =	sld [smem:$0x3F92];
	s0 =	simm.s32 @p0 $0x1  }
0x13: {  	[smem:$0x3FAD] =	sst s0;
	s0 =	simm.s32 @!p1 $0x0  }
0x14: {  	s2 =	sld [smem:$0x3F91];
	s0 =	simm.s32 @p1 $0x1  }
0x15: {  	[smem:$0x3FAE] =	sst s0;
	s0 =	simm.s32 @!p2 $0x0  }
0x16: {  	s3 =	sld [smem:$0x3FDB];
	s0 =	simm.s32 @p2 $0x1  }
0x17: {  	s4 =	simm.s32 $0x1BF5;
	[smem:$0x3FB0] =	sst s0  }
0x18: {  	s0 =	sld [smem:$0x3F93];
	_ =	swait.ge [sflag:s4], $0x0  }
0x19: {  	s7 =	sld [smem:$0x3F94]  }
0x1a: {  	s8 =	sadd.s32 $0xFFFFE003, lr  }
0x1b: {  	s9 =	sadd.s32 $0xFFFFFEF7, lr;
	s5 =	simm.s32 $0xFFFFFFFF;
	p2 =	slt.u32 s8, $0xFFFFF086  }
0x1c: {  	p1 =	slt.u32 s9, $0xF7A;
	s5 =	simm.s32 @!p2 $0x0  }
0x1d: {  	s5 =	simm.s32 @p1 $0x1;
	p0 =	seq.s32 s7, s2  }
0x1e: {  	s7 =	smul.u32 @!p0 $0xF7A, s2;
	p2 =	seq.s32 @!p0 s5, $0x0  }
0x1f: {  	s9 =	smul.u32 $0xF7A, s1;
	s8 =	simm.s32 @!p0 $0x1BF5;
	p2 =	por !p2, p0  }
0x20: {  	[sflag:s8] =	ssyncset.s32 @!p0 $0xFFFFF086;
	s6 =	sadd.s32 @!p0 s3, s7;
	s7 =	simm.s32 @!p0 $0x108  }
0x21: {  	s3 =	sadd.s32 s3, s9;
	s6 =	sadd.s32 @!p0 $0x88, s6;
	s7 =	simm.s32 @p2 $0x1082  }
0x22: {  	[simem:s7], [sflag:s8] =	dma.local @!p0 [hbm:s6], $0xF7A  }
0x23: {  	s9 =	sor.u32 $0xD0000000, s2;
	s6 =	simm.s32 $0x108;
	_ =	swait.ge @!p0 [sflag:s8], $0x0  }
0x24: {  	s3 =	sadd.s32 $0x88, s3;
	s6 =	simm.s32 @!p1 $0x1082;
	[sflag:s4] =	ssyncset.s32 $0xFFFFF086  }
0x25: {  	[simem:s6], [sflag:s4] =	dma.local [hbm:s3], $0xF7A  }
0x26: {  	[smem:$0x3F94] =	sst s1;
	(tag) =	ssettag s2;
	_ =	strace s9  }
0x27: {  	s1 =	sld [smem:$0x3FA4]  }
0x28: {  	s2 =	sld [smem:$0x3FA5]  }
0x29: {  	s4 =	sld [smem:$0x3FA7]  }
0x2a: {  	p0 =	seq.s32 s5, $0x0;
	s5 =	sld [smem:$0x3FA8]  }
0x2b: {  	s6 =	sld [smem:$0x3FA9]  }
0x2c: {  	s7 =	sld [smem:$0x3FAA]  }
0x2d: {  	s3 =	simm.s32 $0x108;
	s8 =	sld [smem:$0x3FAB]  }
0x2e: {  	s3 =	simm.s32 @!p0 $0x1082;
	s9 =	sld [smem:$0x3FAC]  }
0x2f: {  	lr =	sadd.s32 s0, s3;
	s0 =	sld [smem:$0x3FA3]  }
0x30: {  	s3 =	sld [smem:$0x3FA6]  }
0x31: {  	[smem:$0x3FAF] =	sst s10  }
0x32: {  	s10 =	sld [smem:$0x3FAD];
	_ =	sdelay $0x3  }
0x33: {  	p0 =	seq.s32 s10, $0x1;
	s10 =	sld [smem:$0x3FAF];
	_ =	sdelay $0x3  }
0x34: {  	[smem:$0x3FAF] =	sst s10  }
0x35: {  	s10 =	sld [smem:$0x3FAE];
	_ =	sdelay $0x3  }
0x36: {  	p1 =	seq.s32 s10, $0x1;
	s10 =	sld [smem:$0x3FAF];
	_ =	sdelay $0x3  }
0x37: {  	[smem:$0x3FAF] =	sst s10  }
0x38: {  	s10 =	sld [smem:$0x3FB0]  }
0x39: {  	_ = 	snop;
	(pc) =	sbr.ind lr, $3  }
0x3a: {  	_ = 	snop  }
0x3b: {  	_ = 	snop  }
0x3c: {  	p2 =	seq.s32 s10, $0x1;
	s10 =	sld [smem:$0x3FAF]  }
0x3d: {  	_ =	shalt  }
0x3e: {  	_ =	shalt  }
0x3f: {  	_ =	shalt  }
0x40: {  	_ =	shalt  }
0x41: {  	_ =	shalt  }
0x42: {  	_ =	shalt  }
0x43: {  	_ =	shalt  }
0x44: {  	_ =	shalt  }
0x45: {  	_ =	shalt  }
0x46: {  	_ =	shalt  }
0x47: {  	_ =	shalt  }
0x48: {  	_ =	shalt  }
0x49: {  	_ =	shalt  }
0x4a: {  	_ =	shalt  }
0x4b: {  	_ =	shalt  }
0x4c: {  	_ =	shalt  }
0x4d: {  	_ =	shalt  }
0x4e: {  	_ =	shalt  }
0x4f: {  	_ =	shalt  }
0x50: {  	_ =	shalt  }
0x51: {  	_ =	shalt  }
0x52: {  	_ =	shalt  }
0x53: {  	_ =	shalt  }
0x54: {  	_ =	shalt  }
0x55: {  	_ =	shalt  }
0x56: {  	_ =	shalt  }
0x57: {  	_ =	shalt  }
0x58: {  	_ =	shalt  }
0x59: {  	_ =	shalt  }
0x5a: {  	_ =	shalt  }
0x5b: {  	_ =	shalt  }
0x5c: {  	_ =	shalt  }
0x5d: {  	_ =	shalt  }
0x5e: {  	_ =	shalt  }
0x5f: {  	_ =	shalt  }
0x60: {  	_ =	shalt  }
0x61: {  	_ =	shalt  }
0x62: {  	_ =	shalt  }
0x63: {  	_ =	shalt  }
0x64: {  	_ =	shalt  }
0x65: {  	_ =	shalt  }
0x66: {  	_ =	shalt  }
0x67: {  	_ =	shalt  }
0x68: {  	_ =	shalt  }
0x69: {  	_ =	shalt  }
0x6a: {  	_ =	shalt  }
0x6b: {  	_ =	shalt  }
0x6c: {  	_ =	shalt  }
0x6d: {  	_ =	shalt  }
0x6e: {  	_ =	shalt  }
0x6f: {  	_ =	shalt  }
0x70: {  	_ =	shalt  }
0x71: {  	_ =	shalt  }
0x72: {  	_ =	shalt  }
0x73: {  	_ =	shalt  }
0x74: {  	_ =	shalt  }
0x75: {  	_ =	shalt  }
0x76: {  	_ =	shalt  }
0x77: {  	_ =	shalt  }
0x78: {  	_ =	shalt  }
0x79: {  	_ =	shalt  }
0x7a: {  	_ =	shalt  }
0x7b: {  	_ =	shalt  }
0x7c: {  	_ =	shalt  }
0x7d: {  	_ =	shalt  }
0x7e: {  	_ =	shalt  }
0x7f: {  	_ =	shalt  }
0x80: {  	_ =	shalt  }
0x81: {  	_ =	shalt  }
0x82: {  	_ =	shalt  }
0x83: {  	_ =	shalt  }
0x84: {  	_ =	shalt  }
0x85: {  	_ =	shalt  }
0x86: {  	_ =	shalt  }
0x87: {  	_ =	shalt  }
.Lfunc_end0:
.L_simem_size_0:
called_computation.1_lowered:
.L_overlay_start_0:
0x88: {  	s2 =	sld [smem:$0x3FD9]  }
0x89: {  	s3 =	sld [smem:$0x3FFE];
	_ =	sdelay $0x1  }
0x8a: {  	s1 =	srdreg.scid  }
0x8b: {  	s0 =	sand.u32 $0x1, s1  }
0x8c: {  	s17 =	sshll.u32 s0, $0xA;
	s2 =	sadd.s32 s3, s2  }
0x8d: {  	s2 =	sadd.s32 s2, s17  }
0x8e: {  	[smem:$0x3FBB] =	sst s2  }
0x8f: {  	_ = 	snop  }
0x90: {  	s2 =	sld [smem:$0x3FD0];
	(tm) =	ssettm $0x1  }
0x91: {  	s18 =	sld [smem:$0x3FFB];
	_ =	sdelay $0x3  }
0x92: {  	_ =	strace s18  }
0x93: {  	s3 =	sld [smem:$0x3FFC];
	_ =	sdelay $0x3  }
0x94: {  	_ =	strace s3  }
0x95: {  	s3 =	sld [smem:$0x3FFD];
	_ =	sdelay $0x3  }
0x96: {  	_ =	strace s3  }
0x97: {  	_ =	strace $0x8FFFFFFF  }
0x98: {  	s19 =	sld [smem:$0x3FDB];
	_ =	sdelay $0x1  }
0x99: {  	s4 =	simm.s32 $_scs_section_size  }
0x9a: {  	s5 =	simm.s32 $_size__tile_overlayer_lowered;
	s6 =	simm.s32 $_tile_overlayer_lowered  }
0x9b: {  	s22 =	simm.s32 $0x1BFF;
	s21 =	sshll.u32 s6, $0x1;
	s3 =	sadd.s32 s4, s19  }
0x9c: {  	s7 =	simm.s32 $0x0;
	s20 =	sshll.u32 s5, $0x1;
	s5 =	sadd.s32 s21, s3  }
0x9d: {  	[timem:s7], [sflag:s22] =	dma.local [hbm:s5], s20  }
0x9e: {  	_ =	swait.ge [sflag:s22], s20  }
0x9f: {  	s4 =	ssub.s32 $0x0, s20;
	[sflag:s22] =	ssyncset.done $0x0  }
0xa0: {  	[sflag:s22] =	ssyncadd.s32 s4;
	_ =	sdelay $0x1  }
0xa1: {  	s23 =	simm.s32 $0x1B8B  }
0xa2: {  	_ =	swait.ge [sflag:s23], $0x1  }
0xa3: {  	[sflag:s23] =	ssyncset.done $0x0  }
0xa4: {  	s25 =	simm.s32 $0x1B8E;
	s24 =	sld [smem:$0x3FFE];
	[sflag:s23] =	ssyncadd.s32 $0xFFFFFFFF  }
0xa5: {  	s26 =	simm.s32 $execute0_lowered;
	[smem:$0x3FD2] =	sst s25  }
0xa6: {  	s5 =	sshll.u32 s26, $0x1;
	_ =	strace $0x80000049;
	[dreg:$0x1] =	wrdreg $0xFFFFFFFF  }
0xa7: {  	s28 =	simm.s32 $_size_execute0_lowered;
	s3 =	sadd.s32 s3, s5;
	[dreg:$0x0] =	wrdreg $0x0  }
0xa8: {  	s5 =	sshll.u32 s28, $0x1;
	[dreg:$0x2] =	wrdreg s3  }
0xa9: {  	[dreg:$0x3] =	wrdreg s5  }
0xaa: {  	[dreg:$0x4] =	wrdreg $0xC0  }
0xab: {  	_ =	task [dreg:s7], $0x5FFFF  }
0xac: {  	[dreg:$0x1] =	wrdreg $0xFFFFFFFF  }
0xad: {  	[dreg:$0x0] =	wrdreg $0x60  }
0xae: {  	[dreg:$0x2] =	wrdreg s2  }
0xaf: {  	[dreg:$0x3] =	wrdreg s24  }
0xb0: {  	[dreg:$0x4] =	wrdreg $0x9  }
0xb1: {  	_ =	task.clear_ibuf [dreg:s7], $0x5FFFF;
	_ =	strace $0x90000049  }
0xb2: {  	s29 =	simm.s32 $0x9;
	_ =	strace $0x8000004B  }
0xb3: {  	_ =	swait.ge [sflag:s29], $0x1  }
0xb4: {  	[sflag:s29] =	ssyncadd.s32 $0xFFFFFFFF  }
0xb5: {  	_ =	strace $0x9000004B  }
0xb6: {  	_ =	sfence  }
0xb7: {  	s30 =	sld [smem:$0x0];
	_ =	sdelay $0x2  }
0xb8: {  	s31 =	sshll.u32 s1, $0xD;
	s1 =	sshrl.u32 s1, $0x2  }
0xb9: {  	s3 =	sand.u32 $0x4000, s31;
	s1 =	sadd.s32 s1, s30  }
0xba: {  	s0 =	sor.u32 s3, s0;
	s1 =	sshll.u32 s1, $0x11  }
0xbb: {  	s0 =	sor.u32 s1, s0  }
0xbc: {  	s0 =	sadd.s32 $0x8F2B, s0  }
0xbd: {  	[sflag:s0] =	ssyncadd.remote.s32 $0x1  }
0xbe: {  	_ =	sfence.sel $0xFFFF  }
0xbf: {  	[dreg:$0x0] =	wrdreg $0xFFFFFFFF;
	(pc) =	sbr.abs _section_cstart, $3  }
0xc0: {  	[dreg:$0x1] =	wrdreg $0xFFFFFFFF  }
0xc1: {  	_ =	task.clear_ibuf [dreg:s7], $0x2FFFF;
	_ =	strace $0x9FFFFFFF  }
0xc2: {  	(tm) =	ssettm $0x7FFFFFFF  }
0xc3: {  	_ =	shalt  }
tec
execute0_lowered:
.L_overlay_start_1:
0x0: {  	(tag) =	ssettag $0x1  }
0x1: {  	s1 =	srdreg.scid;
	s2 =	rddreg [dreg:$0x0]  }
0x2: {  	s0 =	stileid.u32;
	s5 =	rddreg [dreg:$0x1];
	s3 =	simm.s32 $0x0  }
0x3: {  	s10 =	simm.s32 $0x5000;
	s11 =	simm.s32 $0x1;
	s4 =	sand.u32 $0x1, s1  }
0x4: {  	s30 =	sshll.u32 s0, $0x1;
	s7 =	smul.u32 $0x50000, s0;
	[smem:$0x7FF] =	sst s3  }
0x5: {  	s1 =	sor.u32 s4, s30;
	s8 =	ssub.s32 $0x2, s4;
	s4 =	smul.u32 $0x28000, s4  }
0x6: {  	s12 =	simm.s32 $0x0;
	s6 =	smul.u32 $0x500, s1;
	s1 =	rddreg [dreg:$0x2]  }
0x7: {  	_ =	strace $0x8000004A;
	s7 =	sadd.s32 s7, s5;
	s9 =	sshrl.u32 s8, $0x1  }
0x8: {  	s31 =	ssub.s32 s8, s9;
	s7 =	sadd.s32 s4, s7;
	s8 =	simm.s32 $0x50  }
0x9: {  	s9 =	simm.s32 $0x2800;
	s5 =	sadd.s32 s6, s5;
	s6 =	sadd.s32 $0x4DE00, s7  }
0xa: {  	s7 =	simm.s32 $0x2;
	s4 =	sadd.s32 $0x43E00, s5;
	s5 =	smax.u32 s31, $0x1  }
.LBB2_1:
0xb: {  	[tilespmem:s3], [sflag:$0x2] =	stream.linear.gather [hbm4b:s4+s3], $0x2800, $0x38;
	[tilespmem:$0x7800] =	vst v63  }
0xc: {  	_ =	swait.ge [sflag:s7], $0x2800  }
0xd: {  	[sflag:s7] =	ssyncset.done $0x0  }
0xe: {  	[sflag:s7] =	ssyncadd.s32 $0xFFFFD800  }
0xf: {  	[tilespmem:s9], [sflag:$0x1] =	stream.indirect.gather [hbm4b:s2+s8], $0x80, s3, s8, $0xb8;
	[tilespmem:$0x7800] =	vst v63  }
0x10: {  	s13 =	simm.s32 $0x50  }
0x11: {  	[tilespmem:s10], [sflag:$0x1] =	stream.indirect.gather [hbm4b:s2+s8], $0x80, s13, s8, $0xb8;
	[tilespmem:$0x7800] =	vst v63  }
0x12: {  	_ =	swait.ge [sflag:s11], $0x2800  }
0x13: {  	[sflag:s11] =	ssyncset.done $0x0  }
0x14: {  	[sflag:s11] =	ssyncadd.s32 $0xFFFFD800  }
0x15: {  	_ =	swait.ge [sflag:s11], $0x2800  }
0x16: {  	[sflag:s11] =	ssyncset.done $0x0  }
0x17: {  	s31 =	sadd.s32 $0x0, s6;
	[sflag:s11] =	ssyncadd.s32 $0xFFFFD800  }
0x18: {  	[hbm4b:s31+s3] =	stream.linear.scatter [tilespmem:s9], [sflag:$0x2], $0x5000, $0x38;
	[tilespmem:$0x7800] =	vst v63  }
0x19: {  	_ =	swait.ge [sflag:s7], $0x5000  }
0x1a: {  	s14 =	simm.s32 $0x0;
	s13 =	simm.s32 $0xA00;
	[sflag:s7] =	ssyncset.done $0x0  }
.LBB2_2:
0x1b: {  	p0 =	sne.s32 s13, $0x27600;
	[sflag:s7] =	ssyncadd.s32 $0xFFFFB000;
	s14 =	sadd.s32 $0xA0, s14  }
0x1c: {  	[tilespmem:s9], [sflag:$0x1] =	stream.indirect.gather [hbm4b:s2+s8], $0x80, s14, s8, $0xb8;
	[tilespmem:$0x7800] =	vst v63  }
0x1d: {  	s16 =	smov.u32 s13;
	s13 =	sadd.s32 $0xA00, s13;
	s15 =	sadd.s32 $0x50, s14  }
0x1e: {  	[tilespmem:s10], [sflag:$0x1] =	stream.indirect.gather [hbm4b:s2+s8], $0x80, s15, s8, $0xb8;
	[tilespmem:$0x7800] =	vst v63  }
0x1f: {  	_ =	swait.ge [sflag:s11], $0x2800  }
0x20: {  	[sflag:s11] =	ssyncset.done $0x0  }
0x21: {  	[sflag:s11] =	ssyncadd.s32 $0xFFFFD800  }
0x22: {  	_ =	swait.ge [sflag:s11], $0x2800  }
.Ltmp0:
0x23: {  	[sflag:s11] =	ssyncset.done $0x0;
	(pc) =	sbr.rel @p0 .LBB2_2-.Ltmp0, $4  }
0x24: {  	s15 =	sadd.s32 s16, s6;
	[sflag:s11] =	ssyncadd.s32 $0xFFFFD800  }
0x25: {  	[hbm4b:s15+s3] =	stream.linear.scatter [tilespmem:s9], [sflag:$0x2], $0x5000, $0x38;
	[tilespmem:$0x7800] =	vst v63  }
0x26: {  	_ =	swait.ge [sflag:s7], $0x5000  }
0x27: {  	[sflag:s7] =	ssyncset.done $0x0  }
0x28: {  	s12 =	sadd.s32 $0x1, s12  }
0x29: {  	p0 =	sne.s32 s12, s5  }
.Ltmp1:
0x2a: {  	_ = 	snop;
	(pc) =	sbr.rel @p0 .LBB2_1-.Ltmp1, $2  }
0x2b: {  	_ =	sdelay $0x2  }
0x2c: {  	[sflag:s7] =	ssyncadd.s32 $0xFFFFB000  }
0x2d: {  	_ =	sfence.sel $0x180000  }
0x2e: {  	[bflag:$0x0] =	sbarrier.arrive $0xFFFF  }
0x2f: {  	p0 =	sne.s32 s0, $0x0;
	_ =	strace $0x9000004A  }
0x30: {  	s0 =	sadd.s32 @!p0 $0x100000, s1;
	[bflag:$0x2] =	sbarrier.arrive $0xFFFF  }
0x31: {  	[sflag:s0] =	ssyncadd.tile.s32 @!p0 $0x1;
	_ =	shalt  }
.Lfunc_end2:
_tile_overlayer_lowered:
.L_overlay_start_2:
0x32: {  	(tag) =	ssettag $0x2  }
0x33: {  	s0 =	rddreg [dreg:$0x0];
	s2 =	stileid.u32  }
0x34: {  	s1 =	rddreg [dreg:$0x1];
	p0 =	sne.s32 s2, $0x0  }
0x35: {  	s3 =	rddreg [dreg:$0x2];
	[bflag:$0x3] =	sbarrier.arrive $0xFFFF;
	s2 =	simm.s32 @!p0 $0x1C02  }
0x36: {  	[timem:s3], [sflag:s2] =	dma.local @!p0 [hbm:s0], s1  }
0x37: {  	s0 =	simm.s32 @!p0 $0x2  }
0x38: {  	_ =	swait.ge @!p0 [sflag:s0], s1  }
0x39: {  	s1 =	ssub.s32 @!p0 $0x0, s1;
	[sflag:s0] =	ssyncset.done @!p0 $0x0  }
0x3a: {  	[sflag:s0] =	ssyncadd.s32 @!p0 s1  }
0x3b: {  	[bflag:$0x3] =	sbarrier.arrive $0xFFFF  }
0x3c: {  	_ =	shalt  }

// kernel: kernel.24.cloned.1.call-start
scs
__scs_entry_jumppad:
0x0: {  	(pc) =	sbr.rel $0x88, $3  }
0x1: {  	(tag) =	ssettag $0x0;
	lr =	simm.s32 $0x1  }
0x2: {  	[smem:$0x3F94] =	sst lr;
	_ =	strace $0xD0000000  }
0x3: {  	_ = 	snop  }
0x4: {  	_ = 	snop  }
0x5: {  	_ = 	snop  }
0x6: {  	_ = 	snop  }
0x7: {  	_ = 	snop  }
__scs_overlays_trampoline_lowered:
0x8: {  	[smem:$0x3FA3] =	sst s0  }
0x9: {  	[smem:$0x3FA4] =	sst s1  }
0xa: {  	[smem:$0x3FA5] =	sst s2  }
0xb: {  	[smem:$0x3FA6] =	sst s3  }
0xc: {  	[smem:$0x3FA7] =	sst s4  }
0xd: {  	[smem:$0x3FA8] =	sst s5  }
0xe: {  	[smem:$0x3FA9] =	sst s6  }
0xf: {  	[smem:$0x3FAA] =	sst s7  }
0x10: {  	[smem:$0x3FAB] =	sst s8  }
0x11: {  	[smem:$0x3FAC] =	sst s9;
	s0 =	simm.s32 @!p0 $0x0  }
0x12: {  	s1 =	sld [smem:$0x3F92];
	s0 =	simm.s32 @p0 $0x1  }
0x13: {  	[smem:$0x3FAD] =	sst s0;
	s0 =	simm.s32 @!p1 $0x0  }
0x14: {  	s2 =	sld [smem:$0x3F91];
	s0 =	simm.s32 @p1 $0x1  }
0x15: {  	[smem:$0x3FAE] =	sst s0;
	s0 =	simm.s32 @!p2 $0x0  }
0x16: {  	s3 =	sld [smem:$0x3FDB];
	s0 =	simm.s32 @p2 $0x1  }
0x17: {  	s4 =	simm.s32 $0x1BF5;
	[smem:$0x3FB0] =	sst s0  }
0x18: {  	s0 =	sld [smem:$0x3F93];
	_ =	swait.ge [sflag:s4], $0x0  }
0x19: {  	s7 =	sld [smem:$0x3F94]  }
0x1a: {  	s8 =	sadd.s32 $0xFFFFE003, lr  }
0x1b: {  	s9 =	sadd.s32 $0xFFFFFEF7, lr;
	s5 =	simm.s32 $0xFFFFFFFF;
	p2 =	slt.u32 s8, $0xFFFFF086  }
0x1c: {  	p1 =	slt.u32 s9, $0xF7A;
	s5 =	simm.s32 @!p2 $0x0  }
0x1d: {  	s5 =	simm.s32 @p1 $0x1;
	p0 =	seq.s32 s7, s2  }
0x1e: {  	s7 =	smul.u32 @!p0 $0xF7A, s2;
	p2 =	seq.s32 @!p0 s5, $0x0  }
0x1f: {  	s9 =	smul.u32 $0xF7A, s1;
	s8 =	simm.s32 @!p0 $0x1BF5;
	p2 =	por !p2, p0  }
0x20: {  	[sflag:s8] =	ssyncset.s32 @!p0 $0xFFFFF086;
	s6 =	sadd.s32 @!p0 s3, s7;
	s7 =	simm.s32 @!p0 $0x108  }
0x21: {  	s3 =	sadd.s32 s3, s9;
	s6 =	sadd.s32 @!p0 $0x88, s6;
	s7 =	simm.s32 @p2 $0x1082  }
0x22: {  	[simem:s7], [sflag:s8] =	dma.local @!p0 [hbm:s6], $0xF7A  }
0x23: {  	s9 =	sor.u32 $0xD0000000, s2;
	s6 =	simm.s32 $0x108;
	_ =	swait.ge @!p0 [sflag:s8], $0x0  }
0x24: {  	s3 =	sadd.s32 $0x88, s3;
	s6 =	simm.s32 @!p1 $0x1082;
	[sflag:s4] =	ssyncset.s32 $0xFFFFF086  }
0x25: {  	[simem:s6], [sflag:s4] =	dma.local [hbm:s3], $0xF7A  }
0x26: {  	[smem:$0x3F94] =	sst s1;
	(tag) =	ssettag s2;
	_ =	strace s9  }
0x27: {  	s1 =	sld [smem:$0x3FA4]  }
0x28: {  	s2 =	sld [smem:$0x3FA5]  }
0x29: {  	s4 =	sld [smem:$0x3FA7]  }
0x2a: {  	p0 =	seq.s32 s5, $0x0;
	s5 =	sld [smem:$0x3FA8]  }
0x2b: {  	s6 =	sld [smem:$0x3FA9]  }
0x2c: {  	s7 =	sld [smem:$0x3FAA]  }
0x2d: {  	s3 =	simm.s32 $0x108;
	s8 =	sld [smem:$0x3FAB]  }
0x2e: {  	s3 =	simm.s32 @!p0 $0x1082;
	s9 =	sld [smem:$0x3FAC]  }
0x2f: {  	lr =	sadd.s32 s0, s3;
	s0 =	sld [smem:$0x3FA3]  }
0x30: {  	s3 =	sld [smem:$0x3FA6]  }
0x31: {  	[smem:$0x3FAF] =	sst s10  }
0x32: {  	s10 =	sld [smem:$0x3FAD];
	_ =	sdelay $0x3  }
0x33: {  	p0 =	seq.s32 s10, $0x1;
	s10 =	sld [smem:$0x3FAF];
	_ =	sdelay $0x3  }
0x34: {  	[smem:$0x3FAF] =	sst s10  }
0x35: {  	s10 =	sld [smem:$0x3FAE];
	_ =	sdelay $0x3  }
0x36: {  	p1 =	seq.s32 s10, $0x1;
	s10 =	sld [smem:$0x3FAF];
	_ =	sdelay $0x3  }
0x37: {  	[smem:$0x3FAF] =	sst s10  }
0x38: {  	s10 =	sld [smem:$0x3FB0]  }
0x39: {  	_ = 	snop;
	(pc) =	sbr.ind lr, $3  }
0x3a: {  	_ = 	snop  }
0x3b: {  	_ = 	snop  }
0x3c: {  	p2 =	seq.s32 s10, $0x1;
	s10 =	sld [smem:$0x3FAF]  }
0x3d: {  	_ =	shalt  }
0x3e: {  	_ =	shalt  }
0x3f: {  	_ =	shalt  }
0x40: {  	_ =	shalt  }
0x41: {  	_ =	shalt  }
0x42: {  	_ =	shalt  }
0x43: {  	_ =	shalt  }
0x44: {  	_ =	shalt  }
0x45: {  	_ =	shalt  }
0x46: {  	_ =	shalt  }
0x47: {  	_ =	shalt  }
0x48: {  	_ =	shalt  }
0x49: {  	_ =	shalt  }
0x4a: {  	_ =	shalt  }
0x4b: {  	_ =	shalt  }
0x4c: {  	_ =	shalt  }
0x4d: {  	_ =	shalt  }
0x4e: {  	_ =	shalt  }
0x4f: {  	_ =	shalt  }
0x50: {  	_ =	shalt  }
0x51: {  	_ =	shalt  }
0x52: {  	_ =	shalt  }
0x53: {  	_ =	shalt  }
0x54: {  	_ =	shalt  }
0x55: {  	_ =	shalt  }
0x56: {  	_ =	shalt  }
0x57: {  	_ =	shalt  }
0x58: {  	_ =	shalt  }
0x59: {  	_ =	shalt  }
0x5a: {  	_ =	shalt  }
0x5b: {  	_ =	shalt  }
0x5c: {  	_ =	shalt  }
0x5d: {  	_ =	shalt  }
0x5e: {  	_ =	shalt  }
0x5f: {  	_ =	shalt  }
0x60: {  	_ =	shalt  }
0x61: {  	_ =	shalt  }
0x62: {  	_ =	shalt  }
0x63: {  	_ =	shalt  }
0x64: {  	_ =	shalt  }
0x65: {  	_ =	shalt  }
0x66: {  	_ =	shalt  }
0x67: {  	_ =	shalt  }
0x68: {  	_ =	shalt  }
0x69: {  	_ =	shalt  }
0x6a: {  	_ =	shalt  }
0x6b: {  	_ =	shalt  }
0x6c: {  	_ =	shalt  }
0x6d: {  	_ =	shalt  }
0x6e: {  	_ =	shalt  }
0x6f: {  	_ =	shalt  }
0x70: {  	_ =	shalt  }
0x71: {  	_ =	shalt  }
0x72: {  	_ =	shalt  }
0x73: {  	_ =	shalt  }
0x74: {  	_ =	shalt  }
0x75: {  	_ =	shalt  }
0x76: {  	_ =	shalt  }
0x77: {  	_ =	shalt  }
0x78: {  	_ =	shalt  }
0x79: {  	_ =	shalt  }
0x7a: {  	_ =	shalt  }
0x7b: {  	_ =	shalt  }
0x7c: {  	_ =	shalt  }
0x7d: {  	_ =	shalt  }
0x7e: {  	_ =	shalt  }
0x7f: {  	_ =	shalt  }
0x80: {  	_ =	shalt  }
0x81: {  	_ =	shalt  }
0x82: {  	_ =	shalt  }
0x83: {  	_ =	shalt  }
0x84: {  	_ =	shalt  }
0x85: {  	_ =	shalt  }
0x86: {  	_ =	shalt  }
0x87: {  	_ =	shalt  }
.Lfunc_end0:
.L_simem_size_0:
called_computation.2_lowered:
.L_overlay_start_0:
0x88: {  	s2 =	sld [smem:$0x3FD9]  }
0x89: {  	s3 =	sld [smem:$0x3FFE];
	_ =	sdelay $0x1  }
0x8a: {  	s1 =	srdreg.scid  }
0x8b: {  	s0 =	sand.u32 $0x1, s1  }
0x8c: {  	s17 =	sshll.u32 s0, $0xA;
	s2 =	sadd.s32 s3, s2  }
0x8d: {  	s2 =	sadd.s32 s2, s17  }
0x8e: {  	[smem:$0x3FBB] =	sst s2  }
0x8f: {  	_ = 	snop  }
0x90: {  	s2 =	sld [smem:$0x3FD0];
	(tm) =	ssettm $0x1  }
0x91: {  	s18 =	sld [smem:$0x3FFB];
	_ =	sdelay $0x3  }
0x92: {  	_ =	strace s18  }
0x93: {  	s3 =	sld [smem:$0x3FFC];
	_ =	sdelay $0x3  }
0x94: {  	_ =	strace s3  }
0x95: {  	s3 =	sld [smem:$0x3FFD];
	_ =	sdelay $0x3  }
0x96: {  	_ =	strace s3  }
0x97: {  	_ =	strace $0x8FFFFFFF  }
0x98: {  	s19 =	sld [smem:$0x3FDB];
	_ =	sdelay $0x1  }
0x99: {  	s4 =	simm.s32 $_scs_section_size  }
0x9a: {  	s5 =	simm.s32 $_size__tile_overlayer_lowered;
	s6 =	simm.s32 $_tile_overlayer_lowered  }
0x9b: {  	s22 =	simm.s32 $0x1BFF;
	s21 =	sshll.u32 s6, $0x1;
	s3 =	sadd.s32 s4, s19  }
0x9c: {  	s7 =	simm.s32 $0x0;
	s20 =	sshll.u32 s5, $0x1;
	s5 =	sadd.s32 s21, s3  }
0x9d: {  	[timem:s7], [sflag:s22] =	dma.local [hbm:s5], s20  }
0x9e: {  	_ =	swait.ge [sflag:s22], s20  }
0x9f: {  	s4 =	ssub.s32 $0x0, s20;
	[sflag:s22] =	ssyncset.done $0x0  }
0xa0: {  	[sflag:s22] =	ssyncadd.s32 s4;
	_ =	sdelay $0x1  }
0xa1: {  	s23 =	simm.s32 $0x1B8B  }
0xa2: {  	_ =	swait.ge [sflag:s23], $0x1  }
0xa3: {  	[sflag:s23] =	ssyncset.done $0x0  }
0xa4: {  	s25 =	simm.s32 $0x1B8E;
	s24 =	sld [smem:$0x3FFE];
	[sflag:s23] =	ssyncadd.s32 $0xFFFFFFFF  }
0xa5: {  	s26 =	simm.s32 $execute0_lowered;
	[smem:$0x3FD2] =	sst s25  }
0xa6: {  	s5 =	sshll.u32 s26, $0x1;
	_ =	strace $0x8000004C;
	[dreg:$0x1] =	wrdreg $0xFFFFFFFF  }
0xa7: {  	s28 =	simm.s32 $_size_execute0_lowered;
	s3 =	sadd.s32 s3, s5;
	[dreg:$0x0] =	wrdreg $0x0  }
0xa8: {  	s5 =	sshll.u32 s28, $0x1;
	[dreg:$0x2] =	wrdreg s3  }
0xa9: {  	[dreg:$0x3] =	wrdreg s5  }
0xaa: {  	[dreg:$0x4] =	wrdreg $0xC0  }
0xab: {  	_ =	task [dreg:s7], $0x5FFFF  }
0xac: {  	[dreg:$0x1] =	wrdreg $0xFFFFFFFF  }
0xad: {  	[dreg:$0x0] =	wrdreg $0x60  }
0xae: {  	[dreg:$0x2] =	wrdreg s2  }
0xaf: {  	[dreg:$0x3] =	wrdreg s24  }
0xb0: {  	[dreg:$0x4] =	wrdreg $0x9  }
0xb1: {  	_ =	task.clear_ibuf [dreg:s7], $0x5FFFF;
	_ =	strace $0x9000004C  }
0xb2: {  	s29 =	simm.s32 $0x9;
	_ =	strace $0x8000004E  }
0xb3: {  	_ =	swait.ge [sflag:s29], $0x1  }
0xb4: {  	[sflag:s29] =	ssyncadd.s32 $0xFFFFFFFF  }
0xb5: {  	_ =	strace $0x9000004E  }
0xb6: {  	_ =	sfence  }
0xb7: {  	s30 =	sld [smem:$0x0];
	_ =	sdelay $0x2  }
0xb8: {  	s31 =	sshll.u32 s1, $0xD;
	s1 =	sshrl.u32 s1, $0x2  }
0xb9: {  	s3 =	sand.u32 $0x4000, s31;
	s1 =	sadd.s32 s1, s30  }
0xba: {  	s0 =	sor.u32 s3, s0;
	s1 =	sshll.u32 s1, $0x11  }
0xbb: {  	s0 =	sor.u32 s1, s0  }
0xbc: {  	s0 =	sadd.s32 $0x8F2B, s0  }
0xbd: {  	[sflag:s0] =	ssyncadd.remote.s32 $0x1  }
0xbe: {  	_ =	sfence.sel $0xFFFF  }
0xbf: {  	[dreg:$0x0] =	wrdreg $0xFFFFFFFF;
	(pc) =	sbr.abs _section_cstart, $3  }
0xc0: {  	[dreg:$0x1] =	wrdreg $0xFFFFFFFF  }
0xc1: {  	_ =	task.clear_ibuf [dreg:s7], $0x2FFFF;
	_ =	strace $0x9FFFFFFF  }
0xc2: {  	(tm) =	ssettm $0x7FFFFFFF  }
0xc3: {  	_ =	shalt  }
tec
execute0_lowered:
.L_overlay_start_1:
0x0: {  	(tag) =	ssettag $0x1  }
0x1: {  	s1 =	srdreg.scid;
	s2 =	rddreg [dreg:$0x0]  }
0x2: {  	s0 =	stileid.u32;
	s5 =	rddreg [dreg:$0x1];
	s3 =	simm.s32 $0x0  }
0x3: {  	s10 =	simm.s32 $0x5000;
	s11 =	simm.s32 $0x1;
	s4 =	sand.u32 $0x1, s1  }
0x4: {  	s30 =	sshll.u32 s0, $0x1;
	s7 =	smul.u32 $0x50000, s0;
	[smem:$0x7FF] =	sst s3  }
0x5: {  	s1 =	sor.u32 s4, s30;
	s8 =	ssub.s32 $0x2, s4;
	s4 =	smul.u32 $0x28000, s4  }
0x6: {  	s12 =	simm.s32 $0x0;
	s6 =	smul.u32 $0x500, s1;
	s1 =	rddreg [dreg:$0x2]  }
0x7: {  	_ =	strace $0x8000004D;
	s7 =	sadd.s32 s7, s5;
	s9 =	sshrl.u32 s8, $0x1  }
0x8: {  	s31 =	ssub.s32 s8, s9;
	s7 =	sadd.s32 s4, s7;
	s8 =	simm.s32 $0x50  }
0x9: {  	s9 =	simm.s32 $0x2800;
	s5 =	sadd.s32 s6, s5;
	s6 =	sadd.s32 $0x4DE00, s7  }
0xa: {  	s7 =	simm.s32 $0x2;
	s4 =	sadd.s32 $0x43E00, s5;
	s5 =	smax.u32 s31, $0x1  }
.LBB2_1:
0xb: {  	[tilespmem:s3], [sflag:$0x2] =	stream.linear.gather [hbm4b:s4+s3], $0x2800, $0x38;
	[tilespmem:$0x7800] =	vst v63  }
0xc: {  	_ =	swait.ge [sflag:s7], $0x2800  }
0xd: {  	[sflag:s7] =	ssyncset.done $0x0  }
0xe: {  	[sflag:s7] =	ssyncadd.s32 $0xFFFFD800  }
0xf: {  	[tilespmem:s9], [sflag:$0x1] =	stream.indirect.gather [hbm4b:s2+s8], $0x80, s3, s8, $0xb8;
	[tilespmem:$0x7800] =	vst v63  }
0x10: {  	s13 =	simm.s32 $0x50  }
0x11: {  	[tilespmem:s10], [sflag:$0x1] =	stream.indirect.gather [hbm4b:s2+s8], $0x80, s13, s8, $0xb8;
	[tilespmem:$0x7800] =	vst v63  }
0x12: {  	_ =	swait.ge [sflag:s11], $0x2800  }
0x13: {  	[sflag:s11] =	ssyncset.done $0x0  }
0x14: {  	[sflag:s11] =	ssyncadd.s32 $0xFFFFD800  }
0x15: {  	_ =	swait.ge [sflag:s11], $0x2800  }
0x16: {  	[sflag:s11] =	ssyncset.done $0x0  }
0x17: {  	s31 =	sadd.s32 $0x0, s6;
	[sflag:s11] =	ssyncadd.s32 $0xFFFFD800  }
0x18: {  	[hbm4b:s31+s3] =	stream.linear.scatter [tilespmem:s9], [sflag:$0x2], $0x5000, $0x38;
	[tilespmem:$0x7800] =	vst v63  }
0x19: {  	_ =	swait.ge [sflag:s7], $0x5000  }
0x1a: {  	s14 =	simm.s32 $0x0;
	s13 =	simm.s32 $0xA00;
	[sflag:s7] =	ssyncset.done $0x0  }
.LBB2_2:
0x1b: {  	p0 =	sne.s32 s13, $0x27600;
	[sflag:s7] =	ssyncadd.s32 $0xFFFFB000;
	s14 =	sadd.s32 $0xA0, s14  }
0x1c: {  	[tilespmem:s9], [sflag:$0x1] =	stream.indirect.gather [hbm4b:s2+s8], $0x80, s14, s8, $0xb8;
	[tilespmem:$0x7800] =	vst v63  }
0x1d: {  	s16 =	smov.u32 s13;
	s13 =	sadd.s32 $0xA00, s13;
	s15 =	sadd.s32 $0x50, s14  }
0x1e: {  	[tilespmem:s10], [sflag:$0x1] =	stream.indirect.gather [hbm4b:s2+s8], $0x80, s15, s8, $0xb8;
	[tilespmem:$0x7800] =	vst v63  }
0x1f: {  	_ =	swait.ge [sflag:s11], $0x2800  }
0x20: {  	[sflag:s11] =	ssyncset.done $0x0  }
0x21: {  	[sflag:s11] =	ssyncadd.s32 $0xFFFFD800  }
0x22: {  	_ =	swait.ge [sflag:s11], $0x2800  }
.Ltmp0:
0x23: {  	[sflag:s11] =	ssyncset.done $0x0;
	(pc) =	sbr.rel @p0 .LBB2_2-.Ltmp0, $4  }
0x24: {  	s15 =	sadd.s32 s16, s6;
	[sflag:s11] =	ssyncadd.s32 $0xFFFFD800  }
0x25: {  	[hbm4b:s15+s3] =	stream.linear.scatter [tilespmem:s9], [sflag:$0x2], $0x5000, $0x38;
	[tilespmem:$0x7800] =	vst v63  }
0x26: {  	_ =	swait.ge [sflag:s7], $0x5000  }
0x27: {  	[sflag:s7] =	ssyncset.done $0x0  }
0x28: {  	s12 =	sadd.s32 $0x1, s12  }
0x29: {  	p0 =	sne.s32 s12, s5  }
.Ltmp1:
0x2a: {  	_ = 	snop;
	(pc) =	sbr.rel @p0 .LBB2_1-.Ltmp1, $2  }
0x2b: {  	_ =	sdelay $0x2  }
0x2c: {  	[sflag:s7] =	ssyncadd.s32 $0xFFFFB000  }
0x2d: {  	_ =	sfence.sel $0x180000  }
0x2e: {  	[bflag:$0x0] =	sbarrier.arrive $0xFFFF  }
0x2f: {  	p0 =	sne.s32 s0, $0x0;
	_ =	strace $0x9000004D  }
0x30: {  	s0 =	sadd.s32 @!p0 $0x100000, s1;
	[bflag:$0x2] =	sbarrier.arrive $0xFFFF  }
0x31: {  	[sflag:s0] =	ssyncadd.tile.s32 @!p0 $0x1;
	_ =	shalt  }
.Lfunc_end2:
_tile_overlayer_lowered:
.L_overlay_start_2:
0x32: {  	(tag) =	ssettag $0x2  }
0x33: {  	s0 =	rddreg [dreg:$0x0];
	s2 =	stileid.u32  }
0x34: {  	s1 =	rddreg [dreg:$0x1];
	p0 =	sne.s32 s2, $0x0  }
0x35: {  	s3 =	rddreg [dreg:$0x2];
	[bflag:$0x3] =	sbarrier.arrive $0xFFFF;
	s2 =	simm.s32 @!p0 $0x1C02  }
0x36: {  	[timem:s3], [sflag:s2] =	dma.local @!p0 [hbm:s0], s1  }
0x37: {  	s0 =	simm.s32 @!p0 $0x2  }
0x38: {  	_ =	swait.ge @!p0 [sflag:s0], s1  }
0x39: {  	s1 =	ssub.s32 @!p0 $0x0, s1;
	[sflag:s0] =	ssyncset.done @!p0 $0x0  }
0x3a: {  	[sflag:s0] =	ssyncadd.s32 @!p0 s1  }
0x3b: {  	[bflag:$0x3] =	sbarrier.arrive $0xFFFF  }
0x3c: {  	_ =	shalt  }

// kernel: kernel.27.cloned.1.call-start
scs
__scs_entry_jumppad:
0x0: {  	(pc) =	sbr.rel $0x88, $3  }
0x1: {  	(tag) =	ssettag $0x0;
	lr =	simm.s32 $0x1  }
0x2: {  	[smem:$0x3F94] =	sst lr;
	_ =	strace $0xD0000000  }
0x3: {  	_ = 	snop  }
0x4: {  	_ = 	snop  }
0x5: {  	_ = 	snop  }
0x6: {  	_ = 	snop  }
0x7: {  	_ = 	snop  }
__scs_overlays_trampoline_lowered:
0x8: {  	[smem:$0x3FA3] =	sst s0  }
0x9: {  	[smem:$0x3FA4] =	sst s1  }
0xa: {  	[smem:$0x3FA5] =	sst s2  }
0xb: {  	[smem:$0x3FA6] =	sst s3  }
0xc: {  	[smem:$0x3FA7] =	sst s4  }
0xd: {  	[smem:$0x3FA8] =	sst s5  }
0xe: {  	[smem:$0x3FA9] =	sst s6  }
0xf: {  	[smem:$0x3FAA] =	sst s7  }
0x10: {  	[smem:$0x3FAB] =	sst s8  }
0x11: {  	[smem:$0x3FAC] =	sst s9;
	s0 =	simm.s32 @!p0 $0x0  }
0x12: {  	s1 =	sld [smem:$0x3F92];
	s0 =	simm.s32 @p0 $0x1  }
0x13: {  	[smem:$0x3FAD] =	sst s0;
	s0 =	simm.s32 @!p1 $0x0  }
0x14: {  	s2 =	sld [smem:$0x3F91];
	s0 =	simm.s32 @p1 $0x1  }
0x15: {  	[smem:$0x3FAE] =	sst s0;
	s0 =	simm.s32 @!p2 $0x0  }
0x16: {  	s3 =	sld [smem:$0x3FDB];
	s0 =	simm.s32 @p2 $0x1  }
0x17: {  	s4 =	simm.s32 $0x1BF5;
	[smem:$0x3FB0] =	sst s0  }
0x18: {  	s0 =	sld [smem:$0x3F93];
	_ =	swait.ge [sflag:s4], $0x0  }
0x19: {  	s7 =	sld [smem:$0x3F94]  }
0x1a: {  	s8 =	sadd.s32 $0xFFFFE003, lr  }
0x1b: {  	s9 =	sadd.s32 $0xFFFFFEF7, lr;
	s5 =	simm.s32 $0xFFFFFFFF;
	p2 =	slt.u32 s8, $0xFFFFF086  }
0x1c: {  	p1 =	slt.u32 s9, $0xF7A;
	s5 =	simm.s32 @!p2 $0x0  }
0x1d: {  	s5 =	simm.s32 @p1 $0x1;
	p0 =	seq.s32 s7, s2  }
0x1e: {  	s7 =	smul.u32 @!p0 $0xF7A, s2;
	p2 =	seq.s32 @!p0 s5, $0x0  }
0x1f: {  	s9 =	smul.u32 $0xF7A, s1;
	s8 =	simm.s32 @!p0 $0x1BF5;
	p2 =	por !p2, p0  }
0x20: {  	[sflag:s8] =	ssyncset.s32 @!p0 $0xFFFFF086;
	s6 =	sadd.s32 @!p0 s3, s7;
	s7 =	simm.s32 @!p0 $0x108  }
0x21: {  	s3 =	sadd.s32 s3, s9;
	s6 =	sadd.s32 @!p0 $0x88, s6;
	s7 =	simm.s32 @p2 $0x1082  }
0x22: {  	[simem:s7], [sflag:s8] =	dma.local @!p0 [hbm:s6], $0xF7A  }
0x23: {  	s9 =	sor.u32 $0xD0000000, s2;
	s6 =	simm.s32 $0x108;
	_ =	swait.ge @!p0 [sflag:s8], $0x0  }
0x24: {  	s3 =	sadd.s32 $0x88, s3;
	s6 =	simm.s32 @!p1 $0x1082;
	[sflag:s4] =	ssyncset.s32 $0xFFFFF086  }
0x25: {  	[simem:s6], [sflag:s4] =	dma.local [hbm:s3], $0xF7A  }
0x26: {  	[smem:$0x3F94] =	sst s1;
	(tag) =	ssettag s2;
	_ =	strace s9  }
0x27: {  	s1 =	sld [smem:$0x3FA4]  }
0x28: {  	s2 =	sld [smem:$0x3FA5]  }
0x29: {  	s4 =	sld [smem:$0x3FA7]  }
0x2a: {  	p0 =	seq.s32 s5, $0x0;
	s5 =	sld [smem:$0x3FA8]  }
0x2b: {  	s6 =	sld [smem:$0x3FA9]  }
0x2c: {  	s7 =	sld [smem:$0x3FAA]  }
0x2d: {  	s3 =	simm.s32 $0x108;
	s8 =	sld [smem:$0x3FAB]  }
0x2e: {  	s3 =	simm.s32 @!p0 $0x1082;
	s9 =	sld [smem:$0x3FAC]  }
0x2f: {  	lr =	sadd.s32 s0, s3;
	s0 =	sld [smem:$0x3FA3]  }
0x30: {  	s3 =	sld [smem:$0x3FA6]  }
0x31: {  	[smem:$0x3FAF] =	sst s10  }
0x32: {  	s10 =	sld [smem:$0x3FAD];
	_ =	sdelay $0x3  }
0x33: {  	p0 =	seq.s32 s10, $0x1;
	s10 =	sld [smem:$0x3FAF];
	_ =	sdelay $0x3  }
0x34: {  	[smem:$0x3FAF] =	sst s10  }
0x35: {  	s10 =	sld [smem:$0x3FAE];
	_ =	sdelay $0x3  }
0x36: {  	p1 =	seq.s32 s10, $0x1;
	s10 =	sld [smem:$0x3FAF];
	_ =	sdelay $0x3  }
0x37: {  	[smem:$0x3FAF] =	sst s10  }
0x38: {  	s10 =	sld [smem:$0x3FB0]  }
0x39: {  	_ = 	snop;
	(pc) =	sbr.ind lr, $3  }
0x3a: {  	_ = 	snop  }
0x3b: {  	_ = 	snop  }
0x3c: {  	p2 =	seq.s32 s10, $0x1;
	s10 =	sld [smem:$0x3FAF]  }
0x3d: {  	_ =	shalt  }
0x3e: {  	_ =	shalt  }
0x3f: {  	_ =	shalt  }
0x40: {  	_ =	shalt  }
0x41: {  	_ =	shalt  }
0x42: {  	_ =	shalt  }
0x43: {  	_ =	shalt  }
0x44: {  	_ =	shalt  }
0x45: {  	_ =	shalt  }
0x46: {  	_ =	shalt  }
0x47: {  	_ =	shalt  }
0x48: {  	_ =	shalt  }
0x49: {  	_ =	shalt  }
0x4a: {  	_ =	shalt  }
0x4b: {  	_ =	shalt  }
0x4c: {  	_ =	shalt  }
0x4d: {  	_ =	shalt  }
0x4e: {  	_ =	shalt  }
0x4f: {  	_ =	shalt  }
0x50: {  	_ =	shalt  }
0x51: {  	_ =	shalt  }
0x52: {  	_ =	shalt  }
0x53: {  	_ =	shalt  }
0x54: {  	_ =	shalt  }
0x55: {  	_ =	shalt  }
0x56: {  	_ =	shalt  }
0x57: {  	_ =	shalt  }
0x58: {  	_ =	shalt  }
0x59: {  	_ =	shalt  }
0x5a: {  	_ =	shalt  }
0x5b: {  	_ =	shalt  }
0x5c: {  	_ =	shalt  }
0x5d: {  	_ =	shalt  }
0x5e: {  	_ =	shalt  }
0x5f: {  	_ =	shalt  }
0x60: {  	_ =	shalt  }
0x61: {  	_ =	shalt  }
0x62: {  	_ =	shalt  }
0x63: {  	_ =	shalt  }
0x64: {  	_ =	shalt  }
0x65: {  	_ =	shalt  }
0x66: {  	_ =	shalt  }
0x67: {  	_ =	shalt  }
0x68: {  	_ =	shalt  }
0x69: {  	_ =	shalt  }
0x6a: {  	_ =	shalt  }
0x6b: {  	_ =	shalt  }
0x6c: {  	_ =	shalt  }
0x6d: {  	_ =	shalt  }
0x6e: {  	_ =	shalt  }
0x6f: {  	_ =	shalt  }
0x70: {  	_ =	shalt  }
0x71: {  	_ =	shalt  }
0x72: {  	_ =	shalt  }
0x73: {  	_ =	shalt  }
0x74: {  	_ =	shalt  }
0x75: {  	_ =	shalt  }
0x76: {  	_ =	shalt  }
0x77: {  	_ =	shalt  }
0x78: {  	_ =	shalt  }
0x79: {  	_ =	shalt  }
0x7a: {  	_ =	shalt  }
0x7b: {  	_ =	shalt  }
0x7c: {  	_ =	shalt  }
0x7d: {  	_ =	shalt  }
0x7e: {  	_ =	shalt  }
0x7f: {  	_ =	shalt  }
0x80: {  	_ =	shalt  }
0x81: {  	_ =	shalt  }
0x82: {  	_ =	shalt  }
0x83: {  	_ =	shalt  }
0x84: {  	_ =	shalt  }
0x85: {  	_ =	shalt  }
0x86: {  	_ =	shalt  }
0x87: {  	_ =	shalt  }
.Lfunc_end0:
.L_simem_size_0:
called_computation.3_lowered:
.L_overlay_start_0:
0x88: {  	s2 =	sld [smem:$0x3FD9]  }
0x89: {  	s3 =	sld [smem:$0x3FFE];
	_ =	sdelay $0x1  }
0x8a: {  	s1 =	srdreg.scid  }
0x8b: {  	s0 =	sand.u32 $0x1, s1  }
0x8c: {  	s17 =	sshll.u32 s0, $0xA;
	s2 =	sadd.s32 s3, s2  }
0x8d: {  	s2 =	sadd.s32 s2, s17  }
0x8e: {  	[smem:$0x3FBB] =	sst s2  }
0x8f: {  	_ = 	snop  }
0x90: {  	s2 =	sld [smem:$0x3FD0];
	(tm) =	ssettm $0x1  }
0x91: {  	s18 =	sld [smem:$0x3FFB];
	_ =	sdelay $0x3  }
0x92: {  	_ =	strace s18  }
0x93: {  	s3 =	sld [smem:$0x3FFC];
	_ =	sdelay $0x3  }
0x94: {  	_ =	strace s3  }
0x95: {  	s3 =	sld [smem:$0x3FFD];
	_ =	sdelay $0x3  }
0x96: {  	_ =	strace s3  }
0x97: {  	_ =	strace $0x8FFFFFFF  }
0x98: {  	s19 =	sld [smem:$0x3FDB];
	_ =	sdelay $0x1  }
0x99: {  	s4 =	simm.s32 $_scs_section_size  }
0x9a: {  	s5 =	simm.s32 $_size__tile_overlayer_lowered;
	s6 =	simm.s32 $_tile_overlayer_lowered  }
0x9b: {  	s22 =	simm.s32 $0x1BFF;
	s21 =	sshll.u32 s6, $0x1;
	s3 =	sadd.s32 s4, s19  }
0x9c: {  	s7 =	simm.s32 $0x0;
	s20 =	sshll.u32 s5, $0x1;
	s5 =	sadd.s32 s21, s3  }
0x9d: {  	[timem:s7], [sflag:s22] =	dma.local [hbm:s5], s20  }
0x9e: {  	_ =	swait.ge [sflag:s22], s20  }
0x9f: {  	s4 =	ssub.s32 $0x0, s20;
	[sflag:s22] =	ssyncset.done $0x0  }
0xa0: {  	[sflag:s22] =	ssyncadd.s32 s4;
	_ =	sdelay $0x1  }
0xa1: {  	s23 =	simm.s32 $0x1B8B  }
0xa2: {  	_ =	swait.ge [sflag:s23], $0x1  }
0xa3: {  	[sflag:s23] =	ssyncset.done $0x0  }
0xa4: {  	s25 =	simm.s32 $0x1B8E;
	s24 =	sld [smem:$0x3FFE];
	[sflag:s23] =	ssyncadd.s32 $0xFFFFFFFF  }
0xa5: {  	s26 =	simm.s32 $execute0_lowered;
	[smem:$0x3FD2] =	sst s25  }
0xa6: {  	s5 =	sshll.u32 s26, $0x1;
	_ =	strace $0x8000004F;
	[dreg:$0x1] =	wrdreg $0xFFFFFFFF  }
0xa7: {  	s28 =	simm.s32 $_size_execute0_lowered;
	s3 =	sadd.s32 s3, s5;
	[dreg:$0x0] =	wrdreg $0x0  }
0xa8: {  	s5 =	sshll.u32 s28, $0x1;
	[dreg:$0x2] =	wrdreg s3  }
0xa9: {  	[dreg:$0x3] =	wrdreg s5  }
0xaa: {  	[dreg:$0x4] =	wrdreg $0xC0  }
0xab: {  	_ =	task [dreg:s7], $0x5FFFF  }
0xac: {  	[dreg:$0x1] =	wrdreg $0xFFFFFFFF  }
0xad: {  	[dreg:$0x0] =	wrdreg $0x60  }
0xae: {  	[dreg:$0x2] =	wrdreg s2  }
0xaf: {  	[dreg:$0x3] =	wrdreg s24  }
0xb0: {  	[dreg:$0x4] =	wrdreg $0x9  }
0xb1: {  	_ =	task.clear_ibuf [dreg:s7], $0x5FFFF;
	_ =	strace $0x9000004F  }
0xb2: {  	s29 =	simm.s32 $0x9;
	_ =	strace $0x80000051  }
0xb3: {  	_ =	swait.ge [sflag:s29], $0x1  }
0xb4: {  	[sflag:s29] =	ssyncadd.s32 $0xFFFFFFFF  }
0xb5: {  	_ =	strace $0x90000051  }
0xb6: {  	_ =	sfence  }
0xb7: {  	s30 =	sld [smem:$0x0];
	_ =	sdelay $0x2  }
0xb8: {  	s31 =	sshll.u32 s1, $0xD;
	s1 =	sshrl.u32 s1, $0x2  }
0xb9: {  	s3 =	sand.u32 $0x4000, s31;
	s1 =	sadd.s32 s1, s30  }
0xba: {  	s0 =	sor.u32 s3, s0;
	s1 =	sshll.u32 s1, $0x11  }
0xbb: {  	s0 =	sor.u32 s1, s0  }
0xbc: {  	s0 =	sadd.s32 $0x8F2B, s0  }
0xbd: {  	[sflag:s0] =	ssyncadd.remote.s32 $0x1  }
0xbe: {  	_ =	sfence.sel $0xFFFF  }
0xbf: {  	[dreg:$0x0] =	wrdreg $0xFFFFFFFF;
	(pc) =	sbr.abs _section_cstart, $3  }
0xc0: {  	[dreg:$0x1] =	wrdreg $0xFFFFFFFF  }
0xc1: {  	_ =	task.clear_ibuf [dreg:s7], $0x2FFFF;
	_ =	strace $0x9FFFFFFF  }
0xc2: {  	(tm) =	ssettm $0x7FFFFFFF  }
0xc3: {  	_ =	shalt  }
tec
execute0_lowered:
.L_overlay_start_1:
0x0: {  	(tag) =	ssettag $0x1  }
0x1: {  	s1 =	srdreg.scid;
	s2 =	rddreg [dreg:$0x0]  }
0x2: {  	s0 =	stileid.u32;
	s5 =	rddreg [dreg:$0x1];
	s3 =	simm.s32 $0x0  }
0x3: {  	s10 =	simm.s32 $0x5000;
	s11 =	simm.s32 $0x1;
	s4 =	sand.u32 $0x1, s1  }
0x4: {  	s30 =	sshll.u32 s0, $0x1;
	s7 =	smul.u32 $0x50000, s0;
	[smem:$0x7FF] =	sst s3  }
0x5: {  	s1 =	sor.u32 s4, s30;
	s8 =	ssub.s32 $0x2, s4;
	s4 =	smul.u32 $0x28000, s4  }
0x6: {  	s12 =	simm.s32 $0x0;
	s6 =	smul.u32 $0x500, s1;
	s1 =	rddreg [dreg:$0x2]  }
0x7: {  	_ =	strace $0x80000050;
	s7 =	sadd.s32 s7, s5;
	s9 =	sshrl.u32 s8, $0x1  }
0x8: {  	s31 =	ssub.s32 s8, s9;
	s7 =	sadd.s32 s4, s7;
	s8 =	simm.s32 $0x50  }
0x9: {  	s9 =	simm.s32 $0x2800;
	s5 =	sadd.s32 s6, s5;
	s6 =	sadd.s32 $0xDC00, s7  }
0xa: {  	s7 =	simm.s32 $0x2;
	s4 =	sadd.s32 $0x3C00, s5;
	s5 =	smax.u32 s31, $0x1  }
.LBB2_1:
0xb: {  	[tilespmem:s3], [sflag:$0x2] =	stream.linear.gather [hbm4b:s4+s3], $0x2800, $0x38;
	[tilespmem:$0x7800] =	vst v63  }
0xc: {  	_ =	swait.ge [sflag:s7], $0x2800  }
0xd: {  	[sflag:s7] =	ssyncset.done $0x0  }
0xe: {  	[sflag:s7] =	ssyncadd.s32 $0xFFFFD800  }
0xf: {  	[tilespmem:s9], [sflag:$0x1] =	stream.indirect.gather [hbm4b:s2+s8], $0x80, s3, s8, $0xb8;
	[tilespmem:$0x7800] =	vst v63  }
0x10: {  	s13 =	simm.s32 $0x50  }
0x11: {  	[tilespmem:s10], [sflag:$0x1] =	stream.indirect.gather [hbm4b:s2+s8], $0x80, s13, s8, $0xb8;
	[tilespmem:$0x7800] =	vst v63  }
0x12: {  	_ =	swait.ge [sflag:s11], $0x2800  }
0x13: {  	[sflag:s11] =	ssyncset.done $0x0  }
0x14: {  	[sflag:s11] =	ssyncadd.s32 $0xFFFFD800  }
0x15: {  	_ =	swait.ge [sflag:s11], $0x2800  }
0x16: {  	[sflag:s11] =	ssyncset.done $0x0  }
0x17: {  	s31 =	sadd.s32 $0x0, s6;
	[sflag:s11] =	ssyncadd.s32 $0xFFFFD800  }
0x18: {  	[hbm4b:s31+s3] =	stream.linear.scatter [tilespmem:s9], [sflag:$0x2], $0x5000, $0x38;
	[tilespmem:$0x7800] =	vst v63  }
0x19: {  	_ =	swait.ge [sflag:s7], $0x5000  }
0x1a: {  	s14 =	simm.s32 $0x0;
	s13 =	simm.s32 $0xA00;
	[sflag:s7] =	ssyncset.done $0x0  }
.LBB2_2:
0x1b: {  	p0 =	sne.s32 s13, $0x27600;
	[sflag:s7] =	ssyncadd.s32 $0xFFFFB000;
	s14 =	sadd.s32 $0xA0, s14  }
0x1c: {  	[tilespmem:s9], [sflag:$0x1] =	stream.indirect.gather [hbm4b:s2+s8], $0x80, s14, s8, $0xb8;
	[tilespmem:$0x7800] =	vst v63  }
0x1d: {  	s16 =	smov.u32 s13;
	s13 =	sadd.s32 $0xA00, s13;
	s15 =	sadd.s32 $0x50, s14  }
0x1e: {  	[tilespmem:s10], [sflag:$0x1] =	stream.indirect.gather [hbm4b:s2+s8], $0x80, s15, s8, $0xb8;
	[tilespmem:$0x7800] =	vst v63  }
0x1f: {  	_ =	swait.ge [sflag:s11], $0x2800  }
0x20: {  	[sflag:s11] =	ssyncset.done $0x0  }
0x21: {  	[sflag:s11] =	ssyncadd.s32 $0xFFFFD800  }
0x22: {  	_ =	swait.ge [sflag:s11], $0x2800  }
.Ltmp0:
0x23: {  	[sflag:s11] =	ssyncset.done $0x0;
	(pc) =	sbr.rel @p0 .LBB2_2-.Ltmp0, $4  }
0x24: {  	s15 =	sadd.s32 s16, s6;
	[sflag:s11] =	ssyncadd.s32 $0xFFFFD800  }
0x25: {  	[hbm4b:s15+s3] =	stream.linear.scatter [tilespmem:s9], [sflag:$0x2], $0x5000, $0x38;
	[tilespmem:$0x7800] =	vst v63  }
0x26: {  	_ =	swait.ge [sflag:s7], $0x5000  }
0x27: {  	[sflag:s7] =	ssyncset.done $0x0  }
0x28: {  	s12 =	sadd.s32 $0x1, s12  }
0x29: {  	p0 =	sne.s32 s12, s5  }
.Ltmp1:
0x2a: {  	_ = 	snop;
	(pc) =	sbr.rel @p0 .LBB2_1-.Ltmp1, $2  }
0x2b: {  	_ =	sdelay $0x2  }
0x2c: {  	[sflag:s7] =	ssyncadd.s32 $0xFFFFB000  }
0x2d: {  	_ =	sfence.sel $0x180000  }
0x2e: {  	[bflag:$0x0] =	sbarrier.arrive $0xFFFF  }
0x2f: {  	p0 =	sne.s32 s0, $0x0;
	_ =	strace $0x90000050  }
0x30: {  	s0 =	sadd.s32 @!p0 $0x100000, s1;
	[bflag:$0x2] =	sbarrier.arrive $0xFFFF  }
0x31: {  	[sflag:s0] =	ssyncadd.tile.s32 @!p0 $0x1;
	_ =	shalt  }
.Lfunc_end2:
_tile_overlayer_lowered:
.L_overlay_start_2:
0x32: {  	(tag) =	ssettag $0x2  }
0x33: {  	s0 =	rddreg [dreg:$0x0];
	s2 =	stileid.u32  }
0x34: {  	s1 =	rddreg [dreg:$0x1];
	p0 =	sne.s32 s2, $0x0  }
0x35: {  	s3 =	rddreg [dreg:$0x2];
	[bflag:$0x3] =	sbarrier.arrive $0xFFFF;
	s2 =	simm.s32 @!p0 $0x1C02  }
0x36: {  	[timem:s3], [sflag:s2] =	dma.local @!p0 [hbm:s0], s1  }
0x37: {  	s0 =	simm.s32 @!p0 $0x2  }
0x38: {  	_ =	swait.ge @!p0 [sflag:s0], s1  }
0x39: {  	s1 =	ssub.s32 @!p0 $0x0, s1;
	[sflag:s0] =	ssyncset.done @!p0 $0x0  }
0x3a: {  	[sflag:s0] =	ssyncadd.s32 @!p0 s1  }
0x3b: {  	[bflag:$0x3] =	sbarrier.arrive $0xFFFF  }
0x3c: {  	_ =	shalt  }

</sc_bundles>
